<compile_context>
chip_gen: v7x
topology: tpu7x:2x2x1
jax: 0.10.2.dev20260603
libtpu: 0.0.44.dev20260713+nightly
codegen_flags: <defaults>
</compile_context>

<pallas_src>
import functools

import jax
import jax.numpy as jnp
from jax import lax
from jax.experimental import pallas as pl
from jax.experimental.pallas import tpu as pltpu
from jax.experimental.pallas import tpu_sc as plsc

N_NODES = 10000
N_FEAT = 128
N_EDGES = 320000

NUM_CORES = 2
NUM_SUBCORES = 16
NUM_WORKERS = NUM_CORES * NUM_SUBCORES
EDGES_PER_WORKER = N_EDGES // NUM_WORKERS
CHUNK = 96
N_CHUNKS = -(-EDGES_PER_WORKER // CHUNK)
N_PAIRS = N_CHUNKS // 2
LAST_BASE = EDGES_PER_WORKER - CHUNK


def _scale_body(h_ref, r_ref, o_ref):
    o_ref[...] = h_ref[...] * r_ref[...]


def _scale_h_by_r(h, r):
    return pl.pallas_call(
        _scale_body,
        out_shape=jax.ShapeDtypeStruct((N_NODES, N_FEAT), jnp.float32),
    )(h, r.reshape(1, N_FEAT))


_mesh = plsc.VectorSubcoreMesh(core_axis_name="c", subcore_axis_name="s")


@functools.partial(
    pl.kernel,
    mesh=_mesh,
    out_type=jax.ShapeDtypeStruct((N_EDGES,), jnp.float32),
    scratch_types=[
        pltpu.VMEM((CHUNK,), jnp.int32),
        pltpu.VMEM((CHUNK,), jnp.int32),
        pltpu.VMEM((CHUNK,), jnp.int32),
        pltpu.VMEM((CHUNK,), jnp.int32),
        pltpu.VMEM((CHUNK, N_FEAT), jnp.float32),
        pltpu.VMEM((CHUNK, N_FEAT), jnp.float32),
        pltpu.VMEM((CHUNK, N_FEAT), jnp.float32),
        pltpu.VMEM((CHUNK, N_FEAT), jnp.float32),
        pltpu.VMEM((CHUNK,), jnp.float32),
        pltpu.VMEM((CHUNK,), jnp.float32),
        pltpu.SemaphoreType.DMA,
        pltpu.SemaphoreType.DMA,
        pltpu.SemaphoreType.DMA,
        pltpu.SemaphoreType.DMA,
        pltpu.SemaphoreType.DMA,
        pltpu.SemaphoreType.DMA,
        pltpu.SemaphoreType.DMA,
        pltpu.SemaphoreType.DMA,
        pltpu.VMEM_SHARED((N_NODES, N_FEAT), jnp.float32),
    ],
)
def _edge_scores(hr_hbm, h_hbm, ei_hbm, out_hbm,
                 iu0, iu1, iv0, iv1, u0, u1, v0, v1, out0, out1,
                 sem_u0, sem_u1, sem_v0, sem_v1, sem_o0, sem_o1,
                 sem_i0, sem_i1, hr_sp):
    sid = lax.axis_index("s")
    wid = sid * NUM_CORES + lax.axis_index("c")
    base0 = wid * EDGES_PER_WORKER
    lanes = lax.iota(jnp.int32, 16)

    @pl.when(sid < 15)
    def _():
        pltpu.sync_copy(hr_hbm.at[pl.ds(sid * 640, 640), :],
                        hr_sp.at[pl.ds(sid * 640, 640), :])

    @pl.when(sid == 15)
    def _():
        pltpu.sync_copy(hr_hbm.at[pl.ds(9600, 400), :],
                        hr_sp.at[pl.ds(9600, 400), :])

    plsc.subcore_barrier()

    def fetch_idx(base, iu, iv, sem):
        pltpu.async_copy(ei_hbm.at[pl.ds(base0 + base, CHUNK)], iu, sem)
        pltpu.async_copy(ei_hbm.at[pl.ds(N_EDGES + base0 + base, CHUNK)], iv, sem)

    def drain_idx(iu, iv, sem):
        pltpu.make_async_copy(ei_hbm.at[pl.ds(base0, CHUNK)], iu, sem).wait()
        pltpu.make_async_copy(ei_hbm.at[pl.ds(base0, CHUNK)], iv, sem).wait()

    def gathers(iu, iv, u_buf, v_buf, su, sv):
        cu = pltpu.async_copy(hr_sp.at[iu], u_buf, su)
        cv = pltpu.async_copy(h_hbm.at[iv], v_buf, sv)
        return cu, cv

    msk8 = lanes < 8
    msk4 = (lanes & 4) == 0
    quad_pat = (lanes & 1) * 8 + ((lanes >> 1) & 1) * 4

    def step(v, sh):
        return v + jnp.take(v, lanes ^ sh)

    def compute(u_buf, v_buf, out_buf):
        def quad_body(k, scores):
            q = k & 3
            accs = []
            for t in range(4):
                e = k * 4 + t
                p = [u_buf[e, pl.ds(16 * j, 16)] * v_buf[e, pl.ds(16 * j, 16)]
                     for j in range(N_FEAT // 16)]
                accs.append(((p[0] + p[1]) + (p[2] + p[3]))
                            + ((p[4] + p[5]) + (p[6] + p[7])))
            m0 = jnp.where(msk8, step(accs[0], 8), step(accs[1], 8))
            m1 = jnp.where(msk8, step(accs[2], 8), step(accs[3], 8))
            n = jnp.where(msk4, step(m0, 4), step(m1, 4))
            full = step(step(n, 2), 1)
            scores = jnp.where(q == 0, jnp.zeros((16,), jnp.float32), scores)
            scores = jnp.where((lanes >> 2) == q, jnp.take(full, quad_pat), scores)
            out_buf[pl.ds((k >> 2) * 16, 16)] = scores
            return scores

        lax.fori_loop(0, CHUNK // 4, quad_body, jnp.zeros((16,), jnp.float32))

    def writeback(base, out_buf, sem):
        return pltpu.async_copy(out_buf, out_hbm.at[pl.ds(base0 + base, CHUNK)], sem)

    def reclaim(out_buf, sem):
        pltpu.make_async_copy(out_buf, out_hbm.at[pl.ds(base0, CHUNK)], sem).wait()

    fetch_idx(0, iu0, iv0, sem_i0)
    drain_idx(iu0, iv0, sem_i0)
    cu, cv = gathers(iu0, iv0, u0, v0, sem_u0, sem_v0)
    fetch_idx(CHUNK, iu1, iv1, sem_i1)
    cu.wait()
    cv.wait()

    def pair_body(i, carry):
        c0_base = (2 * i) * CHUNK
        c1_base = c0_base + CHUNK
        n0_base = jnp.minimum(c0_base + 2 * CHUNK, LAST_BASE)
        n1_base = jnp.minimum(c0_base + 3 * CHUNK, LAST_BASE)

        drain_idx(iu1, iv1, sem_i1)
        cu1, cv1 = gathers(iu1, iv1, u1, v1, sem_u1, sem_v1)
        fetch_idx(n0_base, iu0, iv0, sem_i0)

        @pl.when(i > 0)
        def _():
            reclaim(out0, sem_o0)

        compute(u0, v0, out0)
        writeback(c0_base, out0, sem_o0)
        cu1.wait()
        cv1.wait()

        drain_idx(iu0, iv0, sem_i0)
        cu0, cv0 = gathers(iu0, iv0, u0, v0, sem_u0, sem_v0)
        fetch_idx(n1_base, iu1, iv1, sem_i1)

        @pl.when(i > 0)
        def _():
            reclaim(out1, sem_o1)

        compute(u1, v1, out1)
        writeback(c1_base, out1, sem_o1)
        cu0.wait()
        cv0.wait()
        return carry

    lax.fori_loop(0, N_PAIRS, pair_body, 0)

    drain_idx(iu1, iv1, sem_i1)
    reclaim(out0, sem_o0)
    compute(u0, v0, out0)
    cp = writeback(LAST_BASE, out0, sem_o0)
    reclaim(out1, sem_o1)
    cp.wait()


def kernel(h, edge_index, r):
    hr = _scale_h_by_r(h, r)
    return _edge_scores(hr, h, edge_index.reshape(-1))

# --- scband reference (transcript-rebuilt; emitter-appended) ---
"""Pipeline reference for scband-score-predictor-24721831756410 (READ-ONLY COPY).

The authoritative reference and input builder live on the scoring server;
editing this copy changes nothing except your own understanding.
"""

import jax, jax.numpy as jnp
import numpy as np


def setup_inputs(seed: int = 0) -> dict:
    key = jax.random.key(seed)
    k1, k2 = jax.random.split(key, 2)
    h = jax.random.normal(k1, (10000, 128), dtype=jnp.float32)
    edge_index = jax.random.randint(k2, (2, 320000), 0, 10000, dtype=jnp.int32)
    r = jnp.ones((128,), dtype=jnp.float32)
    return {"h": h, "edge_index": edge_index, "r": r}


def reference(h, edge_index, r):
    # DGL apply_edges(fn.u_mul_v('h','h','score')) on target etype:
    # per-edge elementwise product of src and dst node features,
    # then weighted sum over the feature dim with learned vector r.
    src = edge_index[0]
    dst = edge_index[1]
    h_u = jnp.take(h, src, axis=0)   # gather src features [E, d]
    h_v = jnp.take(h, dst, axis=0)   # gather dst features [E, d]
    score = jnp.sum(h_u * h_v * r, axis=-1)  # [E]
    return score

if __name__ == "__main__":
    import jax
    _d = setup_inputs()
    print(jax.jit(kernel)(*tuple(_d.values())))

</pallas_src>

<mosaic_0001>
#map = affine_map<(d0, d1) -> (0, 0)>
#map1 = affine_map<(d0, d1) -> (0)>
module attributes {stable_mosaic.version = 14 : i64} {
  func.func @_edge_scores(%arg0: i32, %arg1: i32, %arg2: memref<10000x128xf32, #tpu.memory_space<hbm>>, %arg3: memref<10000x128xf32, #tpu.memory_space<hbm>>, %arg4: memref<640000xi32, #tpu.memory_space<hbm>>, %arg5: memref<320000xf32, #tpu.memory_space<hbm>>, %arg6: memref<96xi32, #tpu.memory_space<vmem>>, %arg7: memref<96xi32, #tpu.memory_space<vmem>>, %arg8: memref<96xi32, #tpu.memory_space<vmem>>, %arg9: memref<96xi32, #tpu.memory_space<vmem>>, %arg10: memref<96x128xf32, #tpu.memory_space<vmem>>, %arg11: memref<96x128xf32, #tpu.memory_space<vmem>>, %arg12: memref<96x128xf32, #tpu.memory_space<vmem>>, %arg13: memref<96x128xf32, #tpu.memory_space<vmem>>, %arg14: memref<96xf32, #tpu.memory_space<vmem>>, %arg15: memref<96xf32, #tpu.memory_space<vmem>>, %arg16: memref<!tpu.dma_semaphore, #tpu.memory_space<semaphore_mem>>, %arg17: memref<!tpu.dma_semaphore, #tpu.memory_space<semaphore_mem>>, %arg18: memref<!tpu.dma_semaphore, #tpu.memory_space<semaphore_mem>>, %arg19: memref<!tpu.dma_semaphore, #tpu.memory_space<semaphore_mem>>, %arg20: memref<!tpu.dma_semaphore, #tpu.memory_space<semaphore_mem>>, %arg21: memref<!tpu.dma_semaphore, #tpu.memory_space<semaphore_mem>>, %arg22: memref<!tpu.dma_semaphore, #tpu.memory_space<semaphore_mem>>, %arg23: memref<!tpu.dma_semaphore, #tpu.memory_space<semaphore_mem>>, %arg24: memref<10000x128xf32, #tpu.memory_space<vmem_shared>>) attributes {dimension_semantics = [#tpu.dimension_semantics<core_parallel>, #tpu.dimension_semantics<subcore_parallel>], iteration_bounds = array<i64: 2, 16>, scalar_prefetch = 0 : i64, scratch_operands = 19 : i64, tpu.core_type = #tpu.core_type<sc_vector_subcore>, window_params = [{transform_indices = #map}, {transform_indices = #map}, {transform_indices = #map1}, {transform_indices = #map1}]} {
    %mul3A = arith.constant 2 : i32
    %mul3A_0 = arith.muli %arg1, %mul3A : i32
    %add3A = arith.addi %mul3A_0, %arg0 : i32
    %mul3A_1 = arith.constant 10000 : i32
    %mul3A_2 = arith.muli %add3A, %mul3A_1 : i32
    %iota3A = tpu.iota {dimensions = array<i32: 0>} : vector<16xi32>
    %lt3A = arith.constant 15 : i32
    %lt3A_3 = arith.cmpi slt, %arg1, %lt3A : i32
    %convert_element_type3A = arith.extui %lt3A_3 : i1 to i32
    %cond3A = arith.constant 0 : i32
    %cond3A_4 = arith.cmpi ne, %convert_element_type3A, %cond3A : i32
    scf.if %cond3A_4 {
      %mul3A_92 = arith.constant 640 : i32
      %mul3A_93 = arith.muli %arg1, %mul3A_92 : i32
      %mul3A_94 = arith.constant 640 : i32
      %mul3A_95 = arith.muli %arg1, %mul3A_94 : i32
      "tpu.region"() ({
        %run_scoped3A = tpu.sem_alloc : memref<!tpu.dma_semaphore, #tpu.memory_space<semaphore_mem>>
        %dma_start3A_96 = arith.constant 0 : i32
        %dma_start3A_97 = tpu.memref_slice %arg24[%mul3A_95, %dma_start3A_96] : memref<10000x128xf32, #tpu.memory_space<vmem_shared>> -> memref<640x128xf32, #tpu.memory_space<vmem_shared>>
        %dma_start3A_98 = arith.constant 0 : i32
        %dma_start3A_99 = tpu.memref_slice %arg2[%mul3A_93, %dma_start3A_98] : memref<10000x128xf32, #tpu.memory_space<hbm>> -> memref<640x128xf32, #tpu.memory_space<hbm>>
        tpu.enqueue_dma source(%dma_start3A_99 : memref<640x128xf32, #tpu.memory_space<hbm>>) target(%dma_start3A_97 : memref<640x128xf32, #tpu.memory_space<vmem_shared>>) target_semaphore(%run_scoped3A : memref<!tpu.dma_semaphore, #tpu.memory_space<semaphore_mem>>)
        %dma_wait3A_100 = arith.constant 0 : i32
        %dma_wait3A_101 = tpu.memref_slice %arg24[%mul3A_95, %dma_wait3A_100] : memref<10000x128xf32, #tpu.memory_space<vmem_shared>> -> memref<640x128xf32, #tpu.memory_space<vmem_shared>>
        %dma_wait3A_102 = arith.constant 0 : i32
        %dma_wait3A_103 = tpu.memref_slice %arg2[%mul3A_93, %dma_wait3A_102] : memref<10000x128xf32, #tpu.memory_space<hbm>> -> memref<640x128xf32, #tpu.memory_space<hbm>>
        tpu.wait_dma2 semaphore(%run_scoped3A : memref<!tpu.dma_semaphore, #tpu.memory_space<semaphore_mem>>) src(%dma_wait3A_103 : memref<640x128xf32, #tpu.memory_space<hbm>>) dst(%dma_wait3A_101 : memref<640x128xf32, #tpu.memory_space<vmem_shared>>)
        tpu.yield
      }) : () -> ()
    } else {
    }
    %eq3A = arith.constant 15 : i32
    %eq3A_5 = arith.cmpi eq, %arg1, %eq3A : i32
    %convert_element_type3A_6 = arith.extui %eq3A_5 : i1 to i32
    %cond3A_7 = arith.constant 0 : i32
    %cond3A_8 = arith.cmpi ne, %convert_element_type3A_6, %cond3A_7 : i32
    scf.if %cond3A_8 {
      "tpu.region"() ({
        %run_scoped3A = tpu.sem_alloc : memref<!tpu.dma_semaphore, #tpu.memory_space<semaphore_mem>>
        %dma_start3A_92 = arith.constant 9600 : i32
        %dma_start3A_93 = arith.constant 0 : i32
        %dma_start3A_94 = tpu.memref_slice %arg24[%dma_start3A_92, %dma_start3A_93] : memref<10000x128xf32, #tpu.memory_space<vmem_shared>> -> memref<400x128xf32, #tpu.memory_space<vmem_shared>>
        %dma_start3A_95 = arith.constant 9600 : i32
        %dma_start3A_96 = arith.constant 0 : i32
        %dma_start3A_97 = tpu.memref_slice %arg2[%dma_start3A_95, %dma_start3A_96] : memref<10000x128xf32, #tpu.memory_space<hbm>> -> memref<400x128xf32, #tpu.memory_space<hbm>>
        tpu.enqueue_dma source(%dma_start3A_97 : memref<400x128xf32, #tpu.memory_space<hbm>>) target(%dma_start3A_94 : memref<400x128xf32, #tpu.memory_space<vmem_shared>>) target_semaphore(%run_scoped3A : memref<!tpu.dma_semaphore, #tpu.memory_space<semaphore_mem>>)
        %dma_wait3A_98 = arith.constant 9600 : i32
        %dma_wait3A_99 = arith.constant 0 : i32
        %dma_wait3A_100 = tpu.memref_slice %arg24[%dma_wait3A_98, %dma_wait3A_99] : memref<10000x128xf32, #tpu.memory_space<vmem_shared>> -> memref<400x128xf32, #tpu.memory_space<vmem_shared>>
        %dma_wait3A_101 = arith.constant 9600 : i32
        %dma_wait3A_102 = arith.constant 0 : i32
        %dma_wait3A_103 = tpu.memref_slice %arg2[%dma_wait3A_101, %dma_wait3A_102] : memref<10000x128xf32, #tpu.memory_space<hbm>> -> memref<400x128xf32, #tpu.memory_space<hbm>>
        tpu.wait_dma2 semaphore(%run_scoped3A : memref<!tpu.dma_semaphore, #tpu.memory_space<semaphore_mem>>) src(%dma_wait3A_103 : memref<400x128xf32, #tpu.memory_space<hbm>>) dst(%dma_wait3A_100 : memref<400x128xf32, #tpu.memory_space<vmem_shared>>)
        tpu.yield
      }) : () -> ()
    } else {
    }
    %barrier3A = arith.constant 0 : index
    tpu.barrier barrier_id(%barrier3A)
    %lt3A_9 = arith.constant 8 : i32
    %lt3A_10 = vector.broadcast %lt3A_9 : i32 to vector<16xi32>
    %lt3A_11 = arith.cmpi slt, %iota3A, %lt3A_10 : vector<16xi32>
    %and3A = arith.constant 4 : i32
    %and3A_12 = vector.broadcast %and3A : i32 to vector<16xi32>
    %and3A_13 = arith.andi %iota3A, %and3A_12 : vector<16xi32>
    %eq3A_14 = arith.constant 0 : i32
    %eq3A_15 = vector.broadcast %eq3A_14 : i32 to vector<16xi32>
    %eq3A_16 = arith.cmpi eq, %and3A_13, %eq3A_15 : vector<16xi32>
    %and3A_17 = arith.constant 1 : i32
    %and3A_18 = vector.broadcast %and3A_17 : i32 to vector<16xi32>
    %and3A_19 = arith.andi %iota3A, %and3A_18 : vector<16xi32>
    %mul3A_20 = arith.constant 8 : i32
    %mul3A_21 = vector.broadcast %mul3A_20 : i32 to vector<16xi32>
    %mul3A_22 = arith.muli %and3A_19, %mul3A_21 : vector<16xi32>
    %shift_right_arithmetic3A = arith.constant 1 : i32
    %shift_right_arithmetic3A_23 = vector.broadcast %shift_right_arithmetic3A : i32 to vector<16xi32>
    %shift_right_arithmetic3A_24 = arith.shrsi %iota3A, %shift_right_arithmetic3A_23 : vector<16xi32>
    %and3A_25 = arith.constant 1 : i32
    %and3A_26 = vector.broadcast %and3A_25 : i32 to vector<16xi32>
    %and3A_27 = arith.andi %shift_right_arithmetic3A_24, %and3A_26 : vector<16xi32>
    %mul3A_28 = arith.constant 4 : i32
    %mul3A_29 = vector.broadcast %mul3A_28 : i32 to vector<16xi32>
    %mul3A_30 = arith.muli %and3A_27, %mul3A_29 : vector<16xi32>
    %add3A_31 = arith.addi %mul3A_22, %mul3A_30 : vector<16xi32>
    %add3A_32 = arith.constant 0 : i32
    %add3A_33 = arith.addi %mul3A_2, %add3A_32 : i32
    %dma_start3A = tpu.memref_slice %arg4[%add3A_33] : memref<640000xi32, #tpu.memory_space<hbm>> -> memref<96xi32, #tpu.memory_space<hbm>>
    %dma_start3A_34 = tpu.memref_slice %arg4[%add3A_33] : memref<640000xi32, #tpu.memory_space<hbm>> -> memref<96xi32, #tpu.memory_space<hbm>>
    tpu.enqueue_dma source(%dma_start3A_34 : memref<96xi32, #tpu.memory_space<hbm>>) target(%arg6 : memref<96xi32, #tpu.memory_space<vmem>>) target_semaphore(%arg22 : memref<!tpu.dma_semaphore, #tpu.memory_space<semaphore_mem>>)
    %add3A_35 = arith.constant 320000 : i32
    %add3A_36 = arith.addi %add3A_35, %mul3A_2 : i32
    %add3A_37 = arith.constant 0 : i32
    %add3A_38 = arith.addi %add3A_36, %add3A_37 : i32
    %dma_start3A_39 = tpu.memref_slice %arg4[%add3A_38] : memref<640000xi32, #tpu.memory_space<hbm>> -> memref<96xi32, #tpu.memory_space<hbm>>
    %dma_start3A_40 = tpu.memref_slice %arg4[%add3A_38] : memref<640000xi32, #tpu.memory_space<hbm>> -> memref<96xi32, #tpu.memory_space<hbm>>
    tpu.enqueue_dma source(%dma_start3A_40 : memref<96xi32, #tpu.memory_space<hbm>>) target(%arg8 : memref<96xi32, #tpu.memory_space<vmem>>) target_semaphore(%arg22 : memref<!tpu.dma_semaphore, #tpu.memory_space<semaphore_mem>>)
    %dma_wait3A = tpu.memref_slice %arg4[%mul3A_2] : memref<640000xi32, #tpu.memory_space<hbm>> -> memref<96xi32, #tpu.memory_space<hbm>>
    %dma_wait3A_41 = tpu.memref_slice %arg4[%mul3A_2] : memref<640000xi32, #tpu.memory_space<hbm>> -> memref<96xi32, #tpu.memory_space<hbm>>
    tpu.wait_dma2 semaphore(%arg22 : memref<!tpu.dma_semaphore, #tpu.memory_space<semaphore_mem>>) src(%dma_wait3A_41 : memref<96xi32, #tpu.memory_space<hbm>>) dst(%arg6 : memref<96xi32, #tpu.memory_space<vmem>>)
    %dma_wait3A_42 = tpu.memref_slice %arg4[%mul3A_2] : memref<640000xi32, #tpu.memory_space<hbm>> -> memref<96xi32, #tpu.memory_space<hbm>>
    %dma_wait3A_43 = tpu.memref_slice %arg4[%mul3A_2] : memref<640000xi32, #tpu.memory_space<hbm>> -> memref<96xi32, #tpu.memory_space<hbm>>
    tpu.wait_dma2 semaphore(%arg22 : memref<!tpu.dma_semaphore, #tpu.memory_space<semaphore_mem>>) src(%dma_wait3A_43 : memref<96xi32, #tpu.memory_space<hbm>>) dst(%arg8 : memref<96xi32, #tpu.memory_space<vmem>>)
    %dma_start3A_44 = arith.constant 0 : i32
    %dma_start3A_45 = arith.constant 0 : i32
    %dma_start3A_46 = tpu.memref_slice %arg24[%dma_start3A_44, %dma_start3A_45] : memref<10000x128xf32, #tpu.memory_space<vmem_shared>> -> memref<10000x128xf32, #tpu.memory_space<vmem_shared>>
    tpu.enqueue_indirect_dma source(%dma_start3A_46 : memref<10000x128xf32, #tpu.memory_space<vmem_shared>>) target(%arg10 : memref<96x128xf32, #tpu.memory_space<vmem>>) offsets(%arg6 : memref<96xi32, #tpu.memory_space<vmem>>) semaphore(%arg16 : memref<!tpu.dma_semaphore, #tpu.memory_space<semaphore_mem>>)
    %dma_start3A_47 = arith.constant 0 : i32
    %dma_start3A_48 = arith.constant 0 : i32
    %dma_start3A_49 = tpu.memref_slice %arg3[%dma_start3A_47, %dma_start3A_48] : memref<10000x128xf32, #tpu.memory_space<hbm>> -> memref<10000x128xf32, #tpu.memory_space<hbm>>
    tpu.enqueue_indirect_dma source(%dma_start3A_49 : memref<10000x128xf32, #tpu.memory_space<hbm>>) target(%arg12 : memref<96x128xf32, #tpu.memory_space<vmem>>) offsets(%arg8 : memref<96xi32, #tpu.memory_space<vmem>>) semaphore(%arg18 : memref<!tpu.dma_semaphore, #tpu.memory_space<semaphore_mem>>)
    %add3A_50 = arith.constant 96 : i32
    %add3A_51 = arith.addi %mul3A_2, %add3A_50 : i32
    %dma_start3A_52 = tpu.memref_slice %arg4[%add3A_51] : memref<640000xi32, #tpu.memory_space<hbm>> -> memref<96xi32, #tpu.memory_space<hbm>>
    %dma_start3A_53 = tpu.memref_slice %arg4[%add3A_51] : memref<640000xi32, #tpu.memory_space<hbm>> -> memref<96xi32, #tpu.memory_space<hbm>>
    tpu.enqueue_dma source(%dma_start3A_53 : memref<96xi32, #tpu.memory_space<hbm>>) target(%arg7 : memref<96xi32, #tpu.memory_space<vmem>>) target_semaphore(%arg23 : memref<!tpu.dma_semaphore, #tpu.memory_space<semaphore_mem>>)
    %add3A_54 = arith.constant 320000 : i32
    %add3A_55 = arith.addi %add3A_54, %mul3A_2 : i32
    %add3A_56 = arith.constant 96 : i32
    %add3A_57 = arith.addi %add3A_55, %add3A_56 : i32
    %dma_start3A_58 = tpu.memref_slice %arg4[%add3A_57] : memref<640000xi32, #tpu.memory_space<hbm>> -> memref<96xi32, #tpu.memory_space<hbm>>
    %dma_start3A_59 = tpu.memref_slice %arg4[%add3A_57] : memref<640000xi32, #tpu.memory_space<hbm>> -> memref<96xi32, #tpu.memory_space<hbm>>
    tpu.enqueue_dma source(%dma_start3A_59 : memref<96xi32, #tpu.memory_space<hbm>>) target(%arg9 : memref<96xi32, #tpu.memory_space<vmem>>) target_semaphore(%arg23 : memref<!tpu.dma_semaphore, #tpu.memory_space<semaphore_mem>>)
    %dma_wait3A_60 = arith.constant 0 : i32
    %dma_wait3A_61 = arith.constant 0 : i32
    %dma_wait3A_62 = tpu.memref_slice %arg24[%dma_wait3A_60, %dma_wait3A_61] : memref<10000x128xf32, #tpu.memory_space<vmem_shared>> -> memref<10000x128xf32, #tpu.memory_space<vmem_shared>>
    tpu.wait_indirect_dma semaphore(%arg16 : memref<!tpu.dma_semaphore, #tpu.memory_space<semaphore_mem>>) src(%dma_wait3A_62 : memref<10000x128xf32, #tpu.memory_space<vmem_shared>>) dst(%arg10 : memref<96x128xf32, #tpu.memory_space<vmem>>)
    %dma_wait3A_63 = arith.constant 0 : i32
    %dma_wait3A_64 = arith.constant 0 : i32
    %dma_wait3A_65 = tpu.memref_slice %arg3[%dma_wait3A_63, %dma_wait3A_64] : memref<10000x128xf32, #tpu.memory_space<hbm>> -> memref<10000x128xf32, #tpu.memory_space<hbm>>
    tpu.wait_indirect_dma semaphore(%arg18 : memref<!tpu.dma_semaphore, #tpu.memory_space<semaphore_mem>>) src(%dma_wait3A_65 : memref<10000x128xf32, #tpu.memory_space<hbm>>) dst(%arg12 : memref<96x128xf32, #tpu.memory_space<vmem>>)
    %scan3A = arith.constant 0 : i32
    %scan3A_66 = arith.constant 0 : i32
    %scan3A_67 = arith.constant 52 : i32
    %scan3A_68 = arith.addi %scan3A_66, %scan3A_67 : i32
    %scan3A_69 = arith.constant 1 : i32
    scf.for %scan3A_92 = %scan3A_66 to %scan3A_68 step %scan3A_69  : i32 {
      %mul3A_93 = arith.constant 2 : i32
      %mul3A_94 = arith.muli %mul3A_93, %scan3A_92 : i32
      %mul3A_95 = arith.constant 96 : i32
      %mul3A_96 = arith.muli %mul3A_94, %mul3A_95 : i32
      %add3A_97 = arith.constant 96 : i32
      %add3A_98 = arith.addi %mul3A_96, %add3A_97 : i32
      %add3A_99 = arith.constant 192 : i32
      %add3A_100 = arith.addi %mul3A_96, %add3A_99 : i32
      %min3A = arith.constant 9904 : i32
      %min3A_101 = arith.minsi %add3A_100, %min3A : i32
      %add3A_102 = arith.constant 288 : i32
      %add3A_103 = arith.addi %mul3A_96, %add3A_102 : i32
      %min3A_104 = arith.constant 9904 : i32
      %min3A_105 = arith.minsi %add3A_103, %min3A_104 : i32
      %dma_wait3A_106 = tpu.memref_slice %arg4[%mul3A_2] : memref<640000xi32, #tpu.memory_space<hbm>> -> memref<96xi32, #tpu.memory_space<hbm>>
      %dma_wait3A_107 = tpu.memref_slice %arg4[%mul3A_2] : memref<640000xi32, #tpu.memory_space<hbm>> -> memref<96xi32, #tpu.memory_space<hbm>>
      tpu.wait_dma2 semaphore(%arg23 : memref<!tpu.dma_semaphore, #tpu.memory_space<semaphore_mem>>) src(%dma_wait3A_107 : memref<96xi32, #tpu.memory_space<hbm>>) dst(%arg7 : memref<96xi32, #tpu.memory_space<vmem>>)
      %dma_wait3A_108 = tpu.memref_slice %arg4[%mul3A_2] : memref<640000xi32, #tpu.memory_space<hbm>> -> memref<96xi32, #tpu.memory_space<hbm>>
      %dma_wait3A_109 = tpu.memref_slice %arg4[%mul3A_2] : memref<640000xi32, #tpu.memory_space<hbm>> -> memref<96xi32, #tpu.memory_space<hbm>>
      tpu.wait_dma2 semaphore(%arg23 : memref<!tpu.dma_semaphore, #tpu.memory_space<semaphore_mem>>) src(%dma_wait3A_109 : memref<96xi32, #tpu.memory_space<hbm>>) dst(%arg9 : memref<96xi32, #tpu.memory_space<vmem>>)
      %dma_start3A_110 = arith.constant 0 : i32
      %dma_start3A_111 = arith.constant 0 : i32
      %dma_start3A_112 = tpu.memref_slice %arg24[%dma_start3A_110, %dma_start3A_111] : memref<10000x128xf32, #tpu.memory_space<vmem_shared>> -> memref<10000x128xf32, #tpu.memory_space<vmem_shared>>
      tpu.enqueue_indirect_dma source(%dma_start3A_112 : memref<10000x128xf32, #tpu.memory_space<vmem_shared>>) target(%arg11 : memref<96x128xf32, #tpu.memory_space<vmem>>) offsets(%arg7 : memref<96xi32, #tpu.memory_space<vmem>>) semaphore(%arg17 : memref<!tpu.dma_semaphore, #tpu.memory_space<semaphore_mem>>)
      %dma_start3A_113 = arith.constant 0 : i32
      %dma_start3A_114 = arith.constant 0 : i32
      %dma_start3A_115 = tpu.memref_slice %arg3[%dma_start3A_113, %dma_start3A_114] : memref<10000x128xf32, #tpu.memory_space<hbm>> -> memref<10000x128xf32, #tpu.memory_space<hbm>>
      tpu.enqueue_indirect_dma source(%dma_start3A_115 : memref<10000x128xf32, #tpu.memory_space<hbm>>) target(%arg13 : memref<96x128xf32, #tpu.memory_space<vmem>>) offsets(%arg9 : memref<96xi32, #tpu.memory_space<vmem>>) semaphore(%arg19 : memref<!tpu.dma_semaphore, #tpu.memory_space<semaphore_mem>>)
      %add3A_116 = arith.addi %mul3A_2, %min3A_101 : i32
      %dma_start3A_117 = tpu.memref_slice %arg4[%add3A_116] : memref<640000xi32, #tpu.memory_space<hbm>> -> memref<96xi32, #tpu.memory_space<hbm>>
      %dma_start3A_118 = tpu.memref_slice %arg4[%add3A_116] : memref<640000xi32, #tpu.memory_space<hbm>> -> memref<96xi32, #tpu.memory_space<hbm>>
      tpu.enqueue_dma source(%dma_start3A_118 : memref<96xi32, #tpu.memory_space<hbm>>) target(%arg6 : memref<96xi32, #tpu.memory_space<vmem>>) target_semaphore(%arg22 : memref<!tpu.dma_semaphore, #tpu.memory_space<semaphore_mem>>)
      %add3A_119 = arith.constant 320000 : i32
      %add3A_120 = arith.addi %add3A_119, %mul3A_2 : i32
      %add3A_121 = arith.addi %add3A_120, %min3A_101 : i32
      %dma_start3A_122 = tpu.memref_slice %arg4[%add3A_121] : memref<640000xi32, #tpu.memory_space<hbm>> -> memref<96xi32, #tpu.memory_space<hbm>>
      %dma_start3A_123 = tpu.memref_slice %arg4[%add3A_121] : memref<640000xi32, #tpu.memory_space<hbm>> -> memref<96xi32, #tpu.memory_space<hbm>>
      tpu.enqueue_dma source(%dma_start3A_123 : memref<96xi32, #tpu.memory_space<hbm>>) target(%arg8 : memref<96xi32, #tpu.memory_space<vmem>>) target_semaphore(%arg22 : memref<!tpu.dma_semaphore, #tpu.memory_space<semaphore_mem>>)
      %gt3A = arith.constant 0 : i32
      %gt3A_124 = arith.cmpi sgt, %scan3A_92, %gt3A : i32
      %convert_element_type3A_125 = arith.extui %gt3A_124 : i1 to i32
      %cond3A_126 = arith.constant 0 : i32
      %cond3A_127 = arith.cmpi ne, %convert_element_type3A_125, %cond3A_126 : i32
      scf.if %cond3A_127 {
        %dma_wait3A_185 = tpu.memref_slice %arg5[%mul3A_2] : memref<320000xf32, #tpu.memory_space<hbm>> -> memref<96xf32, #tpu.memory_space<hbm>>
        %dma_wait3A_186 = tpu.memref_slice %arg5[%mul3A_2] : memref<320000xf32, #tpu.memory_space<hbm>> -> memref<96xf32, #tpu.memory_space<hbm>>
        tpu.wait_dma2 semaphore(%arg20 : memref<!tpu.dma_semaphore, #tpu.memory_space<semaphore_mem>>) src(%arg14 : memref<96xf32, #tpu.memory_space<vmem>>) dst(%dma_wait3A_186 : memref<96xf32, #tpu.memory_space<hbm>>)
      } else {
      }
      %broadcast_in_dim3A_128 = arith.constant 0.000000e+00 : f32
      %broadcast_in_dim3A_129 = vector.broadcast %broadcast_in_dim3A_128 : f32 to vector<16xf32>
      %scan3A_130 = arith.constant 0 : i32
      %scan3A_131 = arith.constant 24 : i32
      %scan3A_132 = arith.addi %scan3A_130, %scan3A_131 : i32
      %scan3A_133 = arith.constant 1 : i32
      %scan3A_134 = scf.for %scan3A_185 = %scan3A_130 to %scan3A_132 step %scan3A_133 iter_args(%scan3A_186 = %broadcast_in_dim3A_129) -> (vector<16xf32>)  : i32 {
        %and3A_187 = arith.constant 3 : i32
        %and3A_188 = arith.andi %scan3A_185, %and3A_187 : i32
        %mul3A_189 = arith.constant 4 : i32
        %mul3A_190 = arith.muli %scan3A_185, %mul3A_189 : i32
        %add3A_191 = arith.constant 0 : i32
        %add3A_192 = arith.addi %mul3A_190, %add3A_191 : i32
        %get3A = arith.index_cast %add3A_192 : i32 to index
        %get3A_193 = arith.constant 0 : index
        %get3A_194 = tpu.vector_load %arg10[%get3A, %get3A_193] {strides = array<i32>} : memref<96x128xf32, #tpu.memory_space<vmem>>, vector<1x16xf32>,
        %get3A_195 = vector.shape_cast %get3A_194 : vector<1x16xf32> to vector<16xf32>
        %get3A_196 = arith.index_cast %add3A_192 : i32 to index
        %get3A_197 = arith.constant 0 : index
        %get3A_198 = tpu.vector_load %arg12[%get3A_196, %get3A_197] {strides = array<i32>} : memref<96x128xf32, #tpu.memory_space<vmem>>, vector<1x16xf32>,
        %get3A_199 = vector.shape_cast %get3A_198 : vector<1x16xf32> to vector<16xf32>
        %mul3A_200 = arith.mulf %get3A_195, %get3A_199 : vector<16xf32>
        %get3A_201 = arith.index_cast %add3A_192 : i32 to index
        %get3A_202 = arith.constant 16 : index
        %get3A_203 = tpu.vector_load %arg10[%get3A_201, %get3A_202] {strides = array<i32>} : memref<96x128xf32, #tpu.memory_space<vmem>>, vector<1x16xf32>,
        %get3A_204 = vector.shape_cast %get3A_203 : vector<1x16xf32> to vector<16xf32>
        %get3A_205 = arith.index_cast %add3A_192 : i32 to index
        %get3A_206 = arith.constant 16 : index
        %get3A_207 = tpu.vector_load %arg12[%get3A_205, %get3A_206] {strides = array<i32>} : memref<96x128xf32, #tpu.memory_space<vmem>>, vector<1x16xf32>,
        %get3A_208 = vector.shape_cast %get3A_207 : vector<1x16xf32> to vector<16xf32>
        %mul3A_209 = arith.mulf %get3A_204, %get3A_208 : vector<16xf32>
        %get3A_210 = arith.index_cast %add3A_192 : i32 to index
        %get3A_211 = arith.constant 32 : index
        %get3A_212 = tpu.vector_load %arg10[%get3A_210, %get3A_211] {strides = array<i32>} : memref<96x128xf32, #tpu.memory_space<vmem>>, vector<1x16xf32>,
        %get3A_213 = vector.shape_cast %get3A_212 : vector<1x16xf32> to vector<16xf32>
        %get3A_214 = arith.index_cast %add3A_192 : i32 to index
        %get3A_215 = arith.constant 32 : index
        %get3A_216 = tpu.vector_load %arg12[%get3A_214, %get3A_215] {strides = array<i32>} : memref<96x128xf32, #tpu.memory_space<vmem>>, vector<1x16xf32>,
        %get3A_217 = vector.shape_cast %get3A_216 : vector<1x16xf32> to vector<16xf32>
        %mul3A_218 = arith.mulf %get3A_213, %get3A_217 : vector<16xf32>
        %get3A_219 = arith.index_cast %add3A_192 : i32 to index
        %get3A_220 = arith.constant 48 : index
        %get3A_221 = tpu.vector_load %arg10[%get3A_219, %get3A_220] {strides = array<i32>} : memref<96x128xf32, #tpu.memory_space<vmem>>, vector<1x16xf32>,
        %get3A_222 = vector.shape_cast %get3A_221 : vector<1x16xf32> to vector<16xf32>
        %get3A_223 = arith.index_cast %add3A_192 : i32 to index
        %get3A_224 = arith.constant 48 : index
        %get3A_225 = tpu.vector_load %arg12[%get3A_223, %get3A_224] {strides = array<i32>} : memref<96x128xf32, #tpu.memory_space<vmem>>, vector<1x16xf32>,
        %get3A_226 = vector.shape_cast %get3A_225 : vector<1x16xf32> to vector<16xf32>
        %mul3A_227 = arith.mulf %get3A_222, %get3A_226 : vector<16xf32>
        %get3A_228 = arith.index_cast %add3A_192 : i32 to index
        %get3A_229 = arith.constant 64 : index
        %get3A_230 = tpu.vector_load %arg10[%get3A_228, %get3A_229] {strides = array<i32>} : memref<96x128xf32, #tpu.memory_space<vmem>>, vector<1x16xf32>,
        %get3A_231 = vector.shape_cast %get3A_230 : vector<1x16xf32> to vector<16xf32>
        %get3A_232 = arith.index_cast %add3A_192 : i32 to index
        %get3A_233 = arith.constant 64 : index
        %get3A_234 = tpu.vector_load %arg12[%get3A_232, %get3A_233] {strides = array<i32>} : memref<96x128xf32, #tpu.memory_space<vmem>>, vector<1x16xf32>,
        %get3A_235 = vector.shape_cast %get3A_234 : vector<1x16xf32> to vector<16xf32>
        %mul3A_236 = arith.mulf %get3A_231, %get3A_235 : vector<16xf32>
        %get3A_237 = arith.index_cast %add3A_192 : i32 to index
        %get3A_238 = arith.constant 80 : index
        %get3A_239 = tpu.vector_load %arg10[%get3A_237, %get3A_238] {strides = array<i32>} : memref<96x128xf32, #tpu.memory_space<vmem>>, vector<1x16xf32>,
        %get3A_240 = vector.shape_cast %get3A_239 : vector<1x16xf32> to vector<16xf32>
        %get3A_241 = arith.index_cast %add3A_192 : i32 to index
        %get3A_242 = arith.constant 80 : index
        %get3A_243 = tpu.vector_load %arg12[%get3A_241, %get3A_242] {strides = array<i32>} : memref<96x128xf32, #tpu.memory_space<vmem>>, vector<1x16xf32>,
        %get3A_244 = vector.shape_cast %get3A_243 : vector<1x16xf32> to vector<16xf32>
        %mul3A_245 = arith.mulf %get3A_240, %get3A_244 : vector<16xf32>
        %get3A_246 = arith.index_cast %add3A_192 : i32 to index
        %get3A_247 = arith.constant 96 : index
        %get3A_248 = tpu.vector_load %arg10[%get3A_246, %get3A_247] {strides = array<i32>} : memref<96x128xf32, #tpu.memory_space<vmem>>, vector<1x16xf32>,
        %get3A_249 = vector.shape_cast %get3A_248 : vector<1x16xf32> to vector<16xf32>
        %get3A_250 = arith.index_cast %add3A_192 : i32 to index
        %get3A_251 = arith.constant 96 : index
        %get3A_252 = tpu.vector_load %arg12[%get3A_250, %get3A_251] {strides = array<i32>} : memref<96x128xf32, #tpu.memory_space<vmem>>, vector<1x16xf32>,
        %get3A_253 = vector.shape_cast %get3A_252 : vector<1x16xf32> to vector<16xf32>
        %mul3A_254 = arith.mulf %get3A_249, %get3A_253 : vector<16xf32>
        %get3A_255 = arith.index_cast %add3A_192 : i32 to index
        %get3A_256 = arith.constant 112 : index
        %get3A_257 = tpu.vector_load %arg10[%get3A_255, %get3A_256] {strides = array<i32>} : memref<96x128xf32, #tpu.memory_space<vmem>>, vector<1x16xf32>,
        %get3A_258 = vector.shape_cast %get3A_257 : vector<1x16xf32> to vector<16xf32>
        %get3A_259 = arith.index_cast %add3A_192 : i32 to index
        %get3A_260 = arith.constant 112 : index
        %get3A_261 = tpu.vector_load %arg12[%get3A_259, %get3A_260] {strides = array<i32>} : memref<96x128xf32, #tpu.memory_space<vmem>>, vector<1x16xf32>,
        %get3A_262 = vector.shape_cast %get3A_261 : vector<1x16xf32> to vector<16xf32>
        %mul3A_263 = arith.mulf %get3A_258, %get3A_262 : vector<16xf32>
        %add3A_264 = arith.addf %mul3A_200, %mul3A_209 : vector<16xf32>
        %add3A_265 = arith.addf %mul3A_218, %mul3A_227 : vector<16xf32>
        %add3A_266 = arith.addf %add3A_264, %add3A_265 : vector<16xf32>
        %add3A_267 = arith.addf %mul3A_236, %mul3A_245 : vector<16xf32>
        %add3A_268 = arith.addf %mul3A_254, %mul3A_263 : vector<16xf32>
        %add3A_269 = arith.addf %add3A_267, %add3A_268 : vector<16xf32>
        %add3A_270 = arith.addf %add3A_266, %add3A_269 : vector<16xf32>
        %mul3A_271 = arith.constant 4 : i32
        %mul3A_272 = arith.muli %scan3A_185, %mul3A_271 : i32
        %add3A_273 = arith.constant 1 : i32
        %add3A_274 = arith.addi %mul3A_272, %add3A_273 : i32
        %get3A_275 = arith.index_cast %add3A_274 : i32 to index
        %get3A_276 = arith.constant 0 : index
        %get3A_277 = tpu.vector_load %arg10[%get3A_275, %get3A_276] {strides = array<i32>} : memref<96x128xf32, #tpu.memory_space<vmem>>, vector<1x16xf32>,
        %get3A_278 = vector.shape_cast %get3A_277 : vector<1x16xf32> to vector<16xf32>
        %get3A_279 = arith.index_cast %add3A_274 : i32 to index
        %get3A_280 = arith.constant 0 : index
        %get3A_281 = tpu.vector_load %arg12[%get3A_279, %get3A_280] {strides = array<i32>} : memref<96x128xf32, #tpu.memory_space<vmem>>, vector<1x16xf32>,
        %get3A_282 = vector.shape_cast %get3A_281 : vector<1x16xf32> to vector<16xf32>
        %mul3A_283 = arith.mulf %get3A_278, %get3A_282 : vector<16xf32>
        %get3A_284 = arith.index_cast %add3A_274 : i32 to index
        %get3A_285 = arith.constant 16 : index
        %get3A_286 = tpu.vector_load %arg10[%get3A_284, %get3A_285] {strides = array<i32>} : memref<96x128xf32, #tpu.memory_space<vmem>>, vector<1x16xf32>,
        %get3A_287 = vector.shape_cast %get3A_286 : vector<1x16xf32> to vector<16xf32>
        %get3A_288 = arith.index_cast %add3A_274 : i32 to index
        %get3A_289 = arith.constant 16 : index
        %get3A_290 = tpu.vector_load %arg12[%get3A_288, %get3A_289] {strides = array<i32>} : memref<96x128xf32, #tpu.memory_space<vmem>>, vector<1x16xf32>,
        %get3A_291 = vector.shape_cast %get3A_290 : vector<1x16xf32> to vector<16xf32>
        %mul3A_292 = arith.mulf %get3A_287, %get3A_291 : vector<16xf32>
        %get3A_293 = arith.index_cast %add3A_274 : i32 to index
        %get3A_294 = arith.constant 32 : index
        %get3A_295 = tpu.vector_load %arg10[%get3A_293, %get3A_294] {strides = array<i32>} : memref<96x128xf32, #tpu.memory_space<vmem>>, vector<1x16xf32>,
        %get3A_296 = vector.shape_cast %get3A_295 : vector<1x16xf32> to vector<16xf32>
        %get3A_297 = arith.index_cast %add3A_274 : i32 to index
        %get3A_298 = arith.constant 32 : index
        %get3A_299 = tpu.vector_load %arg12[%get3A_297, %get3A_298] {strides = array<i32>} : memref<96x128xf32, #tpu.memory_space<vmem>>, vector<1x16xf32>,
        %get3A_300 = vector.shape_cast %get3A_299 : vector<1x16xf32> to vector<16xf32>
        %mul3A_301 = arith.mulf %get3A_296, %get3A_300 : vector<16xf32>
        %get3A_302 = arith.index_cast %add3A_274 : i32 to index
        %get3A_303 = arith.constant 48 : index
        %get3A_304 = tpu.vector_load %arg10[%get3A_302, %get3A_303] {strides = array<i32>} : memref<96x128xf32, #tpu.memory_space<vmem>>, vector<1x16xf32>,
        %get3A_305 = vector.shape_cast %get3A_304 : vector<1x16xf32> to vector<16xf32>
        %get3A_306 = arith.index_cast %add3A_274 : i32 to index
        %get3A_307 = arith.constant 48 : index
        %get3A_308 = tpu.vector_load %arg12[%get3A_306, %get3A_307] {strides = array<i32>} : memref<96x128xf32, #tpu.memory_space<vmem>>, vector<1x16xf32>,
        %get3A_309 = vector.shape_cast %get3A_308 : vector<1x16xf32> to vector<16xf32>
        %mul3A_310 = arith.mulf %get3A_305, %get3A_309 : vector<16xf32>
        %get3A_311 = arith.index_cast %add3A_274 : i32 to index
        %get3A_312 = arith.constant 64 : index
        %get3A_313 = tpu.vector_load %arg10[%get3A_311, %get3A_312] {strides = array<i32>} : memref<96x128xf32, #tpu.memory_space<vmem>>, vector<1x16xf32>,
        %get3A_314 = vector.shape_cast %get3A_313 : vector<1x16xf32> to vector<16xf32>
        %get3A_315 = arith.index_cast %add3A_274 : i32 to index
        %get3A_316 = arith.constant 64 : index
        %get3A_317 = tpu.vector_load %arg12[%get3A_315, %get3A_316] {strides = array<i32>} : memref<96x128xf32, #tpu.memory_space<vmem>>, vector<1x16xf32>,
        %get3A_318 = vector.shape_cast %get3A_317 : vector<1x16xf32> to vector<16xf32>
        %mul3A_319 = arith.mulf %get3A_314, %get3A_318 : vector<16xf32>
        %get3A_320 = arith.index_cast %add3A_274 : i32 to index
        %get3A_321 = arith.constant 80 : index
        %get3A_322 = tpu.vector_load %arg10[%get3A_320, %get3A_321] {strides = array<i32>} : memref<96x128xf32, #tpu.memory_space<vmem>>, vector<1x16xf32>,
        %get3A_323 = vector.shape_cast %get3A_322 : vector<1x16xf32> to vector<16xf32>
        %get3A_324 = arith.index_cast %add3A_274 : i32 to index
        %get3A_325 = arith.constant 80 : index
        %get3A_326 = tpu.vector_load %arg12[%get3A_324, %get3A_325] {strides = array<i32>} : memref<96x128xf32, #tpu.memory_space<vmem>>, vector<1x16xf32>,
        %get3A_327 = vector.shape_cast %get3A_326 : vector<1x16xf32> to vector<16xf32>
        %mul3A_328 = arith.mulf %get3A_323, %get3A_327 : vector<16xf32>
        %get3A_329 = arith.index_cast %add3A_274 : i32 to index
        %get3A_330 = arith.constant 96 : index
        %get3A_331 = tpu.vector_load %arg10[%get3A_329, %get3A_330] {strides = array<i32>} : memref<96x128xf32, #tpu.memory_space<vmem>>, vector<1x16xf32>,
        %get3A_332 = vector.shape_cast %get3A_331 : vector<1x16xf32> to vector<16xf32>
        %get3A_333 = arith.index_cast %add3A_274 : i32 to index
        %get3A_334 = arith.constant 96 : index
        %get3A_335 = tpu.vector_load %arg12[%get3A_333, %get3A_334] {strides = array<i32>} : memref<96x128xf32, #tpu.memory_space<vmem>>, vector<1x16xf32>,
        %get3A_336 = vector.shape_cast %get3A_335 : vector<1x16xf32> to vector<16xf32>
        %mul3A_337 = arith.mulf %get3A_332, %get3A_336 : vector<16xf32>
        %get3A_338 = arith.index_cast %add3A_274 : i32 to index
        %get3A_339 = arith.constant 112 : index
        %get3A_340 = tpu.vector_load %arg10[%get3A_338, %get3A_339] {strides = array<i32>} : memref<96x128xf32, #tpu.memory_space<vmem>>, vector<1x16xf32>,
        %get3A_341 = vector.shape_cast %get3A_340 : vector<1x16xf32> to vector<16xf32>
        %get3A_342 = arith.index_cast %add3A_274 : i32 to index
        %get3A_343 = arith.constant 112 : index
        %get3A_344 = tpu.vector_load %arg12[%get3A_342, %get3A_343] {strides = array<i32>} : memref<96x128xf32, #tpu.memory_space<vmem>>, vector<1x16xf32>,
        %get3A_345 = vector.shape_cast %get3A_344 : vector<1x16xf32> to vector<16xf32>
        %mul3A_346 = arith.mulf %get3A_341, %get3A_345 : vector<16xf32>
        %add3A_347 = arith.addf %mul3A_283, %mul3A_292 : vector<16xf32>
        %add3A_348 = arith.addf %mul3A_301, %mul3A_310 : vector<16xf32>
        %add3A_349 = arith.addf %add3A_347, %add3A_348 : vector<16xf32>
        %add3A_350 = arith.addf %mul3A_319, %mul3A_328 : vector<16xf32>
        %add3A_351 = arith.addf %mul3A_337, %mul3A_346 : vector<16xf32>
        %add3A_352 = arith.addf %add3A_350, %add3A_351 : vector<16xf32>
        %add3A_353 = arith.addf %add3A_349, %add3A_352 : vector<16xf32>
        %mul3A_354 = arith.constant 4 : i32
        %mul3A_355 = arith.muli %scan3A_185, %mul3A_354 : i32
        %add3A_356 = arith.constant 2 : i32
        %add3A_357 = arith.addi %mul3A_355, %add3A_356 : i32
        %get3A_358 = arith.index_cast %add3A_357 : i32 to index
        %get3A_359 = arith.constant 0 : index
        %get3A_360 = tpu.vector_load %arg10[%get3A_358, %get3A_359] {strides = array<i32>} : memref<96x128xf32, #tpu.memory_space<vmem>>, vector<1x16xf32>,
        %get3A_361 = vector.shape_cast %get3A_360 : vector<1x16xf32> to vector<16xf32>
        %get3A_362 = arith.index_cast %add3A_357 : i32 to index
        %get3A_363 = arith.constant 0 : index
        %get3A_364 = tpu.vector_load %arg12[%get3A_362, %get3A_363] {strides = array<i32>} : memref<96x128xf32, #tpu.memory_space<vmem>>, vector<1x16xf32>,
        %get3A_365 = vector.shape_cast %get3A_364 : vector<1x16xf32> to vector<16xf32>
        %mul3A_366 = arith.mulf %get3A_361, %get3A_365 : vector<16xf32>
        %get3A_367 = arith.index_cast %add3A_357 : i32 to index
        %get3A_368 = arith.constant 16 : index
        %get3A_369 = tpu.vector_load %arg10[%get3A_367, %get3A_368] {strides = array<i32>} : memref<96x128xf32, #tpu.memory_space<vmem>>, vector<1x16xf32>,
        %get3A_370 = vector.shape_cast %get3A_369 : vector<1x16xf32> to vector<16xf32>
        %get3A_371 = arith.index_cast %add3A_357 : i32 to index
        %get3A_372 = arith.constant 16 : index
        %get3A_373 = tpu.vector_load %arg12[%get3A_371, %get3A_372] {strides = array<i32>} : memref<96x128xf32, #tpu.memory_space<vmem>>, vector<1x16xf32>,
        %get3A_374 = vector.shape_cast %get3A_373 : vector<1x16xf32> to vector<16xf32>
        %mul3A_375 = arith.mulf %get3A_370, %get3A_374 : vector<16xf32>
        %get3A_376 = arith.index_cast %add3A_357 : i32 to index
        %get3A_377 = arith.constant 32 : index
        %get3A_378 = tpu.vector_load %arg10[%get3A_376, %get3A_377] {strides = array<i32>} : memref<96x128xf32, #tpu.memory_space<vmem>>, vector<1x16xf32>,
        %get3A_379 = vector.shape_cast %get3A_378 : vector<1x16xf32> to vector<16xf32>
        %get3A_380 = arith.index_cast %add3A_357 : i32 to index
        %get3A_381 = arith.constant 32 : index
        %get3A_382 = tpu.vector_load %arg12[%get3A_380, %get3A_381] {strides = array<i32>} : memref<96x128xf32, #tpu.memory_space<vmem>>, vector<1x16xf32>,
        %get3A_383 = vector.shape_cast %get3A_382 : vector<1x16xf32> to vector<16xf32>
        %mul3A_384 = arith.mulf %get3A_379, %get3A_383 : vector<16xf32>
        %get3A_385 = arith.index_cast %add3A_357 : i32 to index
        %get3A_386 = arith.constant 48 : index
        %get3A_387 = tpu.vector_load %arg10[%get3A_385, %get3A_386] {strides = array<i32>} : memref<96x128xf32, #tpu.memory_space<vmem>>, vector<1x16xf32>,
        %get3A_388 = vector.shape_cast %get3A_387 : vector<1x16xf32> to vector<16xf32>
        %get3A_389 = arith.index_cast %add3A_357 : i32 to index
        %get3A_390 = arith.constant 48 : index
        %get3A_391 = tpu.vector_load %arg12[%get3A_389, %get3A_390] {strides = array<i32>} : memref<96x128xf32, #tpu.memory_space<vmem>>, vector<1x16xf32>,
        %get3A_392 = vector.shape_cast %get3A_391 : vector<1x16xf32> to vector<16xf32>
        %mul3A_393 = arith.mulf %get3A_388, %get3A_392 : vector<16xf32>
        %get3A_394 = arith.index_cast %add3A_357 : i32 to index
        %get3A_395 = arith.constant 64 : index
        %get3A_396 = tpu.vector_load %arg10[%get3A_394, %get3A_395] {strides = array<i32>} : memref<96x128xf32, #tpu.memory_space<vmem>>, vector<1x16xf32>,
        %get3A_397 = vector.shape_cast %get3A_396 : vector<1x16xf32> to vector<16xf32>
        %get3A_398 = arith.index_cast %add3A_357 : i32 to index
        %get3A_399 = arith.constant 64 : index
        %get3A_400 = tpu.vector_load %arg12[%get3A_398, %get3A_399] {strides = array<i32>} : memref<96x128xf32, #tpu.memory_space<vmem>>, vector<1x16xf32>,
        %get3A_401 = vector.shape_cast %get3A_400 : vector<1x16xf32> to vector<16xf32>
        %mul3A_402 = arith.mulf %get3A_397, %get3A_401 : vector<16xf32>
        %get3A_403 = arith.index_cast %add3A_357 : i32 to index
        %get3A_404 = arith.constant 80 : index
        %get3A_405 = tpu.vector_load %arg10[%get3A_403, %get3A_404] {strides = array<i32>} : memref<96x128xf32, #tpu.memory_space<vmem>>, vector<1x16xf32>,
        %get3A_406 = vector.shape_cast %get3A_405 : vector<1x16xf32> to vector<16xf32>
        %get3A_407 = arith.index_cast %add3A_357 : i32 to index
        %get3A_408 = arith.constant 80 : index
        %get3A_409 = tpu.vector_load %arg12[%get3A_407, %get3A_408] {strides = array<i32>} : memref<96x128xf32, #tpu.memory_space<vmem>>, vector<1x16xf32>,
        %get3A_410 = vector.shape_cast %get3A_409 : vector<1x16xf32> to vector<16xf32>
        %mul3A_411 = arith.mulf %get3A_406, %get3A_410 : vector<16xf32>
        %get3A_412 = arith.index_cast %add3A_357 : i32 to index
        %get3A_413 = arith.constant 96 : index
        %get3A_414 = tpu.vector_load %arg10[%get3A_412, %get3A_413] {strides = array<i32>} : memref<96x128xf32, #tpu.memory_space<vmem>>, vector<1x16xf32>,
        %get3A_415 = vector.shape_cast %get3A_414 : vector<1x16xf32> to vector<16xf32>
        %get3A_416 = arith.index_cast %add3A_357 : i32 to index
        %get3A_417 = arith.constant 96 : index
        %get3A_418 = tpu.vector_load %arg12[%get3A_416, %get3A_417] {strides = array<i32>} : memref<96x128xf32, #tpu.memory_space<vmem>>, vector<1x16xf32>,
        %get3A_419 = vector.shape_cast %get3A_418 : vector<1x16xf32> to vector<16xf32>
        %mul3A_420 = arith.mulf %get3A_415, %get3A_419 : vector<16xf32>
        %get3A_421 = arith.index_cast %add3A_357 : i32 to index
        %get3A_422 = arith.constant 112 : index
        %get3A_423 = tpu.vector_load %arg10[%get3A_421, %get3A_422] {strides = array<i32>} : memref<96x128xf32, #tpu.memory_space<vmem>>, vector<1x16xf32>,
        %get3A_424 = vector.shape_cast %get3A_423 : vector<1x16xf32> to vector<16xf32>
        %get3A_425 = arith.index_cast %add3A_357 : i32 to index
        %get3A_426 = arith.constant 112 : index
        %get3A_427 = tpu.vector_load %arg12[%get3A_425, %get3A_426] {strides = array<i32>} : memref<96x128xf32, #tpu.memory_space<vmem>>, vector<1x16xf32>,
        %get3A_428 = vector.shape_cast %get3A_427 : vector<1x16xf32> to vector<16xf32>
        %mul3A_429 = arith.mulf %get3A_424, %get3A_428 : vector<16xf32>
        %add3A_430 = arith.addf %mul3A_366, %mul3A_375 : vector<16xf32>
        %add3A_431 = arith.addf %mul3A_384, %mul3A_393 : vector<16xf32>
        %add3A_432 = arith.addf %add3A_430, %add3A_431 : vector<16xf32>
        %add3A_433 = arith.addf %mul3A_402, %mul3A_411 : vector<16xf32>
        %add3A_434 = arith.addf %mul3A_420, %mul3A_429 : vector<16xf32>
        %add3A_435 = arith.addf %add3A_433, %add3A_434 : vector<16xf32>
        %add3A_436 = arith.addf %add3A_432, %add3A_435 : vector<16xf32>
        %mul3A_437 = arith.constant 4 : i32
        %mul3A_438 = arith.muli %scan3A_185, %mul3A_437 : i32
        %add3A_439 = arith.constant 3 : i32
        %add3A_440 = arith.addi %mul3A_438, %add3A_439 : i32
        %get3A_441 = arith.index_cast %add3A_440 : i32 to index
        %get3A_442 = arith.constant 0 : index
        %get3A_443 = tpu.vector_load %arg10[%get3A_441, %get3A_442] {strides = array<i32>} : memref<96x128xf32, #tpu.memory_space<vmem>>, vector<1x16xf32>,
        %get3A_444 = vector.shape_cast %get3A_443 : vector<1x16xf32> to vector<16xf32>
        %get3A_445 = arith.index_cast %add3A_440 : i32 to index
        %get3A_446 = arith.constant 0 : index
        %get3A_447 = tpu.vector_load %arg12[%get3A_445, %get3A_446] {strides = array<i32>} : memref<96x128xf32, #tpu.memory_space<vmem>>, vector<1x16xf32>,
        %get3A_448 = vector.shape_cast %get3A_447 : vector<1x16xf32> to vector<16xf32>
        %mul3A_449 = arith.mulf %get3A_444, %get3A_448 : vector<16xf32>
        %get3A_450 = arith.index_cast %add3A_440 : i32 to index
        %get3A_451 = arith.constant 16 : index
        %get3A_452 = tpu.vector_load %arg10[%get3A_450, %get3A_451] {strides = array<i32>} : memref<96x128xf32, #tpu.memory_space<vmem>>, vector<1x16xf32>,
        %get3A_453 = vector.shape_cast %get3A_452 : vector<1x16xf32> to vector<16xf32>
        %get3A_454 = arith.index_cast %add3A_440 : i32 to index
        %get3A_455 = arith.constant 16 : index
        %get3A_456 = tpu.vector_load %arg12[%get3A_454, %get3A_455] {strides = array<i32>} : memref<96x128xf32, #tpu.memory_space<vmem>>, vector<1x16xf32>,
        %get3A_457 = vector.shape_cast %get3A_456 : vector<1x16xf32> to vector<16xf32>
        %mul3A_458 = arith.mulf %get3A_453, %get3A_457 : vector<16xf32>
        %get3A_459 = arith.index_cast %add3A_440 : i32 to index
        %get3A_460 = arith.constant 32 : index
        %get3A_461 = tpu.vector_load %arg10[%get3A_459, %get3A_460] {strides = array<i32>} : memref<96x128xf32, #tpu.memory_space<vmem>>, vector<1x16xf32>,
        %get3A_462 = vector.shape_cast %get3A_461 : vector<1x16xf32> to vector<16xf32>
        %get3A_463 = arith.index_cast %add3A_440 : i32 to index
        %get3A_464 = arith.constant 32 : index
        %get3A_465 = tpu.vector_load %arg12[%get3A_463, %get3A_464] {strides = array<i32>} : memref<96x128xf32, #tpu.memory_space<vmem>>, vector<1x16xf32>,
        %get3A_466 = vector.shape_cast %get3A_465 : vector<1x16xf32> to vector<16xf32>
        %mul3A_467 = arith.mulf %get3A_462, %get3A_466 : vector<16xf32>
        %get3A_468 = arith.index_cast %add3A_440 : i32 to index
        %get3A_469 = arith.constant 48 : index
        %get3A_470 = tpu.vector_load %arg10[%get3A_468, %get3A_469] {strides = array<i32>} : memref<96x128xf32, #tpu.memory_space<vmem>>, vector<1x16xf32>,
        %get3A_471 = vector.shape_cast %get3A_470 : vector<1x16xf32> to vector<16xf32>
        %get3A_472 = arith.index_cast %add3A_440 : i32 to index
        %get3A_473 = arith.constant 48 : index
        %get3A_474 = tpu.vector_load %arg12[%get3A_472, %get3A_473] {strides = array<i32>} : memref<96x128xf32, #tpu.memory_space<vmem>>, vector<1x16xf32>,
        %get3A_475 = vector.shape_cast %get3A_474 : vector<1x16xf32> to vector<16xf32>
        %mul3A_476 = arith.mulf %get3A_471, %get3A_475 : vector<16xf32>
        %get3A_477 = arith.index_cast %add3A_440 : i32 to index
        %get3A_478 = arith.constant 64 : index
        %get3A_479 = tpu.vector_load %arg10[%get3A_477, %get3A_478] {strides = array<i32>} : memref<96x128xf32, #tpu.memory_space<vmem>>, vector<1x16xf32>,
        %get3A_480 = vector.shape_cast %get3A_479 : vector<1x16xf32> to vector<16xf32>
        %get3A_481 = arith.index_cast %add3A_440 : i32 to index
        %get3A_482 = arith.constant 64 : index
        %get3A_483 = tpu.vector_load %arg12[%get3A_481, %get3A_482] {strides = array<i32>} : memref<96x128xf32, #tpu.memory_space<vmem>>, vector<1x16xf32>,
        %get3A_484 = vector.shape_cast %get3A_483 : vector<1x16xf32> to vector<16xf32>
        %mul3A_485 = arith.mulf %get3A_480, %get3A_484 : vector<16xf32>
        %get3A_486 = arith.index_cast %add3A_440 : i32 to index
        %get3A_487 = arith.constant 80 : index
        %get3A_488 = tpu.vector_load %arg10[%get3A_486, %get3A_487] {strides = array<i32>} : memref<96x128xf32, #tpu.memory_space<vmem>>, vector<1x16xf32>,
        %get3A_489 = vector.shape_cast %get3A_488 : vector<1x16xf32> to vector<16xf32>
        %get3A_490 = arith.index_cast %add3A_440 : i32 to index
        %get3A_491 = arith.constant 80 : index
        %get3A_492 = tpu.vector_load %arg12[%get3A_490, %get3A_491] {strides = array<i32>} : memref<96x128xf32, #tpu.memory_space<vmem>>, vector<1x16xf32>,
        %get3A_493 = vector.shape_cast %get3A_492 : vector<1x16xf32> to vector<16xf32>
        %mul3A_494 = arith.mulf %get3A_489, %get3A_493 : vector<16xf32>
        %get3A_495 = arith.index_cast %add3A_440 : i32 to index
        %get3A_496 = arith.constant 96 : index
        %get3A_497 = tpu.vector_load %arg10[%get3A_495, %get3A_496] {strides = array<i32>} : memref<96x128xf32, #tpu.memory_space<vmem>>, vector<1x16xf32>,
        %get3A_498 = vector.shape_cast %get3A_497 : vector<1x16xf32> to vector<16xf32>
        %get3A_499 = arith.index_cast %add3A_440 : i32 to index
        %get3A_500 = arith.constant 96 : index
        %get3A_501 = tpu.vector_load %arg12[%get3A_499, %get3A_500] {strides = array<i32>} : memref<96x128xf32, #tpu.memory_space<vmem>>, vector<1x16xf32>,
        %get3A_502 = vector.shape_cast %get3A_501 : vector<1x16xf32> to vector<16xf32>
        %mul3A_503 = arith.mulf %get3A_498, %get3A_502 : vector<16xf32>
        %get3A_504 = arith.index_cast %add3A_440 : i32 to index
        %get3A_505 = arith.constant 112 : index
        %get3A_506 = tpu.vector_load %arg10[%get3A_504, %get3A_505] {strides = array<i32>} : memref<96x128xf32, #tpu.memory_space<vmem>>, vector<1x16xf32>,
        %get3A_507 = vector.shape_cast %get3A_506 : vector<1x16xf32> to vector<16xf32>
        %get3A_508 = arith.index_cast %add3A_440 : i32 to index
        %get3A_509 = arith.constant 112 : index
        %get3A_510 = tpu.vector_load %arg12[%get3A_508, %get3A_509] {strides = array<i32>} : memref<96x128xf32, #tpu.memory_space<vmem>>, vector<1x16xf32>,
        %get3A_511 = vector.shape_cast %get3A_510 : vector<1x16xf32> to vector<16xf32>
        %mul3A_512 = arith.mulf %get3A_507, %get3A_511 : vector<16xf32>
        %add3A_513 = arith.addf %mul3A_449, %mul3A_458 : vector<16xf32>
        %add3A_514 = arith.addf %mul3A_467, %mul3A_476 : vector<16xf32>
        %add3A_515 = arith.addf %add3A_513, %add3A_514 : vector<16xf32>
        %add3A_516 = arith.addf %mul3A_485, %mul3A_494 : vector<16xf32>
        %add3A_517 = arith.addf %mul3A_503, %mul3A_512 : vector<16xf32>
        %add3A_518 = arith.addf %add3A_516, %add3A_517 : vector<16xf32>
        %add3A_519 = arith.addf %add3A_515, %add3A_518 : vector<16xf32>
        %xor3A = arith.constant 8 : i32
        %xor3A_520 = vector.broadcast %xor3A : i32 to vector<16xi32>
        %xor3A_521 = arith.xori %iota3A, %xor3A_520 : vector<16xi32>
        %lt3A_522 = arith.constant 0 : i32
        %lt3A_523 = vector.broadcast %lt3A_522 : i32 to vector<16xi32>
        %lt3A_524 = arith.cmpi slt, %xor3A_521, %lt3A_523 : vector<16xi32>
        %add3A_525 = arith.constant 16 : i32
        %add3A_526 = vector.broadcast %add3A_525 : i32 to vector<16xi32>
        %add3A_527 = arith.addi %xor3A_521, %add3A_526 : vector<16xi32>
        %select_n3A = arith.select %lt3A_524, %add3A_527, %xor3A_521 : vector<16xi1>, vector<16xi32>
        %broadcast_in_dim3A_528 = vector.shape_cast %select_n3A : vector<16xi32> to vector<16x1xi32>
        %gather3A = vector.shape_cast %broadcast_in_dim3A_528 : vector<16x1xi32> to vector<16xi32>
        %gather3A_529 = tpu.dynamic_gather %add3A_270[%gather3A] in [0] : vector<16xf32>, vector<16xi32> -> vector<16xf32>
        %add3A_530 = arith.addf %add3A_270, %gather3A_529 : vector<16xf32>
        %xor3A_531 = arith.constant 8 : i32
        %xor3A_532 = vector.broadcast %xor3A_531 : i32 to vector<16xi32>
        %xor3A_533 = arith.xori %iota3A, %xor3A_532 : vector<16xi32>
        %lt3A_534 = arith.constant 0 : i32
        %lt3A_535 = vector.broadcast %lt3A_534 : i32 to vector<16xi32>
        %lt3A_536 = arith.cmpi slt, %xor3A_533, %lt3A_535 : vector<16xi32>
        %add3A_537 = arith.constant 16 : i32
        %add3A_538 = vector.broadcast %add3A_537 : i32 to vector<16xi32>
        %add3A_539 = arith.addi %xor3A_533, %add3A_538 : vector<16xi32>
        %select_n3A_540 = arith.select %lt3A_536, %add3A_539, %xor3A_533 : vector<16xi1>, vector<16xi32>
        %broadcast_in_dim3A_541 = vector.shape_cast %select_n3A_540 : vector<16xi32> to vector<16x1xi32>
        %gather3A_542 = vector.shape_cast %broadcast_in_dim3A_541 : vector<16x1xi32> to vector<16xi32>
        %gather3A_543 = tpu.dynamic_gather %add3A_353[%gather3A_542] in [0] : vector<16xf32>, vector<16xi32> -> vector<16xf32>
        %add3A_544 = arith.addf %add3A_353, %gather3A_543 : vector<16xf32>
        %select_n3A_545 = arith.select %lt3A_11, %add3A_530, %add3A_544 : vector<16xi1>, vector<16xf32>
        %xor3A_546 = arith.constant 8 : i32
        %xor3A_547 = vector.broadcast %xor3A_546 : i32 to vector<16xi32>
        %xor3A_548 = arith.xori %iota3A, %xor3A_547 : vector<16xi32>
        %lt3A_549 = arith.constant 0 : i32
        %lt3A_550 = vector.broadcast %lt3A_549 : i32 to vector<16xi32>
        %lt3A_551 = arith.cmpi slt, %xor3A_548, %lt3A_550 : vector<16xi32>
        %add3A_552 = arith.constant 16 : i32
        %add3A_553 = vector.broadcast %add3A_552 : i32 to vector<16xi32>
        %add3A_554 = arith.addi %xor3A_548, %add3A_553 : vector<16xi32>
        %select_n3A_555 = arith.select %lt3A_551, %add3A_554, %xor3A_548 : vector<16xi1>, vector<16xi32>
        %broadcast_in_dim3A_556 = vector.shape_cast %select_n3A_555 : vector<16xi32> to vector<16x1xi32>
        %gather3A_557 = vector.shape_cast %broadcast_in_dim3A_556 : vector<16x1xi32> to vector<16xi32>
        %gather3A_558 = tpu.dynamic_gather %add3A_436[%gather3A_557] in [0] : vector<16xf32>, vector<16xi32> -> vector<16xf32>
        %add3A_559 = arith.addf %add3A_436, %gather3A_558 : vector<16xf32>
        %xor3A_560 = arith.constant 8 : i32
        %xor3A_561 = vector.broadcast %xor3A_560 : i32 to vector<16xi32>
        %xor3A_562 = arith.xori %iota3A, %xor3A_561 : vector<16xi32>
        %lt3A_563 = arith.constant 0 : i32
        %lt3A_564 = vector.broadcast %lt3A_563 : i32 to vector<16xi32>
        %lt3A_565 = arith.cmpi slt, %xor3A_562, %lt3A_564 : vector<16xi32>
        %add3A_566 = arith.constant 16 : i32
        %add3A_567 = vector.broadcast %add3A_566 : i32 to vector<16xi32>
        %add3A_568 = arith.addi %xor3A_562, %add3A_567 : vector<16xi32>
        %select_n3A_569 = arith.select %lt3A_565, %add3A_568, %xor3A_562 : vector<16xi1>, vector<16xi32>
        %broadcast_in_dim3A_570 = vector.shape_cast %select_n3A_569 : vector<16xi32> to vector<16x1xi32>
        %gather3A_571 = vector.shape_cast %broadcast_in_dim3A_570 : vector<16x1xi32> to vector<16xi32>
        %gather3A_572 = tpu.dynamic_gather %add3A_519[%gather3A_571] in [0] : vector<16xf32>, vector<16xi32> -> vector<16xf32>
        %add3A_573 = arith.addf %add3A_519, %gather3A_572 : vector<16xf32>
        %select_n3A_574 = arith.select %lt3A_11, %add3A_559, %add3A_573 : vector<16xi1>, vector<16xf32>
        %xor3A_575 = arith.constant 4 : i32
        %xor3A_576 = vector.broadcast %xor3A_575 : i32 to vector<16xi32>
        %xor3A_577 = arith.xori %iota3A, %xor3A_576 : vector<16xi32>
        %lt3A_578 = arith.constant 0 : i32
        %lt3A_579 = vector.broadcast %lt3A_578 : i32 to vector<16xi32>
        %lt3A_580 = arith.cmpi slt, %xor3A_577, %lt3A_579 : vector<16xi32>
        %add3A_581 = arith.constant 16 : i32
        %add3A_582 = vector.broadcast %add3A_581 : i32 to vector<16xi32>
        %add3A_583 = arith.addi %xor3A_577, %add3A_582 : vector<16xi32>
        %select_n3A_584 = arith.select %lt3A_580, %add3A_583, %xor3A_577 : vector<16xi1>, vector<16xi32>
        %broadcast_in_dim3A_585 = vector.shape_cast %select_n3A_584 : vector<16xi32> to vector<16x1xi32>
        %gather3A_586 = vector.shape_cast %broadcast_in_dim3A_585 : vector<16x1xi32> to vector<16xi32>
        %gather3A_587 = tpu.dynamic_gather %select_n3A_545[%gather3A_586] in [0] : vector<16xf32>, vector<16xi32> -> vector<16xf32>
        %add3A_588 = arith.addf %select_n3A_545, %gather3A_587 : vector<16xf32>
        %xor3A_589 = arith.constant 4 : i32
        %xor3A_590 = vector.broadcast %xor3A_589 : i32 to vector<16xi32>
        %xor3A_591 = arith.xori %iota3A, %xor3A_590 : vector<16xi32>
        %lt3A_592 = arith.constant 0 : i32
        %lt3A_593 = vector.broadcast %lt3A_592 : i32 to vector<16xi32>
        %lt3A_594 = arith.cmpi slt, %xor3A_591, %lt3A_593 : vector<16xi32>
        %add3A_595 = arith.constant 16 : i32
        %add3A_596 = vector.broadcast %add3A_595 : i32 to vector<16xi32>
        %add3A_597 = arith.addi %xor3A_591, %add3A_596 : vector<16xi32>
        %select_n3A_598 = arith.select %lt3A_594, %add3A_597, %xor3A_591 : vector<16xi1>, vector<16xi32>
        %broadcast_in_dim3A_599 = vector.shape_cast %select_n3A_598 : vector<16xi32> to vector<16x1xi32>
        %gather3A_600 = vector.shape_cast %broadcast_in_dim3A_599 : vector<16x1xi32> to vector<16xi32>
        %gather3A_601 = tpu.dynamic_gather %select_n3A_574[%gather3A_600] in [0] : vector<16xf32>, vector<16xi32> -> vector<16xf32>
        %add3A_602 = arith.addf %select_n3A_574, %gather3A_601 : vector<16xf32>
        %select_n3A_603 = arith.select %eq3A_16, %add3A_588, %add3A_602 : vector<16xi1>, vector<16xf32>
        %xor3A_604 = arith.constant 2 : i32
        %xor3A_605 = vector.broadcast %xor3A_604 : i32 to vector<16xi32>
        %xor3A_606 = arith.xori %iota3A, %xor3A_605 : vector<16xi32>
        %lt3A_607 = arith.constant 0 : i32
        %lt3A_608 = vector.broadcast %lt3A_607 : i32 to vector<16xi32>
        %lt3A_609 = arith.cmpi slt, %xor3A_606, %lt3A_608 : vector<16xi32>
        %add3A_610 = arith.constant 16 : i32
        %add3A_611 = vector.broadcast %add3A_610 : i32 to vector<16xi32>
        %add3A_612 = arith.addi %xor3A_606, %add3A_611 : vector<16xi32>
        %select_n3A_613 = arith.select %lt3A_609, %add3A_612, %xor3A_606 : vector<16xi1>, vector<16xi32>
        %broadcast_in_dim3A_614 = vector.shape_cast %select_n3A_613 : vector<16xi32> to vector<16x1xi32>
        %gather3A_615 = vector.shape_cast %broadcast_in_dim3A_614 : vector<16x1xi32> to vector<16xi32>
        %gather3A_616 = tpu.dynamic_gather %select_n3A_603[%gather3A_615] in [0] : vector<16xf32>, vector<16xi32> -> vector<16xf32>
        %add3A_617 = arith.addf %select_n3A_603, %gather3A_616 : vector<16xf32>
        %xor3A_618 = arith.constant 1 : i32
        %xor3A_619 = vector.broadcast %xor3A_618 : i32 to vector<16xi32>
        %xor3A_620 = arith.xori %iota3A, %xor3A_619 : vector<16xi32>
        %lt3A_621 = arith.constant 0 : i32
        %lt3A_622 = vector.broadcast %lt3A_621 : i32 to vector<16xi32>
        %lt3A_623 = arith.cmpi slt, %xor3A_620, %lt3A_622 : vector<16xi32>
        %add3A_624 = arith.constant 16 : i32
        %add3A_625 = vector.broadcast %add3A_624 : i32 to vector<16xi32>
        %add3A_626 = arith.addi %xor3A_620, %add3A_625 : vector<16xi32>
        %select_n3A_627 = arith.select %lt3A_623, %add3A_626, %xor3A_620 : vector<16xi1>, vector<16xi32>
        %broadcast_in_dim3A_628 = vector.shape_cast %select_n3A_627 : vector<16xi32> to vector<16x1xi32>
        %gather3A_629 = vector.shape_cast %broadcast_in_dim3A_628 : vector<16x1xi32> to vector<16xi32>
        %gather3A_630 = tpu.dynamic_gather %add3A_617[%gather3A_629] in [0] : vector<16xf32>, vector<16xi32> -> vector<16xf32>
        %add3A_631 = arith.addf %add3A_617, %gather3A_630 : vector<16xf32>
        %eq3A_632 = arith.constant 0 : i32
        %eq3A_633 = arith.cmpi eq, %and3A_188, %eq3A_632 : i32
        %broadcast_in_dim3A_634 = arith.constant 0.000000e+00 : f32
        %broadcast_in_dim3A_635 = vector.broadcast %broadcast_in_dim3A_634 : f32 to vector<16xf32>
        %select_n3A_636 = arith.select %eq3A_633, %broadcast_in_dim3A_635, %scan3A_186 : vector<16xf32>
        %shift_right_arithmetic3A_637 = arith.constant 2 : i32
        %shift_right_arithmetic3A_638 = vector.broadcast %shift_right_arithmetic3A_637 : i32 to vector<16xi32>
        %shift_right_arithmetic3A_639 = arith.shrsi %iota3A, %shift_right_arithmetic3A_638 : vector<16xi32>
        %eq3A_640 = vector.broadcast %and3A_188 : i32 to vector<16xi32>
        %eq3A_641 = arith.cmpi eq, %shift_right_arithmetic3A_639, %eq3A_640 : vector<16xi32>
        %lt3A_642 = arith.constant 0 : i32
        %lt3A_643 = vector.broadcast %lt3A_642 : i32 to vector<16xi32>
        %lt3A_644 = arith.cmpi slt, %add3A_31, %lt3A_643 : vector<16xi32>
        %add3A_645 = arith.constant 16 : i32
        %add3A_646 = vector.broadcast %add3A_645 : i32 to vector<16xi32>
        %add3A_647 = arith.addi %add3A_31, %add3A_646 : vector<16xi32>
        %select_n3A_648 = arith.select %lt3A_644, %add3A_647, %add3A_31 : vector<16xi1>, vector<16xi32>
        %broadcast_in_dim3A_649 = vector.shape_cast %select_n3A_648 : vector<16xi32> to vector<16x1xi32>
        %gather3A_650 = vector.shape_cast %broadcast_in_dim3A_649 : vector<16x1xi32> to vector<16xi32>
        %gather3A_651 = tpu.dynamic_gather %add3A_631[%gather3A_650] in [0] : vector<16xf32>, vector<16xi32> -> vector<16xf32>
        %select_n3A_652 = arith.select %eq3A_641, %gather3A_651, %select_n3A_636 : vector<16xi1>, vector<16xf32>
        %shift_right_arithmetic3A_653 = arith.constant 2 : i32
        %shift_right_arithmetic3A_654 = arith.shrsi %scan3A_185, %shift_right_arithmetic3A_653 : i32
        %mul3A_655 = arith.constant 16 : i32
        %mul3A_656 = arith.muli %shift_right_arithmetic3A_654, %mul3A_655 : i32
        %swap3A = arith.index_cast %mul3A_656 : i32 to index
        %swap3A_657 = tpu.vector_load %arg14[%swap3A] {strides = array<i32>} : memref<96xf32, #tpu.memory_space<vmem>>, vector<16xf32>,
        %swap3A_658 = vector.shape_cast %swap3A_657 : vector<16xf32> to vector<16xf32>
        %swap3A_659 = vector.shape_cast %select_n3A_652 : vector<16xf32> to vector<16xf32>
        tpu.vector_store %arg14[%swap3A], %swap3A_659 {strides = array<i32>} : memref<96xf32, #tpu.memory_space<vmem>>, vector<16xf32>,
        scf.yield %select_n3A_652 : vector<16xf32>
      }
      %scan3A_135 = arith.constant 24 : i32
      %add3A_136 = arith.addi %mul3A_2, %mul3A_96 : i32
      %dma_start3A_137 = tpu.memref_slice %arg5[%add3A_136] : memref<320000xf32, #tpu.memory_space<hbm>> -> memref<96xf32, #tpu.memory_space<hbm>>
      %dma_start3A_138 = tpu.memref_slice %arg5[%add3A_136] : memref<320000xf32, #tpu.memory_space<hbm>> -> memref<96xf32, #tpu.memory_space<hbm>>
      tpu.enqueue_dma source(%arg14 : memref<96xf32, #tpu.memory_space<vmem>>) target(%dma_start3A_138 : memref<96xf32, #tpu.memory_space<hbm>>) target_semaphore(%arg20 : memref<!tpu.dma_semaphore, #tpu.memory_space<semaphore_mem>>)
      %dma_wait3A_139 = arith.constant 0 : i32
      %dma_wait3A_140 = arith.constant 0 : i32
      %dma_wait3A_141 = tpu.memref_slice %arg24[%dma_wait3A_139, %dma_wait3A_140] : memref<10000x128xf32, #tpu.memory_space<vmem_shared>> -> memref<10000x128xf32, #tpu.memory_space<vmem_shared>>
      tpu.wait_indirect_dma semaphore(%arg17 : memref<!tpu.dma_semaphore, #tpu.memory_space<semaphore_mem>>) src(%dma_wait3A_141 : memref<10000x128xf32, #tpu.memory_space<vmem_shared>>) dst(%arg11 : memref<96x128xf32, #tpu.memory_space<vmem>>)
      %dma_wait3A_142 = arith.constant 0 : i32
      %dma_wait3A_143 = arith.constant 0 : i32
      %dma_wait3A_144 = tpu.memref_slice %arg3[%dma_wait3A_142, %dma_wait3A_143] : memref<10000x128xf32, #tpu.memory_space<hbm>> -> memref<10000x128xf32, #tpu.memory_space<hbm>>
      tpu.wait_indirect_dma semaphore(%arg19 : memref<!tpu.dma_semaphore, #tpu.memory_space<semaphore_mem>>) src(%dma_wait3A_144 : memref<10000x128xf32, #tpu.memory_space<hbm>>) dst(%arg13 : memref<96x128xf32, #tpu.memory_space<vmem>>)
      %dma_wait3A_145 = tpu.memref_slice %arg4[%mul3A_2] : memref<640000xi32, #tpu.memory_space<hbm>> -> memref<96xi32, #tpu.memory_space<hbm>>
      %dma_wait3A_146 = tpu.memref_slice %arg4[%mul3A_2] : memref<640000xi32, #tpu.memory_space<hbm>> -> memref<96xi32, #tpu.memory_space<hbm>>
      tpu.wait_dma2 semaphore(%arg22 : memref<!tpu.dma_semaphore, #tpu.memory_space<semaphore_mem>>) src(%dma_wait3A_146 : memref<96xi32, #tpu.memory_space<hbm>>) dst(%arg6 : memref<96xi32, #tpu.memory_space<vmem>>)
      %dma_wait3A_147 = tpu.memref_slice %arg4[%mul3A_2] : memref<640000xi32, #tpu.memory_space<hbm>> -> memref<96xi32, #tpu.memory_space<hbm>>
      %dma_wait3A_148 = tpu.memref_slice %arg4[%mul3A_2] : memref<640000xi32, #tpu.memory_space<hbm>> -> memref<96xi32, #tpu.memory_space<hbm>>
      tpu.wait_dma2 semaphore(%arg22 : memref<!tpu.dma_semaphore, #tpu.memory_space<semaphore_mem>>) src(%dma_wait3A_148 : memref<96xi32, #tpu.memory_space<hbm>>) dst(%arg8 : memref<96xi32, #tpu.memory_space<vmem>>)
      %dma_start3A_149 = arith.constant 0 : i32
      %dma_start3A_150 = arith.constant 0 : i32
      %dma_start3A_151 = tpu.memref_slice %arg24[%dma_start3A_149, %dma_start3A_150] : memref<10000x128xf32, #tpu.memory_space<vmem_shared>> -> memref<10000x128xf32, #tpu.memory_space<vmem_shared>>
      tpu.enqueue_indirect_dma source(%dma_start3A_151 : memref<10000x128xf32, #tpu.memory_space<vmem_shared>>) target(%arg10 : memref<96x128xf32, #tpu.memory_space<vmem>>) offsets(%arg6 : memref<96xi32, #tpu.memory_space<vmem>>) semaphore(%arg16 : memref<!tpu.dma_semaphore, #tpu.memory_space<semaphore_mem>>)
      %dma_start3A_152 = arith.constant 0 : i32
      %dma_start3A_153 = arith.constant 0 : i32
      %dma_start3A_154 = tpu.memref_slice %arg3[%dma_start3A_152, %dma_start3A_153] : memref<10000x128xf32, #tpu.memory_space<hbm>> -> memref<10000x128xf32, #tpu.memory_space<hbm>>
      tpu.enqueue_indirect_dma source(%dma_start3A_154 : memref<10000x128xf32, #tpu.memory_space<hbm>>) target(%arg12 : memref<96x128xf32, #tpu.memory_space<vmem>>) offsets(%arg8 : memref<96xi32, #tpu.memory_space<vmem>>) semaphore(%arg18 : memref<!tpu.dma_semaphore, #tpu.memory_space<semaphore_mem>>)
      %add3A_155 = arith.addi %mul3A_2, %min3A_105 : i32
      %dma_start3A_156 = tpu.memref_slice %arg4[%add3A_155] : memref<640000xi32, #tpu.memory_space<hbm>> -> memref<96xi32, #tpu.memory_space<hbm>>
      %dma_start3A_157 = tpu.memref_slice %arg4[%add3A_155] : memref<640000xi32, #tpu.memory_space<hbm>> -> memref<96xi32, #tpu.memory_space<hbm>>
      tpu.enqueue_dma source(%dma_start3A_157 : memref<96xi32, #tpu.memory_space<hbm>>) target(%arg7 : memref<96xi32, #tpu.memory_space<vmem>>) target_semaphore(%arg23 : memref<!tpu.dma_semaphore, #tpu.memory_space<semaphore_mem>>)
      %add3A_158 = arith.constant 320000 : i32
      %add3A_159 = arith.addi %add3A_158, %mul3A_2 : i32
      %add3A_160 = arith.addi %add3A_159, %min3A_105 : i32
      %dma_start3A_161 = tpu.memref_slice %arg4[%add3A_160] : memref<640000xi32, #tpu.memory_space<hbm>> -> memref<96xi32, #tpu.memory_space<hbm>>
      %dma_start3A_162 = tpu.memref_slice %arg4[%add3A_160] : memref<640000xi32, #tpu.memory_space<hbm>> -> memref<96xi32, #tpu.memory_space<hbm>>
      tpu.enqueue_dma source(%dma_start3A_162 : memref<96xi32, #tpu.memory_space<hbm>>) target(%arg9 : memref<96xi32, #tpu.memory_space<vmem>>) target_semaphore(%arg23 : memref<!tpu.dma_semaphore, #tpu.memory_space<semaphore_mem>>)
      %gt3A_163 = arith.constant 0 : i32
      %gt3A_164 = arith.cmpi sgt, %scan3A_92, %gt3A_163 : i32
      %convert_element_type3A_165 = arith.extui %gt3A_164 : i1 to i32
      %cond3A_166 = arith.constant 0 : i32
      %cond3A_167 = arith.cmpi ne, %convert_element_type3A_165, %cond3A_166 : i32
      scf.if %cond3A_167 {
        %dma_wait3A_185 = tpu.memref_slice %arg5[%mul3A_2] : memref<320000xf32, #tpu.memory_space<hbm>> -> memref<96xf32, #tpu.memory_space<hbm>>
        %dma_wait3A_186 = tpu.memref_slice %arg5[%mul3A_2] : memref<320000xf32, #tpu.memory_space<hbm>> -> memref<96xf32, #tpu.memory_space<hbm>>
        tpu.wait_dma2 semaphore(%arg21 : memref<!tpu.dma_semaphore, #tpu.memory_space<semaphore_mem>>) src(%arg15 : memref<96xf32, #tpu.memory_space<vmem>>) dst(%dma_wait3A_186 : memref<96xf32, #tpu.memory_space<hbm>>)
      } else {
      }
      %broadcast_in_dim3A_168 = arith.constant 0.000000e+00 : f32
      %broadcast_in_dim3A_169 = vector.broadcast %broadcast_in_dim3A_168 : f32 to vector<16xf32>
      %scan3A_170 = arith.constant 0 : i32
      %scan3A_171 = arith.constant 24 : i32
      %scan3A_172 = arith.addi %scan3A_170, %scan3A_171 : i32
      %scan3A_173 = arith.constant 1 : i32
      %scan3A_174 = scf.for %scan3A_185 = %scan3A_170 to %scan3A_172 step %scan3A_173 iter_args(%scan3A_186 = %broadcast_in_dim3A_169) -> (vector<16xf32>)  : i32 {
        %and3A_187 = arith.constant 3 : i32
        %and3A_188 = arith.andi %scan3A_185, %and3A_187 : i32
        %mul3A_189 = arith.constant 4 : i32
        %mul3A_190 = arith.muli %scan3A_185, %mul3A_189 : i32
        %add3A_191 = arith.constant 0 : i32
        %add3A_192 = arith.addi %mul3A_190, %add3A_191 : i32
        %get3A = arith.index_cast %add3A_192 : i32 to index
        %get3A_193 = arith.constant 0 : index
        %get3A_194 = tpu.vector_load %arg11[%get3A, %get3A_193] {strides = array<i32>} : memref<96x128xf32, #tpu.memory_space<vmem>>, vector<1x16xf32>,
        %get3A_195 = vector.shape_cast %get3A_194 : vector<1x16xf32> to vector<16xf32>
        %get3A_196 = arith.index_cast %add3A_192 : i32 to index
        %get3A_197 = arith.constant 0 : index
        %get3A_198 = tpu.vector_load %arg13[%get3A_196, %get3A_197] {strides = array<i32>} : memref<96x128xf32, #tpu.memory_space<vmem>>, vector<1x16xf32>,
        %get3A_199 = vector.shape_cast %get3A_198 : vector<1x16xf32> to vector<16xf32>
        %mul3A_200 = arith.mulf %get3A_195, %get3A_199 : vector<16xf32>
        %get3A_201 = arith.index_cast %add3A_192 : i32 to index
        %get3A_202 = arith.constant 16 : index
        %get3A_203 = tpu.vector_load %arg11[%get3A_201, %get3A_202] {strides = array<i32>} : memref<96x128xf32, #tpu.memory_space<vmem>>, vector<1x16xf32>,
        %get3A_204 = vector.shape_cast %get3A_203 : vector<1x16xf32> to vector<16xf32>
        %get3A_205 = arith.index_cast %add3A_192 : i32 to index
        %get3A_206 = arith.constant 16 : index
        %get3A_207 = tpu.vector_load %arg13[%get3A_205, %get3A_206] {strides = array<i32>} : memref<96x128xf32, #tpu.memory_space<vmem>>, vector<1x16xf32>,
        %get3A_208 = vector.shape_cast %get3A_207 : vector<1x16xf32> to vector<16xf32>
        %mul3A_209 = arith.mulf %get3A_204, %get3A_208 : vector<16xf32>
        %get3A_210 = arith.index_cast %add3A_192 : i32 to index
        %get3A_211 = arith.constant 32 : index
        %get3A_212 = tpu.vector_load %arg11[%get3A_210, %get3A_211] {strides = array<i32>} : memref<96x128xf32, #tpu.memory_space<vmem>>, vector<1x16xf32>,
        %get3A_213 = vector.shape_cast %get3A_212 : vector<1x16xf32> to vector<16xf32>
        %get3A_214 = arith.index_cast %add3A_192 : i32 to index
        %get3A_215 = arith.constant 32 : index
        %get3A_216 = tpu.vector_load %arg13[%get3A_214, %get3A_215] {strides = array<i32>} : memref<96x128xf32, #tpu.memory_space<vmem>>, vector<1x16xf32>,
        %get3A_217 = vector.shape_cast %get3A_216 : vector<1x16xf32> to vector<16xf32>
        %mul3A_218 = arith.mulf %get3A_213, %get3A_217 : vector<16xf32>
        %get3A_219 = arith.index_cast %add3A_192 : i32 to index
        %get3A_220 = arith.constant 48 : index
        %get3A_221 = tpu.vector_load %arg11[%get3A_219, %get3A_220] {strides = array<i32>} : memref<96x128xf32, #tpu.memory_space<vmem>>, vector<1x16xf32>,
        %get3A_222 = vector.shape_cast %get3A_221 : vector<1x16xf32> to vector<16xf32>
        %get3A_223 = arith.index_cast %add3A_192 : i32 to index
        %get3A_224 = arith.constant 48 : index
        %get3A_225 = tpu.vector_load %arg13[%get3A_223, %get3A_224] {strides = array<i32>} : memref<96x128xf32, #tpu.memory_space<vmem>>, vector<1x16xf32>,
        %get3A_226 = vector.shape_cast %get3A_225 : vector<1x16xf32> to vector<16xf32>
        %mul3A_227 = arith.mulf %get3A_222, %get3A_226 : vector<16xf32>
        %get3A_228 = arith.index_cast %add3A_192 : i32 to index
        %get3A_229 = arith.constant 64 : index
        %get3A_230 = tpu.vector_load %arg11[%get3A_228, %get3A_229] {strides = array<i32>} : memref<96x128xf32, #tpu.memory_space<vmem>>, vector<1x16xf32>,
        %get3A_231 = vector.shape_cast %get3A_230 : vector<1x16xf32> to vector<16xf32>
        %get3A_232 = arith.index_cast %add3A_192 : i32 to index
        %get3A_233 = arith.constant 64 : index
        %get3A_234 = tpu.vector_load %arg13[%get3A_232, %get3A_233] {strides = array<i32>} : memref<96x128xf32, #tpu.memory_space<vmem>>, vector<1x16xf32>,
        %get3A_235 = vector.shape_cast %get3A_234 : vector<1x16xf32> to vector<16xf32>
        %mul3A_236 = arith.mulf %get3A_231, %get3A_235 : vector<16xf32>
        %get3A_237 = arith.index_cast %add3A_192 : i32 to index
        %get3A_238 = arith.constant 80 : index
        %get3A_239 = tpu.vector_load %arg11[%get3A_237, %get3A_238] {strides = array<i32>} : memref<96x128xf32, #tpu.memory_space<vmem>>, vector<1x16xf32>,
        %get3A_240 = vector.shape_cast %get3A_239 : vector<1x16xf32> to vector<16xf32>
        %get3A_241 = arith.index_cast %add3A_192 : i32 to index
        %get3A_242 = arith.constant 80 : index
        %get3A_243 = tpu.vector_load %arg13[%get3A_241, %get3A_242] {strides = array<i32>} : memref<96x128xf32, #tpu.memory_space<vmem>>, vector<1x16xf32>,
        %get3A_244 = vector.shape_cast %get3A_243 : vector<1x16xf32> to vector<16xf32>
        %mul3A_245 = arith.mulf %get3A_240, %get3A_244 : vector<16xf32>
        %get3A_246 = arith.index_cast %add3A_192 : i32 to index
        %get3A_247 = arith.constant 96 : index
        %get3A_248 = tpu.vector_load %arg11[%get3A_246, %get3A_247] {strides = array<i32>} : memref<96x128xf32, #tpu.memory_space<vmem>>, vector<1x16xf32>,
        %get3A_249 = vector.shape_cast %get3A_248 : vector<1x16xf32> to vector<16xf32>
        %get3A_250 = arith.index_cast %add3A_192 : i32 to index
        %get3A_251 = arith.constant 96 : index
        %get3A_252 = tpu.vector_load %arg13[%get3A_250, %get3A_251] {strides = array<i32>} : memref<96x128xf32, #tpu.memory_space<vmem>>, vector<1x16xf32>,
        %get3A_253 = vector.shape_cast %get3A_252 : vector<1x16xf32> to vector<16xf32>
        %mul3A_254 = arith.mulf %get3A_249, %get3A_253 : vector<16xf32>
        %get3A_255 = arith.index_cast %add3A_192 : i32 to index
        %get3A_256 = arith.constant 112 : index
        %get3A_257 = tpu.vector_load %arg11[%get3A_255, %get3A_256] {strides = array<i32>} : memref<96x128xf32, #tpu.memory_space<vmem>>, vector<1x16xf32>,
        %get3A_258 = vector.shape_cast %get3A_257 : vector<1x16xf32> to vector<16xf32>
        %get3A_259 = arith.index_cast %add3A_192 : i32 to index
        %get3A_260 = arith.constant 112 : index
        %get3A_261 = tpu.vector_load %arg13[%get3A_259, %get3A_260] {strides = array<i32>} : memref<96x128xf32, #tpu.memory_space<vmem>>, vector<1x16xf32>,
        %get3A_262 = vector.shape_cast %get3A_261 : vector<1x16xf32> to vector<16xf32>
        %mul3A_263 = arith.mulf %get3A_258, %get3A_262 : vector<16xf32>
        %add3A_264 = arith.addf %mul3A_200, %mul3A_209 : vector<16xf32>
        %add3A_265 = arith.addf %mul3A_218, %mul3A_227 : vector<16xf32>
        %add3A_266 = arith.addf %add3A_264, %add3A_265 : vector<16xf32>
        %add3A_267 = arith.addf %mul3A_236, %mul3A_245 : vector<16xf32>
        %add3A_268 = arith.addf %mul3A_254, %mul3A_263 : vector<16xf32>
        %add3A_269 = arith.addf %add3A_267, %add3A_268 : vector<16xf32>
        %add3A_270 = arith.addf %add3A_266, %add3A_269 : vector<16xf32>
        %mul3A_271 = arith.constant 4 : i32
        %mul3A_272 = arith.muli %scan3A_185, %mul3A_271 : i32
        %add3A_273 = arith.constant 1 : i32
        %add3A_274 = arith.addi %mul3A_272, %add3A_273 : i32
        %get3A_275 = arith.index_cast %add3A_274 : i32 to index
        %get3A_276 = arith.constant 0 : index
        %get3A_277 = tpu.vector_load %arg11[%get3A_275, %get3A_276] {strides = array<i32>} : memref<96x128xf32, #tpu.memory_space<vmem>>, vector<1x16xf32>,
        %get3A_278 = vector.shape_cast %get3A_277 : vector<1x16xf32> to vector<16xf32>
        %get3A_279 = arith.index_cast %add3A_274 : i32 to index
        %get3A_280 = arith.constant 0 : index
        %get3A_281 = tpu.vector_load %arg13[%get3A_279, %get3A_280] {strides = array<i32>} : memref<96x128xf32, #tpu.memory_space<vmem>>, vector<1x16xf32>,
        %get3A_282 = vector.shape_cast %get3A_281 : vector<1x16xf32> to vector<16xf32>
        %mul3A_283 = arith.mulf %get3A_278, %get3A_282 : vector<16xf32>
        %get3A_284 = arith.index_cast %add3A_274 : i32 to index
        %get3A_285 = arith.constant 16 : index
        %get3A_286 = tpu.vector_load %arg11[%get3A_284, %get3A_285] {strides = array<i32>} : memref<96x128xf32, #tpu.memory_space<vmem>>, vector<1x16xf32>,
        %get3A_287 = vector.shape_cast %get3A_286 : vector<1x16xf32> to vector<16xf32>
        %get3A_288 = arith.index_cast %add3A_274 : i32 to index
        %get3A_289 = arith.constant 16 : index
        %get3A_290 = tpu.vector_load %arg13[%get3A_288, %get3A_289] {strides = array<i32>} : memref<96x128xf32, #tpu.memory_space<vmem>>, vector<1x16xf32>,
        %get3A_291 = vector.shape_cast %get3A_290 : vector<1x16xf32> to vector<16xf32>
        %mul3A_292 = arith.mulf %get3A_287, %get3A_291 : vector<16xf32>
        %get3A_293 = arith.index_cast %add3A_274 : i32 to index
        %get3A_294 = arith.constant 32 : index
        %get3A_295 = tpu.vector_load %arg11[%get3A_293, %get3A_294] {strides = array<i32>} : memref<96x128xf32, #tpu.memory_space<vmem>>, vector<1x16xf32>,
        %get3A_296 = vector.shape_cast %get3A_295 : vector<1x16xf32> to vector<16xf32>
        %get3A_297 = arith.index_cast %add3A_274 : i32 to index
        %get3A_298 = arith.constant 32 : index
        %get3A_299 = tpu.vector_load %arg13[%get3A_297, %get3A_298] {strides = array<i32>} : memref<96x128xf32, #tpu.memory_space<vmem>>, vector<1x16xf32>,
        %get3A_300 = vector.shape_cast %get3A_299 : vector<1x16xf32> to vector<16xf32>
        %mul3A_301 = arith.mulf %get3A_296, %get3A_300 : vector<16xf32>
        %get3A_302 = arith.index_cast %add3A_274 : i32 to index
        %get3A_303 = arith.constant 48 : index
        %get3A_304 = tpu.vector_load %arg11[%get3A_302, %get3A_303] {strides = array<i32>} : memref<96x128xf32, #tpu.memory_space<vmem>>, vector<1x16xf32>,
        %get3A_305 = vector.shape_cast %get3A_304 : vector<1x16xf32> to vector<16xf32>
        %get3A_306 = arith.index_cast %add3A_274 : i32 to index
        %get3A_307 = arith.constant 48 : index
        %get3A_308 = tpu.vector_load %arg13[%get3A_306, %get3A_307] {strides = array<i32>} : memref<96x128xf32, #tpu.memory_space<vmem>>, vector<1x16xf32>,
        %get3A_309 = vector.shape_cast %get3A_308 : vector<1x16xf32> to vector<16xf32>
        %mul3A_310 = arith.mulf %get3A_305, %get3A_309 : vector<16xf32>
        %get3A_311 = arith.index_cast %add3A_274 : i32 to index
        %get3A_312 = arith.constant 64 : index
        %get3A_313 = tpu.vector_load %arg11[%get3A_311, %get3A_312] {strides = array<i32>} : memref<96x128xf32, #tpu.memory_space<vmem>>, vector<1x16xf32>,
        %get3A_314 = vector.shape_cast %get3A_313 : vector<1x16xf32> to vector<16xf32>
        %get3A_315 = arith.index_cast %add3A_274 : i32 to index
        %get3A_316 = arith.constant 64 : index
        %get3A_317 = tpu.vector_load %arg13[%get3A_315, %get3A_316] {strides = array<i32>} : memref<96x128xf32, #tpu.memory_space<vmem>>, vector<1x16xf32>,
        %get3A_318 = vector.shape_cast %get3A_317 : vector<1x16xf32> to vector<16xf32>
        %mul3A_319 = arith.mulf %get3A_314, %get3A_318 : vector<16xf32>
        %get3A_320 = arith.index_cast %add3A_274 : i32 to index
        %get3A_321 = arith.constant 80 : index
        %get3A_322 = tpu.vector_load %arg11[%get3A_320, %get3A_321] {strides = array<i32>} : memref<96x128xf32, #tpu.memory_space<vmem>>, vector<1x16xf32>,
        %get3A_323 = vector.shape_cast %get3A_322 : vector<1x16xf32> to vector<16xf32>
        %get3A_324 = arith.index_cast %add3A_274 : i32 to index
        %get3A_325 = arith.constant 80 : index
        %get3A_326 = tpu.vector_load %arg13[%get3A_324, %get3A_325] {strides = array<i32>} : memref<96x128xf32, #tpu.memory_space<vmem>>, vector<1x16xf32>,
        %get3A_327 = vector.shape_cast %get3A_326 : vector<1x16xf32> to vector<16xf32>
        %mul3A_328 = arith.mulf %get3A_323, %get3A_327 : vector<16xf32>
        %get3A_329 = arith.index_cast %add3A_274 : i32 to index
        %get3A_330 = arith.constant 96 : index
        %get3A_331 = tpu.vector_load %arg11[%get3A_329, %get3A_330] {strides = array<i32>} : memref<96x128xf32, #tpu.memory_space<vmem>>, vector<1x16xf32>,
        %get3A_332 = vector.shape_cast %get3A_331 : vector<1x16xf32> to vector<16xf32>
        %get3A_333 = arith.index_cast %add3A_274 : i32 to index
        %get3A_334 = arith.constant 96 : index
        %get3A_335 = tpu.vector_load %arg13[%get3A_333, %get3A_334] {strides = array<i32>} : memref<96x128xf32, #tpu.memory_space<vmem>>, vector<1x16xf32>,
        %get3A_336 = vector.shape_cast %get3A_335 : vector<1x16xf32> to vector<16xf32>
        %mul3A_337 = arith.mulf %get3A_332, %get3A_336 : vector<16xf32>
        %get3A_338 = arith.index_cast %add3A_274 : i32 to index
        %get3A_339 = arith.constant 112 : index
        %get3A_340 = tpu.vector_load %arg11[%get3A_338, %get3A_339] {strides = array<i32>} : memref<96x128xf32, #tpu.memory_space<vmem>>, vector<1x16xf32>,
        %get3A_341 = vector.shape_cast %get3A_340 : vector<1x16xf32> to vector<16xf32>
        %get3A_342 = arith.index_cast %add3A_274 : i32 to index
        %get3A_343 = arith.constant 112 : index
        %get3A_344 = tpu.vector_load %arg13[%get3A_342, %get3A_343] {strides = array<i32>} : memref<96x128xf32, #tpu.memory_space<vmem>>, vector<1x16xf32>,
        %get3A_345 = vector.shape_cast %get3A_344 : vector<1x16xf32> to vector<16xf32>
        %mul3A_346 = arith.mulf %get3A_341, %get3A_345 : vector<16xf32>
        %add3A_347 = arith.addf %mul3A_283, %mul3A_292 : vector<16xf32>
        %add3A_348 = arith.addf %mul3A_301, %mul3A_310 : vector<16xf32>
        %add3A_349 = arith.addf %add3A_347, %add3A_348 : vector<16xf32>
        %add3A_350 = arith.addf %mul3A_319, %mul3A_328 : vector<16xf32>
        %add3A_351 = arith.addf %mul3A_337, %mul3A_346 : vector<16xf32>
        %add3A_352 = arith.addf %add3A_350, %add3A_351 : vector<16xf32>
        %add3A_353 = arith.addf %add3A_349, %add3A_352 : vector<16xf32>
        %mul3A_354 = arith.constant 4 : i32
        %mul3A_355 = arith.muli %scan3A_185, %mul3A_354 : i32
        %add3A_356 = arith.constant 2 : i32
        %add3A_357 = arith.addi %mul3A_355, %add3A_356 : i32
        %get3A_358 = arith.index_cast %add3A_357 : i32 to index
        %get3A_359 = arith.constant 0 : index
        %get3A_360 = tpu.vector_load %arg11[%get3A_358, %get3A_359] {strides = array<i32>} : memref<96x128xf32, #tpu.memory_space<vmem>>, vector<1x16xf32>,
        %get3A_361 = vector.shape_cast %get3A_360 : vector<1x16xf32> to vector<16xf32>
        %get3A_362 = arith.index_cast %add3A_357 : i32 to index
        %get3A_363 = arith.constant 0 : index
        %get3A_364 = tpu.vector_load %arg13[%get3A_362, %get3A_363] {strides = array<i32>} : memref<96x128xf32, #tpu.memory_space<vmem>>, vector<1x16xf32>,
        %get3A_365 = vector.shape_cast %get3A_364 : vector<1x16xf32> to vector<16xf32>
        %mul3A_366 = arith.mulf %get3A_361, %get3A_365 : vector<16xf32>
        %get3A_367 = arith.index_cast %add3A_357 : i32 to index
        %get3A_368 = arith.constant 16 : index
        %get3A_369 = tpu.vector_load %arg11[%get3A_367, %get3A_368] {strides = array<i32>} : memref<96x128xf32, #tpu.memory_space<vmem>>, vector<1x16xf32>,
        %get3A_370 = vector.shape_cast %get3A_369 : vector<1x16xf32> to vector<16xf32>
        %get3A_371 = arith.index_cast %add3A_357 : i32 to index
        %get3A_372 = arith.constant 16 : index
        %get3A_373 = tpu.vector_load %arg13[%get3A_371, %get3A_372] {strides = array<i32>} : memref<96x128xf32, #tpu.memory_space<vmem>>, vector<1x16xf32>,
        %get3A_374 = vector.shape_cast %get3A_373 : vector<1x16xf32> to vector<16xf32>
        %mul3A_375 = arith.mulf %get3A_370, %get3A_374 : vector<16xf32>
        %get3A_376 = arith.index_cast %add3A_357 : i32 to index
        %get3A_377 = arith.constant 32 : index
        %get3A_378 = tpu.vector_load %arg11[%get3A_376, %get3A_377] {strides = array<i32>} : memref<96x128xf32, #tpu.memory_space<vmem>>, vector<1x16xf32>,
        %get3A_379 = vector.shape_cast %get3A_378 : vector<1x16xf32> to vector<16xf32>
        %get3A_380 = arith.index_cast %add3A_357 : i32 to index
        %get3A_381 = arith.constant 32 : index
        %get3A_382 = tpu.vector_load %arg13[%get3A_380, %get3A_381] {strides = array<i32>} : memref<96x128xf32, #tpu.memory_space<vmem>>, vector<1x16xf32>,
        %get3A_383 = vector.shape_cast %get3A_382 : vector<1x16xf32> to vector<16xf32>
        %mul3A_384 = arith.mulf %get3A_379, %get3A_383 : vector<16xf32>
        %get3A_385 = arith.index_cast %add3A_357 : i32 to index
        %get3A_386 = arith.constant 48 : index
        %get3A_387 = tpu.vector_load %arg11[%get3A_385, %get3A_386] {strides = array<i32>} : memref<96x128xf32, #tpu.memory_space<vmem>>, vector<1x16xf32>,
        %get3A_388 = vector.shape_cast %get3A_387 : vector<1x16xf32> to vector<16xf32>
        %get3A_389 = arith.index_cast %add3A_357 : i32 to index
        %get3A_390 = arith.constant 48 : index
        %get3A_391 = tpu.vector_load %arg13[%get3A_389, %get3A_390] {strides = array<i32>} : memref<96x128xf32, #tpu.memory_space<vmem>>, vector<1x16xf32>,
        %get3A_392 = vector.shape_cast %get3A_391 : vector<1x16xf32> to vector<16xf32>
        %mul3A_393 = arith.mulf %get3A_388, %get3A_392 : vector<16xf32>
        %get3A_394 = arith.index_cast %add3A_357 : i32 to index
        %get3A_395 = arith.constant 64 : index
        %get3A_396 = tpu.vector_load %arg11[%get3A_394, %get3A_395] {strides = array<i32>} : memref<96x128xf32, #tpu.memory_space<vmem>>, vector<1x16xf32>,
        %get3A_397 = vector.shape_cast %get3A_396 : vector<1x16xf32> to vector<16xf32>
        %get3A_398 = arith.index_cast %add3A_357 : i32 to index
        %get3A_399 = arith.constant 64 : index
        %get3A_400 = tpu.vector_load %arg13[%get3A_398, %get3A_399] {strides = array<i32>} : memref<96x128xf32, #tpu.memory_space<vmem>>, vector<1x16xf32>,
        %get3A_401 = vector.shape_cast %get3A_400 : vector<1x16xf32> to vector<16xf32>
        %mul3A_402 = arith.mulf %get3A_397, %get3A_401 : vector<16xf32>
        %get3A_403 = arith.index_cast %add3A_357 : i32 to index
        %get3A_404 = arith.constant 80 : index
        %get3A_405 = tpu.vector_load %arg11[%get3A_403, %get3A_404] {strides = array<i32>} : memref<96x128xf32, #tpu.memory_space<vmem>>, vector<1x16xf32>,
        %get3A_406 = vector.shape_cast %get3A_405 : vector<1x16xf32> to vector<16xf32>
        %get3A_407 = arith.index_cast %add3A_357 : i32 to index
        %get3A_408 = arith.constant 80 : index
        %get3A_409 = tpu.vector_load %arg13[%get3A_407, %get3A_408] {strides = array<i32>} : memref<96x128xf32, #tpu.memory_space<vmem>>, vector<1x16xf32>,
        %get3A_410 = vector.shape_cast %get3A_409 : vector<1x16xf32> to vector<16xf32>
        %mul3A_411 = arith.mulf %get3A_406, %get3A_410 : vector<16xf32>
        %get3A_412 = arith.index_cast %add3A_357 : i32 to index
        %get3A_413 = arith.constant 96 : index
        %get3A_414 = tpu.vector_load %arg11[%get3A_412, %get3A_413] {strides = array<i32>} : memref<96x128xf32, #tpu.memory_space<vmem>>, vector<1x16xf32>,
        %get3A_415 = vector.shape_cast %get3A_414 : vector<1x16xf32> to vector<16xf32>
        %get3A_416 = arith.index_cast %add3A_357 : i32 to index
        %get3A_417 = arith.constant 96 : index
        %get3A_418 = tpu.vector_load %arg13[%get3A_416, %get3A_417] {strides = array<i32>} : memref<96x128xf32, #tpu.memory_space<vmem>>, vector<1x16xf32>,
        %get3A_419 = vector.shape_cast %get3A_418 : vector<1x16xf32> to vector<16xf32>
        %mul3A_420 = arith.mulf %get3A_415, %get3A_419 : vector<16xf32>
        %get3A_421 = arith.index_cast %add3A_357 : i32 to index
        %get3A_422 = arith.constant 112 : index
        %get3A_423 = tpu.vector_load %arg11[%get3A_421, %get3A_422] {strides = array<i32>} : memref<96x128xf32, #tpu.memory_space<vmem>>, vector<1x16xf32>,
        %get3A_424 = vector.shape_cast %get3A_423 : vector<1x16xf32> to vector<16xf32>
        %get3A_425 = arith.index_cast %add3A_357 : i32 to index
        %get3A_426 = arith.constant 112 : index
        %get3A_427 = tpu.vector_load %arg13[%get3A_425, %get3A_426] {strides = array<i32>} : memref<96x128xf32, #tpu.memory_space<vmem>>, vector<1x16xf32>,
        %get3A_428 = vector.shape_cast %get3A_427 : vector<1x16xf32> to vector<16xf32>
        %mul3A_429 = arith.mulf %get3A_424, %get3A_428 : vector<16xf32>
        %add3A_430 = arith.addf %mul3A_366, %mul3A_375 : vector<16xf32>
        %add3A_431 = arith.addf %mul3A_384, %mul3A_393 : vector<16xf32>
        %add3A_432 = arith.addf %add3A_430, %add3A_431 : vector<16xf32>
        %add3A_433 = arith.addf %mul3A_402, %mul3A_411 : vector<16xf32>
        %add3A_434 = arith.addf %mul3A_420, %mul3A_429 : vector<16xf32>
        %add3A_435 = arith.addf %add3A_433, %add3A_434 : vector<16xf32>
        %add3A_436 = arith.addf %add3A_432, %add3A_435 : vector<16xf32>
        %mul3A_437 = arith.constant 4 : i32
        %mul3A_438 = arith.muli %scan3A_185, %mul3A_437 : i32
        %add3A_439 = arith.constant 3 : i32
        %add3A_440 = arith.addi %mul3A_438, %add3A_439 : i32
        %get3A_441 = arith.index_cast %add3A_440 : i32 to index
        %get3A_442 = arith.constant 0 : index
        %get3A_443 = tpu.vector_load %arg11[%get3A_441, %get3A_442] {strides = array<i32>} : memref<96x128xf32, #tpu.memory_space<vmem>>, vector<1x16xf32>,
        %get3A_444 = vector.shape_cast %get3A_443 : vector<1x16xf32> to vector<16xf32>
        %get3A_445 = arith.index_cast %add3A_440 : i32 to index
        %get3A_446 = arith.constant 0 : index
        %get3A_447 = tpu.vector_load %arg13[%get3A_445, %get3A_446] {strides = array<i32>} : memref<96x128xf32, #tpu.memory_space<vmem>>, vector<1x16xf32>,
        %get3A_448 = vector.shape_cast %get3A_447 : vector<1x16xf32> to vector<16xf32>
        %mul3A_449 = arith.mulf %get3A_444, %get3A_448 : vector<16xf32>
        %get3A_450 = arith.index_cast %add3A_440 : i32 to index
        %get3A_451 = arith.constant 16 : index
        %get3A_452 = tpu.vector_load %arg11[%get3A_450, %get3A_451] {strides = array<i32>} : memref<96x128xf32, #tpu.memory_space<vmem>>, vector<1x16xf32>,
        %get3A_453 = vector.shape_cast %get3A_452 : vector<1x16xf32> to vector<16xf32>
        %get3A_454 = arith.index_cast %add3A_440 : i32 to index
        %get3A_455 = arith.constant 16 : index
        %get3A_456 = tpu.vector_load %arg13[%get3A_454, %get3A_455] {strides = array<i32>} : memref<96x128xf32, #tpu.memory_space<vmem>>, vector<1x16xf32>,
        %get3A_457 = vector.shape_cast %get3A_456 : vector<1x16xf32> to vector<16xf32>
        %mul3A_458 = arith.mulf %get3A_453, %get3A_457 : vector<16xf32>
        %get3A_459 = arith.index_cast %add3A_440 : i32 to index
        %get3A_460 = arith.constant 32 : index
        %get3A_461 = tpu.vector_load %arg11[%get3A_459, %get3A_460] {strides = array<i32>} : memref<96x128xf32, #tpu.memory_space<vmem>>, vector<1x16xf32>,
        %get3A_462 = vector.shape_cast %get3A_461 : vector<1x16xf32> to vector<16xf32>
        %get3A_463 = arith.index_cast %add3A_440 : i32 to index
        %get3A_464 = arith.constant 32 : index
        %get3A_465 = tpu.vector_load %arg13[%get3A_463, %get3A_464] {strides = array<i32>} : memref<96x128xf32, #tpu.memory_space<vmem>>, vector<1x16xf32>,
        %get3A_466 = vector.shape_cast %get3A_465 : vector<1x16xf32> to vector<16xf32>
        %mul3A_467 = arith.mulf %get3A_462, %get3A_466 : vector<16xf32>
        %get3A_468 = arith.index_cast %add3A_440 : i32 to index
        %get3A_469 = arith.constant 48 : index
        %get3A_470 = tpu.vector_load %arg11[%get3A_468, %get3A_469] {strides = array<i32>} : memref<96x128xf32, #tpu.memory_space<vmem>>, vector<1x16xf32>,
        %get3A_471 = vector.shape_cast %get3A_470 : vector<1x16xf32> to vector<16xf32>
        %get3A_472 = arith.index_cast %add3A_440 : i32 to index
        %get3A_473 = arith.constant 48 : index
        %get3A_474 = tpu.vector_load %arg13[%get3A_472, %get3A_473] {strides = array<i32>} : memref<96x128xf32, #tpu.memory_space<vmem>>, vector<1x16xf32>,
        %get3A_475 = vector.shape_cast %get3A_474 : vector<1x16xf32> to vector<16xf32>
        %mul3A_476 = arith.mulf %get3A_471, %get3A_475 : vector<16xf32>
        %get3A_477 = arith.index_cast %add3A_440 : i32 to index
        %get3A_478 = arith.constant 64 : index
        %get3A_479 = tpu.vector_load %arg11[%get3A_477, %get3A_478] {strides = array<i32>} : memref<96x128xf32, #tpu.memory_space<vmem>>, vector<1x16xf32>,
        %get3A_480 = vector.shape_cast %get3A_479 : vector<1x16xf32> to vector<16xf32>
        %get3A_481 = arith.index_cast %add3A_440 : i32 to index
        %get3A_482 = arith.constant 64 : index
        %get3A_483 = tpu.vector_load %arg13[%get3A_481, %get3A_482] {strides = array<i32>} : memref<96x128xf32, #tpu.memory_space<vmem>>, vector<1x16xf32>,
        %get3A_484 = vector.shape_cast %get3A_483 : vector<1x16xf32> to vector<16xf32>
        %mul3A_485 = arith.mulf %get3A_480, %get3A_484 : vector<16xf32>
        %get3A_486 = arith.index_cast %add3A_440 : i32 to index
        %get3A_487 = arith.constant 80 : index
        %get3A_488 = tpu.vector_load %arg11[%get3A_486, %get3A_487] {strides = array<i32>} : memref<96x128xf32, #tpu.memory_space<vmem>>, vector<1x16xf32>,
        %get3A_489 = vector.shape_cast %get3A_488 : vector<1x16xf32> to vector<16xf32>
        %get3A_490 = arith.index_cast %add3A_440 : i32 to index
        %get3A_491 = arith.constant 80 : index
        %get3A_492 = tpu.vector_load %arg13[%get3A_490, %get3A_491] {strides = array<i32>} : memref<96x128xf32, #tpu.memory_space<vmem>>, vector<1x16xf32>,
        %get3A_493 = vector.shape_cast %get3A_492 : vector<1x16xf32> to vector<16xf32>
        %mul3A_494 = arith.mulf %get3A_489, %get3A_493 : vector<16xf32>
        %get3A_495 = arith.index_cast %add3A_440 : i32 to index
        %get3A_496 = arith.constant 96 : index
        %get3A_497 = tpu.vector_load %arg11[%get3A_495, %get3A_496] {strides = array<i32>} : memref<96x128xf32, #tpu.memory_space<vmem>>, vector<1x16xf32>,
        %get3A_498 = vector.shape_cast %get3A_497 : vector<1x16xf32> to vector<16xf32>
        %get3A_499 = arith.index_cast %add3A_440 : i32 to index
        %get3A_500 = arith.constant 96 : index
        %get3A_501 = tpu.vector_load %arg13[%get3A_499, %get3A_500] {strides = array<i32>} : memref<96x128xf32, #tpu.memory_space<vmem>>, vector<1x16xf32>,
        %get3A_502 = vector.shape_cast %get3A_501 : vector<1x16xf32> to vector<16xf32>
        %mul3A_503 = arith.mulf %get3A_498, %get3A_502 : vector<16xf32>
        %get3A_504 = arith.index_cast %add3A_440 : i32 to index
        %get3A_505 = arith.constant 112 : index
        %get3A_506 = tpu.vector_load %arg11[%get3A_504, %get3A_505] {strides = array<i32>} : memref<96x128xf32, #tpu.memory_space<vmem>>, vector<1x16xf32>,
        %get3A_507 = vector.shape_cast %get3A_506 : vector<1x16xf32> to vector<16xf32>
        %get3A_508 = arith.index_cast %add3A_440 : i32 to index
        %get3A_509 = arith.constant 112 : index
        %get3A_510 = tpu.vector_load %arg13[%get3A_508, %get3A_509] {strides = array<i32>} : memref<96x128xf32, #tpu.memory_space<vmem>>, vector<1x16xf32>,
        %get3A_511 = vector.shape_cast %get3A_510 : vector<1x16xf32> to vector<16xf32>
        %mul3A_512 = arith.mulf %get3A_507, %get3A_511 : vector<16xf32>
        %add3A_513 = arith.addf %mul3A_449, %mul3A_458 : vector<16xf32>
        %add3A_514 = arith.addf %mul3A_467, %mul3A_476 : vector<16xf32>
        %add3A_515 = arith.addf %add3A_513, %add3A_514 : vector<16xf32>
        %add3A_516 = arith.addf %mul3A_485, %mul3A_494 : vector<16xf32>
        %add3A_517 = arith.addf %mul3A_503, %mul3A_512 : vector<16xf32>
        %add3A_518 = arith.addf %add3A_516, %add3A_517 : vector<16xf32>
        %add3A_519 = arith.addf %add3A_515, %add3A_518 : vector<16xf32>
        %xor3A = arith.constant 8 : i32
        %xor3A_520 = vector.broadcast %xor3A : i32 to vector<16xi32>
        %xor3A_521 = arith.xori %iota3A, %xor3A_520 : vector<16xi32>
        %lt3A_522 = arith.constant 0 : i32
        %lt3A_523 = vector.broadcast %lt3A_522 : i32 to vector<16xi32>
        %lt3A_524 = arith.cmpi slt, %xor3A_521, %lt3A_523 : vector<16xi32>
        %add3A_525 = arith.constant 16 : i32
        %add3A_526 = vector.broadcast %add3A_525 : i32 to vector<16xi32>
        %add3A_527 = arith.addi %xor3A_521, %add3A_526 : vector<16xi32>
        %select_n3A = arith.select %lt3A_524, %add3A_527, %xor3A_521 : vector<16xi1>, vector<16xi32>
        %broadcast_in_dim3A_528 = vector.shape_cast %select_n3A : vector<16xi32> to vector<16x1xi32>
        %gather3A = vector.shape_cast %broadcast_in_dim3A_528 : vector<16x1xi32> to vector<16xi32>
        %gather3A_529 = tpu.dynamic_gather %add3A_270[%gather3A] in [0] : vector<16xf32>, vector<16xi32> -> vector<16xf32>
        %add3A_530 = arith.addf %add3A_270, %gather3A_529 : vector<16xf32>
        %xor3A_531 = arith.constant 8 : i32
        %xor3A_532 = vector.broadcast %xor3A_531 : i32 to vector<16xi32>
        %xor3A_533 = arith.xori %iota3A, %xor3A_532 : vector<16xi32>
        %lt3A_534 = arith.constant 0 : i32
        %lt3A_535 = vector.broadcast %lt3A_534 : i32 to vector<16xi32>
        %lt3A_536 = arith.cmpi slt, %xor3A_533, %lt3A_535 : vector<16xi32>
        %add3A_537 = arith.constant 16 : i32
        %add3A_538 = vector.broadcast %add3A_537 : i32 to vector<16xi32>
        %add3A_539 = arith.addi %xor3A_533, %add3A_538 : vector<16xi32>
        %select_n3A_540 = arith.select %lt3A_536, %add3A_539, %xor3A_533 : vector<16xi1>, vector<16xi32>
        %broadcast_in_dim3A_541 = vector.shape_cast %select_n3A_540 : vector<16xi32> to vector<16x1xi32>
        %gather3A_542 = vector.shape_cast %broadcast_in_dim3A_541 : vector<16x1xi32> to vector<16xi32>
        %gather3A_543 = tpu.dynamic_gather %add3A_353[%gather3A_542] in [0] : vector<16xf32>, vector<16xi32> -> vector<16xf32>
        %add3A_544 = arith.addf %add3A_353, %gather3A_543 : vector<16xf32>
        %select_n3A_545 = arith.select %lt3A_11, %add3A_530, %add3A_544 : vector<16xi1>, vector<16xf32>
        %xor3A_546 = arith.constant 8 : i32
        %xor3A_547 = vector.broadcast %xor3A_546 : i32 to vector<16xi32>
        %xor3A_548 = arith.xori %iota3A, %xor3A_547 : vector<16xi32>
        %lt3A_549 = arith.constant 0 : i32
        %lt3A_550 = vector.broadcast %lt3A_549 : i32 to vector<16xi32>
        %lt3A_551 = arith.cmpi slt, %xor3A_548, %lt3A_550 : vector<16xi32>
        %add3A_552 = arith.constant 16 : i32
        %add3A_553 = vector.broadcast %add3A_552 : i32 to vector<16xi32>
        %add3A_554 = arith.addi %xor3A_548, %add3A_553 : vector<16xi32>
        %select_n3A_555 = arith.select %lt3A_551, %add3A_554, %xor3A_548 : vector<16xi1>, vector<16xi32>
        %broadcast_in_dim3A_556 = vector.shape_cast %select_n3A_555 : vector<16xi32> to vector<16x1xi32>
        %gather3A_557 = vector.shape_cast %broadcast_in_dim3A_556 : vector<16x1xi32> to vector<16xi32>
        %gather3A_558 = tpu.dynamic_gather %add3A_436[%gather3A_557] in [0] : vector<16xf32>, vector<16xi32> -> vector<16xf32>
        %add3A_559 = arith.addf %add3A_436, %gather3A_558 : vector<16xf32>
        %xor3A_560 = arith.constant 8 : i32
        %xor3A_561 = vector.broadcast %xor3A_560 : i32 to vector<16xi32>
        %xor3A_562 = arith.xori %iota3A, %xor3A_561 : vector<16xi32>
        %lt3A_563 = arith.constant 0 : i32
        %lt3A_564 = vector.broadcast %lt3A_563 : i32 to vector<16xi32>
        %lt3A_565 = arith.cmpi slt, %xor3A_562, %lt3A_564 : vector<16xi32>
        %add3A_566 = arith.constant 16 : i32
        %add3A_567 = vector.broadcast %add3A_566 : i32 to vector<16xi32>
        %add3A_568 = arith.addi %xor3A_562, %add3A_567 : vector<16xi32>
        %select_n3A_569 = arith.select %lt3A_565, %add3A_568, %xor3A_562 : vector<16xi1>, vector<16xi32>
        %broadcast_in_dim3A_570 = vector.shape_cast %select_n3A_569 : vector<16xi32> to vector<16x1xi32>
        %gather3A_571 = vector.shape_cast %broadcast_in_dim3A_570 : vector<16x1xi32> to vector<16xi32>
        %gather3A_572 = tpu.dynamic_gather %add3A_519[%gather3A_571] in [0] : vector<16xf32>, vector<16xi32> -> vector<16xf32>
        %add3A_573 = arith.addf %add3A_519, %gather3A_572 : vector<16xf32>
        %select_n3A_574 = arith.select %lt3A_11, %add3A_559, %add3A_573 : vector<16xi1>, vector<16xf32>
        %xor3A_575 = arith.constant 4 : i32
        %xor3A_576 = vector.broadcast %xor3A_575 : i32 to vector<16xi32>
        %xor3A_577 = arith.xori %iota3A, %xor3A_576 : vector<16xi32>
        %lt3A_578 = arith.constant 0 : i32
        %lt3A_579 = vector.broadcast %lt3A_578 : i32 to vector<16xi32>
        %lt3A_580 = arith.cmpi slt, %xor3A_577, %lt3A_579 : vector<16xi32>
        %add3A_581 = arith.constant 16 : i32
        %add3A_582 = vector.broadcast %add3A_581 : i32 to vector<16xi32>
        %add3A_583 = arith.addi %xor3A_577, %add3A_582 : vector<16xi32>
        %select_n3A_584 = arith.select %lt3A_580, %add3A_583, %xor3A_577 : vector<16xi1>, vector<16xi32>
        %broadcast_in_dim3A_585 = vector.shape_cast %select_n3A_584 : vector<16xi32> to vector<16x1xi32>
        %gather3A_586 = vector.shape_cast %broadcast_in_dim3A_585 : vector<16x1xi32> to vector<16xi32>
        %gather3A_587 = tpu.dynamic_gather %select_n3A_545[%gather3A_586] in [0] : vector<16xf32>, vector<16xi32> -> vector<16xf32>
        %add3A_588 = arith.addf %select_n3A_545, %gather3A_587 : vector<16xf32>
        %xor3A_589 = arith.constant 4 : i32
        %xor3A_590 = vector.broadcast %xor3A_589 : i32 to vector<16xi32>
        %xor3A_591 = arith.xori %iota3A, %xor3A_590 : vector<16xi32>
        %lt3A_592 = arith.constant 0 : i32
        %lt3A_593 = vector.broadcast %lt3A_592 : i32 to vector<16xi32>
        %lt3A_594 = arith.cmpi slt, %xor3A_591, %lt3A_593 : vector<16xi32>
        %add3A_595 = arith.constant 16 : i32
        %add3A_596 = vector.broadcast %add3A_595 : i32 to vector<16xi32>
        %add3A_597 = arith.addi %xor3A_591, %add3A_596 : vector<16xi32>
        %select_n3A_598 = arith.select %lt3A_594, %add3A_597, %xor3A_591 : vector<16xi1>, vector<16xi32>
        %broadcast_in_dim3A_599 = vector.shape_cast %select_n3A_598 : vector<16xi32> to vector<16x1xi32>
        %gather3A_600 = vector.shape_cast %broadcast_in_dim3A_599 : vector<16x1xi32> to vector<16xi32>
        %gather3A_601 = tpu.dynamic_gather %select_n3A_574[%gather3A_600] in [0] : vector<16xf32>, vector<16xi32> -> vector<16xf32>
        %add3A_602 = arith.addf %select_n3A_574, %gather3A_601 : vector<16xf32>
        %select_n3A_603 = arith.select %eq3A_16, %add3A_588, %add3A_602 : vector<16xi1>, vector<16xf32>
        %xor3A_604 = arith.constant 2 : i32
        %xor3A_605 = vector.broadcast %xor3A_604 : i32 to vector<16xi32>
        %xor3A_606 = arith.xori %iota3A, %xor3A_605 : vector<16xi32>
        %lt3A_607 = arith.constant 0 : i32
        %lt3A_608 = vector.broadcast %lt3A_607 : i32 to vector<16xi32>
        %lt3A_609 = arith.cmpi slt, %xor3A_606, %lt3A_608 : vector<16xi32>
        %add3A_610 = arith.constant 16 : i32
        %add3A_611 = vector.broadcast %add3A_610 : i32 to vector<16xi32>
        %add3A_612 = arith.addi %xor3A_606, %add3A_611 : vector<16xi32>
        %select_n3A_613 = arith.select %lt3A_609, %add3A_612, %xor3A_606 : vector<16xi1>, vector<16xi32>
        %broadcast_in_dim3A_614 = vector.shape_cast %select_n3A_613 : vector<16xi32> to vector<16x1xi32>
        %gather3A_615 = vector.shape_cast %broadcast_in_dim3A_614 : vector<16x1xi32> to vector<16xi32>
        %gather3A_616 = tpu.dynamic_gather %select_n3A_603[%gather3A_615] in [0] : vector<16xf32>, vector<16xi32> -> vector<16xf32>
        %add3A_617 = arith.addf %select_n3A_603, %gather3A_616 : vector<16xf32>
        %xor3A_618 = arith.constant 1 : i32
        %xor3A_619 = vector.broadcast %xor3A_618 : i32 to vector<16xi32>
        %xor3A_620 = arith.xori %iota3A, %xor3A_619 : vector<16xi32>
        %lt3A_621 = arith.constant 0 : i32
        %lt3A_622 = vector.broadcast %lt3A_621 : i32 to vector<16xi32>
        %lt3A_623 = arith.cmpi slt, %xor3A_620, %lt3A_622 : vector<16xi32>
        %add3A_624 = arith.constant 16 : i32
        %add3A_625 = vector.broadcast %add3A_624 : i32 to vector<16xi32>
        %add3A_626 = arith.addi %xor3A_620, %add3A_625 : vector<16xi32>
        %select_n3A_627 = arith.select %lt3A_623, %add3A_626, %xor3A_620 : vector<16xi1>, vector<16xi32>
        %broadcast_in_dim3A_628 = vector.shape_cast %select_n3A_627 : vector<16xi32> to vector<16x1xi32>
        %gather3A_629 = vector.shape_cast %broadcast_in_dim3A_628 : vector<16x1xi32> to vector<16xi32>
        %gather3A_630 = tpu.dynamic_gather %add3A_617[%gather3A_629] in [0] : vector<16xf32>, vector<16xi32> -> vector<16xf32>
        %add3A_631 = arith.addf %add3A_617, %gather3A_630 : vector<16xf32>
        %eq3A_632 = arith.constant 0 : i32
        %eq3A_633 = arith.cmpi eq, %and3A_188, %eq3A_632 : i32
        %broadcast_in_dim3A_634 = arith.constant 0.000000e+00 : f32
        %broadcast_in_dim3A_635 = vector.broadcast %broadcast_in_dim3A_634 : f32 to vector<16xf32>
        %select_n3A_636 = arith.select %eq3A_633, %broadcast_in_dim3A_635, %scan3A_186 : vector<16xf32>
        %shift_right_arithmetic3A_637 = arith.constant 2 : i32
        %shift_right_arithmetic3A_638 = vector.broadcast %shift_right_arithmetic3A_637 : i32 to vector<16xi32>
        %shift_right_arithmetic3A_639 = arith.shrsi %iota3A, %shift_right_arithmetic3A_638 : vector<16xi32>
        %eq3A_640 = vector.broadcast %and3A_188 : i32 to vector<16xi32>
        %eq3A_641 = arith.cmpi eq, %shift_right_arithmetic3A_639, %eq3A_640 : vector<16xi32>
        %lt3A_642 = arith.constant 0 : i32
        %lt3A_643 = vector.broadcast %lt3A_642 : i32 to vector<16xi32>
        %lt3A_644 = arith.cmpi slt, %add3A_31, %lt3A_643 : vector<16xi32>
        %add3A_645 = arith.constant 16 : i32
        %add3A_646 = vector.broadcast %add3A_645 : i32 to vector<16xi32>
        %add3A_647 = arith.addi %add3A_31, %add3A_646 : vector<16xi32>
        %select_n3A_648 = arith.select %lt3A_644, %add3A_647, %add3A_31 : vector<16xi1>, vector<16xi32>
        %broadcast_in_dim3A_649 = vector.shape_cast %select_n3A_648 : vector<16xi32> to vector<16x1xi32>
        %gather3A_650 = vector.shape_cast %broadcast_in_dim3A_649 : vector<16x1xi32> to vector<16xi32>
        %gather3A_651 = tpu.dynamic_gather %add3A_631[%gather3A_650] in [0] : vector<16xf32>, vector<16xi32> -> vector<16xf32>
        %select_n3A_652 = arith.select %eq3A_641, %gather3A_651, %select_n3A_636 : vector<16xi1>, vector<16xf32>
        %shift_right_arithmetic3A_653 = arith.constant 2 : i32
        %shift_right_arithmetic3A_654 = arith.shrsi %scan3A_185, %shift_right_arithmetic3A_653 : i32
        %mul3A_655 = arith.constant 16 : i32
        %mul3A_656 = arith.muli %shift_right_arithmetic3A_654, %mul3A_655 : i32
        %swap3A = arith.index_cast %mul3A_656 : i32 to index
        %swap3A_657 = tpu.vector_load %arg15[%swap3A] {strides = array<i32>} : memref<96xf32, #tpu.memory_space<vmem>>, vector<16xf32>,
        %swap3A_658 = vector.shape_cast %swap3A_657 : vector<16xf32> to vector<16xf32>
        %swap3A_659 = vector.shape_cast %select_n3A_652 : vector<16xf32> to vector<16xf32>
        tpu.vector_store %arg15[%swap3A], %swap3A_659 {strides = array<i32>} : memref<96xf32, #tpu.memory_space<vmem>>, vector<16xf32>,
        scf.yield %select_n3A_652 : vector<16xf32>
      }
      %scan3A_175 = arith.constant 24 : i32
      %add3A_176 = arith.addi %mul3A_2, %add3A_98 : i32
      %dma_start3A_177 = tpu.memref_slice %arg5[%add3A_176] : memref<320000xf32, #tpu.memory_space<hbm>> -> memref<96xf32, #tpu.memory_space<hbm>>
      %dma_start3A_178 = tpu.memref_slice %arg5[%add3A_176] : memref<320000xf32, #tpu.memory_space<hbm>> -> memref<96xf32, #tpu.memory_space<hbm>>
      tpu.enqueue_dma source(%arg15 : memref<96xf32, #tpu.memory_space<vmem>>) target(%dma_start3A_178 : memref<96xf32, #tpu.memory_space<hbm>>) target_semaphore(%arg21 : memref<!tpu.dma_semaphore, #tpu.memory_space<semaphore_mem>>)
      %dma_wait3A_179 = arith.constant 0 : i32
      %dma_wait3A_180 = arith.constant 0 : i32
      %dma_wait3A_181 = tpu.memref_slice %arg24[%dma_wait3A_179, %dma_wait3A_180] : memref<10000x128xf32, #tpu.memory_space<vmem_shared>> -> memref<10000x128xf32, #tpu.memory_space<vmem_shared>>
      tpu.wait_indirect_dma semaphore(%arg16 : memref<!tpu.dma_semaphore, #tpu.memory_space<semaphore_mem>>) src(%dma_wait3A_181 : memref<10000x128xf32, #tpu.memory_space<vmem_shared>>) dst(%arg10 : memref<96x128xf32, #tpu.memory_space<vmem>>)
      %dma_wait3A_182 = arith.constant 0 : i32
      %dma_wait3A_183 = arith.constant 0 : i32
      %dma_wait3A_184 = tpu.memref_slice %arg3[%dma_wait3A_182, %dma_wait3A_183] : memref<10000x128xf32, #tpu.memory_space<hbm>> -> memref<10000x128xf32, #tpu.memory_space<hbm>>
      tpu.wait_indirect_dma semaphore(%arg18 : memref<!tpu.dma_semaphore, #tpu.memory_space<semaphore_mem>>) src(%dma_wait3A_184 : memref<10000x128xf32, #tpu.memory_space<hbm>>) dst(%arg12 : memref<96x128xf32, #tpu.memory_space<vmem>>)
    }
    %scan3A_70 = arith.constant 52 : i32
    %dma_wait3A_71 = tpu.memref_slice %arg4[%mul3A_2] : memref<640000xi32, #tpu.memory_space<hbm>> -> memref<96xi32, #tpu.memory_space<hbm>>
    %dma_wait3A_72 = tpu.memref_slice %arg4[%mul3A_2] : memref<640000xi32, #tpu.memory_space<hbm>> -> memref<96xi32, #tpu.memory_space<hbm>>
    tpu.wait_dma2 semaphore(%arg23 : memref<!tpu.dma_semaphore, #tpu.memory_space<semaphore_mem>>) src(%dma_wait3A_72 : memref<96xi32, #tpu.memory_space<hbm>>) dst(%arg7 : memref<96xi32, #tpu.memory_space<vmem>>)
    %dma_wait3A_73 = tpu.memref_slice %arg4[%mul3A_2] : memref<640000xi32, #tpu.memory_space<hbm>> -> memref<96xi32, #tpu.memory_space<hbm>>
    %dma_wait3A_74 = tpu.memref_slice %arg4[%mul3A_2] : memref<640000xi32, #tpu.memory_space<hbm>> -> memref<96xi32, #tpu.memory_space<hbm>>
    tpu.wait_dma2 semaphore(%arg23 : memref<!tpu.dma_semaphore, #tpu.memory_space<semaphore_mem>>) src(%dma_wait3A_74 : memref<96xi32, #tpu.memory_space<hbm>>) dst(%arg9 : memref<96xi32, #tpu.memory_space<vmem>>)
    %dma_wait3A_75 = tpu.memref_slice %arg5[%mul3A_2] : memref<320000xf32, #tpu.memory_space<hbm>> -> memref<96xf32, #tpu.memory_space<hbm>>
    %dma_wait3A_76 = tpu.memref_slice %arg5[%mul3A_2] : memref<320000xf32, #tpu.memory_space<hbm>> -> memref<96xf32, #tpu.memory_space<hbm>>
    tpu.wait_dma2 semaphore(%arg20 : memref<!tpu.dma_semaphore, #tpu.memory_space<semaphore_mem>>) src(%arg14 : memref<96xf32, #tpu.memory_space<vmem>>) dst(%dma_wait3A_76 : memref<96xf32, #tpu.memory_space<hbm>>)
    %broadcast_in_dim3A = arith.constant 0.000000e+00 : f32
    %broadcast_in_dim3A_77 = vector.broadcast %broadcast_in_dim3A : f32 to vector<16xf32>
    %scan3A_78 = arith.constant 0 : i32
    %scan3A_79 = arith.constant 24 : i32
    %scan3A_80 = arith.addi %scan3A_78, %scan3A_79 : i32
    %scan3A_81 = arith.constant 1 : i32
    %scan3A_82 = scf.for %scan3A_92 = %scan3A_78 to %scan3A_80 step %scan3A_81 iter_args(%scan3A_93 = %broadcast_in_dim3A_77) -> (vector<16xf32>)  : i32 {
      %and3A_94 = arith.constant 3 : i32
      %and3A_95 = arith.andi %scan3A_92, %and3A_94 : i32
      %mul3A_96 = arith.constant 4 : i32
      %mul3A_97 = arith.muli %scan3A_92, %mul3A_96 : i32
      %add3A_98 = arith.constant 0 : i32
      %add3A_99 = arith.addi %mul3A_97, %add3A_98 : i32
      %get3A = arith.index_cast %add3A_99 : i32 to index
      %get3A_100 = arith.constant 0 : index
      %get3A_101 = tpu.vector_load %arg10[%get3A, %get3A_100] {strides = array<i32>} : memref<96x128xf32, #tpu.memory_space<vmem>>, vector<1x16xf32>,
      %get3A_102 = vector.shape_cast %get3A_101 : vector<1x16xf32> to vector<16xf32>
      %get3A_103 = arith.index_cast %add3A_99 : i32 to index
      %get3A_104 = arith.constant 0 : index
      %get3A_105 = tpu.vector_load %arg12[%get3A_103, %get3A_104] {strides = array<i32>} : memref<96x128xf32, #tpu.memory_space<vmem>>, vector<1x16xf32>,
      %get3A_106 = vector.shape_cast %get3A_105 : vector<1x16xf32> to vector<16xf32>
      %mul3A_107 = arith.mulf %get3A_102, %get3A_106 : vector<16xf32>
      %get3A_108 = arith.index_cast %add3A_99 : i32 to index
      %get3A_109 = arith.constant 16 : index
      %get3A_110 = tpu.vector_load %arg10[%get3A_108, %get3A_109] {strides = array<i32>} : memref<96x128xf32, #tpu.memory_space<vmem>>, vector<1x16xf32>,
      %get3A_111 = vector.shape_cast %get3A_110 : vector<1x16xf32> to vector<16xf32>
      %get3A_112 = arith.index_cast %add3A_99 : i32 to index
      %get3A_113 = arith.constant 16 : index
      %get3A_114 = tpu.vector_load %arg12[%get3A_112, %get3A_113] {strides = array<i32>} : memref<96x128xf32, #tpu.memory_space<vmem>>, vector<1x16xf32>,
      %get3A_115 = vector.shape_cast %get3A_114 : vector<1x16xf32> to vector<16xf32>
      %mul3A_116 = arith.mulf %get3A_111, %get3A_115 : vector<16xf32>
      %get3A_117 = arith.index_cast %add3A_99 : i32 to index
      %get3A_118 = arith.constant 32 : index
      %get3A_119 = tpu.vector_load %arg10[%get3A_117, %get3A_118] {strides = array<i32>} : memref<96x128xf32, #tpu.memory_space<vmem>>, vector<1x16xf32>,
      %get3A_120 = vector.shape_cast %get3A_119 : vector<1x16xf32> to vector<16xf32>
      %get3A_121 = arith.index_cast %add3A_99 : i32 to index
      %get3A_122 = arith.constant 32 : index
      %get3A_123 = tpu.vector_load %arg12[%get3A_121, %get3A_122] {strides = array<i32>} : memref<96x128xf32, #tpu.memory_space<vmem>>, vector<1x16xf32>,
      %get3A_124 = vector.shape_cast %get3A_123 : vector<1x16xf32> to vector<16xf32>
      %mul3A_125 = arith.mulf %get3A_120, %get3A_124 : vector<16xf32>
      %get3A_126 = arith.index_cast %add3A_99 : i32 to index
      %get3A_127 = arith.constant 48 : index
      %get3A_128 = tpu.vector_load %arg10[%get3A_126, %get3A_127] {strides = array<i32>} : memref<96x128xf32, #tpu.memory_space<vmem>>, vector<1x16xf32>,
      %get3A_129 = vector.shape_cast %get3A_128 : vector<1x16xf32> to vector<16xf32>
      %get3A_130 = arith.index_cast %add3A_99 : i32 to index
      %get3A_131 = arith.constant 48 : index
      %get3A_132 = tpu.vector_load %arg12[%get3A_130, %get3A_131] {strides = array<i32>} : memref<96x128xf32, #tpu.memory_space<vmem>>, vector<1x16xf32>,
      %get3A_133 = vector.shape_cast %get3A_132 : vector<1x16xf32> to vector<16xf32>
      %mul3A_134 = arith.mulf %get3A_129, %get3A_133 : vector<16xf32>
      %get3A_135 = arith.index_cast %add3A_99 : i32 to index
      %get3A_136 = arith.constant 64 : index
      %get3A_137 = tpu.vector_load %arg10[%get3A_135, %get3A_136] {strides = array<i32>} : memref<96x128xf32, #tpu.memory_space<vmem>>, vector<1x16xf32>,
      %get3A_138 = vector.shape_cast %get3A_137 : vector<1x16xf32> to vector<16xf32>
      %get3A_139 = arith.index_cast %add3A_99 : i32 to index
      %get3A_140 = arith.constant 64 : index
      %get3A_141 = tpu.vector_load %arg12[%get3A_139, %get3A_140] {strides = array<i32>} : memref<96x128xf32, #tpu.memory_space<vmem>>, vector<1x16xf32>,
      %get3A_142 = vector.shape_cast %get3A_141 : vector<1x16xf32> to vector<16xf32>
      %mul3A_143 = arith.mulf %get3A_138, %get3A_142 : vector<16xf32>
      %get3A_144 = arith.index_cast %add3A_99 : i32 to index
      %get3A_145 = arith.constant 80 : index
      %get3A_146 = tpu.vector_load %arg10[%get3A_144, %get3A_145] {strides = array<i32>} : memref<96x128xf32, #tpu.memory_space<vmem>>, vector<1x16xf32>,
      %get3A_147 = vector.shape_cast %get3A_146 : vector<1x16xf32> to vector<16xf32>
      %get3A_148 = arith.index_cast %add3A_99 : i32 to index
      %get3A_149 = arith.constant 80 : index
      %get3A_150 = tpu.vector_load %arg12[%get3A_148, %get3A_149] {strides = array<i32>} : memref<96x128xf32, #tpu.memory_space<vmem>>, vector<1x16xf32>,
      %get3A_151 = vector.shape_cast %get3A_150 : vector<1x16xf32> to vector<16xf32>
      %mul3A_152 = arith.mulf %get3A_147, %get3A_151 : vector<16xf32>
      %get3A_153 = arith.index_cast %add3A_99 : i32 to index
      %get3A_154 = arith.constant 96 : index
      %get3A_155 = tpu.vector_load %arg10[%get3A_153, %get3A_154] {strides = array<i32>} : memref<96x128xf32, #tpu.memory_space<vmem>>, vector<1x16xf32>,
      %get3A_156 = vector.shape_cast %get3A_155 : vector<1x16xf32> to vector<16xf32>
      %get3A_157 = arith.index_cast %add3A_99 : i32 to index
      %get3A_158 = arith.constant 96 : index
      %get3A_159 = tpu.vector_load %arg12[%get3A_157, %get3A_158] {strides = array<i32>} : memref<96x128xf32, #tpu.memory_space<vmem>>, vector<1x16xf32>,
      %get3A_160 = vector.shape_cast %get3A_159 : vector<1x16xf32> to vector<16xf32>
      %mul3A_161 = arith.mulf %get3A_156, %get3A_160 : vector<16xf32>
      %get3A_162 = arith.index_cast %add3A_99 : i32 to index
      %get3A_163 = arith.constant 112 : index
      %get3A_164 = tpu.vector_load %arg10[%get3A_162, %get3A_163] {strides = array<i32>} : memref<96x128xf32, #tpu.memory_space<vmem>>, vector<1x16xf32>,
      %get3A_165 = vector.shape_cast %get3A_164 : vector<1x16xf32> to vector<16xf32>
      %get3A_166 = arith.index_cast %add3A_99 : i32 to index
      %get3A_167 = arith.constant 112 : index
      %get3A_168 = tpu.vector_load %arg12[%get3A_166, %get3A_167] {strides = array<i32>} : memref<96x128xf32, #tpu.memory_space<vmem>>, vector<1x16xf32>,
      %get3A_169 = vector.shape_cast %get3A_168 : vector<1x16xf32> to vector<16xf32>
      %mul3A_170 = arith.mulf %get3A_165, %get3A_169 : vector<16xf32>
      %add3A_171 = arith.addf %mul3A_107, %mul3A_116 : vector<16xf32>
      %add3A_172 = arith.addf %mul3A_125, %mul3A_134 : vector<16xf32>
      %add3A_173 = arith.addf %add3A_171, %add3A_172 : vector<16xf32>
      %add3A_174 = arith.addf %mul3A_143, %mul3A_152 : vector<16xf32>
      %add3A_175 = arith.addf %mul3A_161, %mul3A_170 : vector<16xf32>
      %add3A_176 = arith.addf %add3A_174, %add3A_175 : vector<16xf32>
      %add3A_177 = arith.addf %add3A_173, %add3A_176 : vector<16xf32>
      %mul3A_178 = arith.constant 4 : i32
      %mul3A_179 = arith.muli %scan3A_92, %mul3A_178 : i32
      %add3A_180 = arith.constant 1 : i32
      %add3A_181 = arith.addi %mul3A_179, %add3A_180 : i32
      %get3A_182 = arith.index_cast %add3A_181 : i32 to index
      %get3A_183 = arith.constant 0 : index
      %get3A_184 = tpu.vector_load %arg10[%get3A_182, %get3A_183] {strides = array<i32>} : memref<96x128xf32, #tpu.memory_space<vmem>>, vector<1x16xf32>,
      %get3A_185 = vector.shape_cast %get3A_184 : vector<1x16xf32> to vector<16xf32>
      %get3A_186 = arith.index_cast %add3A_181 : i32 to index
      %get3A_187 = arith.constant 0 : index
      %get3A_188 = tpu.vector_load %arg12[%get3A_186, %get3A_187] {strides = array<i32>} : memref<96x128xf32, #tpu.memory_space<vmem>>, vector<1x16xf32>,
      %get3A_189 = vector.shape_cast %get3A_188 : vector<1x16xf32> to vector<16xf32>
      %mul3A_190 = arith.mulf %get3A_185, %get3A_189 : vector<16xf32>
      %get3A_191 = arith.index_cast %add3A_181 : i32 to index
      %get3A_192 = arith.constant 16 : index
      %get3A_193 = tpu.vector_load %arg10[%get3A_191, %get3A_192] {strides = array<i32>} : memref<96x128xf32, #tpu.memory_space<vmem>>, vector<1x16xf32>,
      %get3A_194 = vector.shape_cast %get3A_193 : vector<1x16xf32> to vector<16xf32>
      %get3A_195 = arith.index_cast %add3A_181 : i32 to index
      %get3A_196 = arith.constant 16 : index
      %get3A_197 = tpu.vector_load %arg12[%get3A_195, %get3A_196] {strides = array<i32>} : memref<96x128xf32, #tpu.memory_space<vmem>>, vector<1x16xf32>,
      %get3A_198 = vector.shape_cast %get3A_197 : vector<1x16xf32> to vector<16xf32>
      %mul3A_199 = arith.mulf %get3A_194, %get3A_198 : vector<16xf32>
      %get3A_200 = arith.index_cast %add3A_181 : i32 to index
      %get3A_201 = arith.constant 32 : index
      %get3A_202 = tpu.vector_load %arg10[%get3A_200, %get3A_201] {strides = array<i32>} : memref<96x128xf32, #tpu.memory_space<vmem>>, vector<1x16xf32>,
      %get3A_203 = vector.shape_cast %get3A_202 : vector<1x16xf32> to vector<16xf32>
      %get3A_204 = arith.index_cast %add3A_181 : i32 to index
      %get3A_205 = arith.constant 32 : index
      %get3A_206 = tpu.vector_load %arg12[%get3A_204, %get3A_205] {strides = array<i32>} : memref<96x128xf32, #tpu.memory_space<vmem>>, vector<1x16xf32>,
      %get3A_207 = vector.shape_cast %get3A_206 : vector<1x16xf32> to vector<16xf32>
      %mul3A_208 = arith.mulf %get3A_203, %get3A_207 : vector<16xf32>
      %get3A_209 = arith.index_cast %add3A_181 : i32 to index
      %get3A_210 = arith.constant 48 : index
      %get3A_211 = tpu.vector_load %arg10[%get3A_209, %get3A_210] {strides = array<i32>} : memref<96x128xf32, #tpu.memory_space<vmem>>, vector<1x16xf32>,
      %get3A_212 = vector.shape_cast %get3A_211 : vector<1x16xf32> to vector<16xf32>
      %get3A_213 = arith.index_cast %add3A_181 : i32 to index
      %get3A_214 = arith.constant 48 : index
      %get3A_215 = tpu.vector_load %arg12[%get3A_213, %get3A_214] {strides = array<i32>} : memref<96x128xf32, #tpu.memory_space<vmem>>, vector<1x16xf32>,
      %get3A_216 = vector.shape_cast %get3A_215 : vector<1x16xf32> to vector<16xf32>
      %mul3A_217 = arith.mulf %get3A_212, %get3A_216 : vector<16xf32>
      %get3A_218 = arith.index_cast %add3A_181 : i32 to index
      %get3A_219 = arith.constant 64 : index
      %get3A_220 = tpu.vector_load %arg10[%get3A_218, %get3A_219] {strides = array<i32>} : memref<96x128xf32, #tpu.memory_space<vmem>>, vector<1x16xf32>,
      %get3A_221 = vector.shape_cast %get3A_220 : vector<1x16xf32> to vector<16xf32>
      %get3A_222 = arith.index_cast %add3A_181 : i32 to index
      %get3A_223 = arith.constant 64 : index
      %get3A_224 = tpu.vector_load %arg12[%get3A_222, %get3A_223] {strides = array<i32>} : memref<96x128xf32, #tpu.memory_space<vmem>>, vector<1x16xf32>,
      %get3A_225 = vector.shape_cast %get3A_224 : vector<1x16xf32> to vector<16xf32>
      %mul3A_226 = arith.mulf %get3A_221, %get3A_225 : vector<16xf32>
      %get3A_227 = arith.index_cast %add3A_181 : i32 to index
      %get3A_228 = arith.constant 80 : index
      %get3A_229 = tpu.vector_load %arg10[%get3A_227, %get3A_228] {strides = array<i32>} : memref<96x128xf32, #tpu.memory_space<vmem>>, vector<1x16xf32>,
      %get3A_230 = vector.shape_cast %get3A_229 : vector<1x16xf32> to vector<16xf32>
      %get3A_231 = arith.index_cast %add3A_181 : i32 to index
      %get3A_232 = arith.constant 80 : index
      %get3A_233 = tpu.vector_load %arg12[%get3A_231, %get3A_232] {strides = array<i32>} : memref<96x128xf32, #tpu.memory_space<vmem>>, vector<1x16xf32>,
      %get3A_234 = vector.shape_cast %get3A_233 : vector<1x16xf32> to vector<16xf32>
      %mul3A_235 = arith.mulf %get3A_230, %get3A_234 : vector<16xf32>
      %get3A_236 = arith.index_cast %add3A_181 : i32 to index
      %get3A_237 = arith.constant 96 : index
      %get3A_238 = tpu.vector_load %arg10[%get3A_236, %get3A_237] {strides = array<i32>} : memref<96x128xf32, #tpu.memory_space<vmem>>, vector<1x16xf32>,
      %get3A_239 = vector.shape_cast %get3A_238 : vector<1x16xf32> to vector<16xf32>
      %get3A_240 = arith.index_cast %add3A_181 : i32 to index
      %get3A_241 = arith.constant 96 : index
      %get3A_242 = tpu.vector_load %arg12[%get3A_240, %get3A_241] {strides = array<i32>} : memref<96x128xf32, #tpu.memory_space<vmem>>, vector<1x16xf32>,
      %get3A_243 = vector.shape_cast %get3A_242 : vector<1x16xf32> to vector<16xf32>
      %mul3A_244 = arith.mulf %get3A_239, %get3A_243 : vector<16xf32>
      %get3A_245 = arith.index_cast %add3A_181 : i32 to index
      %get3A_246 = arith.constant 112 : index
      %get3A_247 = tpu.vector_load %arg10[%get3A_245, %get3A_246] {strides = array<i32>} : memref<96x128xf32, #tpu.memory_space<vmem>>, vector<1x16xf32>,
      %get3A_248 = vector.shape_cast %get3A_247 : vector<1x16xf32> to vector<16xf32>
      %get3A_249 = arith.index_cast %add3A_181 : i32 to index
      %get3A_250 = arith.constant 112 : index
      %get3A_251 = tpu.vector_load %arg12[%get3A_249, %get3A_250] {strides = array<i32>} : memref<96x128xf32, #tpu.memory_space<vmem>>, vector<1x16xf32>,
      %get3A_252 = vector.shape_cast %get3A_251 : vector<1x16xf32> to vector<16xf32>
      %mul3A_253 = arith.mulf %get3A_248, %get3A_252 : vector<16xf32>
      %add3A_254 = arith.addf %mul3A_190, %mul3A_199 : vector<16xf32>
      %add3A_255 = arith.addf %mul3A_208, %mul3A_217 : vector<16xf32>
      %add3A_256 = arith.addf %add3A_254, %add3A_255 : vector<16xf32>
      %add3A_257 = arith.addf %mul3A_226, %mul3A_235 : vector<16xf32>
      %add3A_258 = arith.addf %mul3A_244, %mul3A_253 : vector<16xf32>
      %add3A_259 = arith.addf %add3A_257, %add3A_258 : vector<16xf32>
      %add3A_260 = arith.addf %add3A_256, %add3A_259 : vector<16xf32>
      %mul3A_261 = arith.constant 4 : i32
      %mul3A_262 = arith.muli %scan3A_92, %mul3A_261 : i32
      %add3A_263 = arith.constant 2 : i32
      %add3A_264 = arith.addi %mul3A_262, %add3A_263 : i32
      %get3A_265 = arith.index_cast %add3A_264 : i32 to index
      %get3A_266 = arith.constant 0 : index
      %get3A_267 = tpu.vector_load %arg10[%get3A_265, %get3A_266] {strides = array<i32>} : memref<96x128xf32, #tpu.memory_space<vmem>>, vector<1x16xf32>,
      %get3A_268 = vector.shape_cast %get3A_267 : vector<1x16xf32> to vector<16xf32>
      %get3A_269 = arith.index_cast %add3A_264 : i32 to index
      %get3A_270 = arith.constant 0 : index
      %get3A_271 = tpu.vector_load %arg12[%get3A_269, %get3A_270] {strides = array<i32>} : memref<96x128xf32, #tpu.memory_space<vmem>>, vector<1x16xf32>,
      %get3A_272 = vector.shape_cast %get3A_271 : vector<1x16xf32> to vector<16xf32>
      %mul3A_273 = arith.mulf %get3A_268, %get3A_272 : vector<16xf32>
      %get3A_274 = arith.index_cast %add3A_264 : i32 to index
      %get3A_275 = arith.constant 16 : index
      %get3A_276 = tpu.vector_load %arg10[%get3A_274, %get3A_275] {strides = array<i32>} : memref<96x128xf32, #tpu.memory_space<vmem>>, vector<1x16xf32>,
      %get3A_277 = vector.shape_cast %get3A_276 : vector<1x16xf32> to vector<16xf32>
      %get3A_278 = arith.index_cast %add3A_264 : i32 to index
      %get3A_279 = arith.constant 16 : index
      %get3A_280 = tpu.vector_load %arg12[%get3A_278, %get3A_279] {strides = array<i32>} : memref<96x128xf32, #tpu.memory_space<vmem>>, vector<1x16xf32>,
      %get3A_281 = vector.shape_cast %get3A_280 : vector<1x16xf32> to vector<16xf32>
      %mul3A_282 = arith.mulf %get3A_277, %get3A_281 : vector<16xf32>
      %get3A_283 = arith.index_cast %add3A_264 : i32 to index
      %get3A_284 = arith.constant 32 : index
      %get3A_285 = tpu.vector_load %arg10[%get3A_283, %get3A_284] {strides = array<i32>} : memref<96x128xf32, #tpu.memory_space<vmem>>, vector<1x16xf32>,
      %get3A_286 = vector.shape_cast %get3A_285 : vector<1x16xf32> to vector<16xf32>
      %get3A_287 = arith.index_cast %add3A_264 : i32 to index
      %get3A_288 = arith.constant 32 : index
      %get3A_289 = tpu.vector_load %arg12[%get3A_287, %get3A_288] {strides = array<i32>} : memref<96x128xf32, #tpu.memory_space<vmem>>, vector<1x16xf32>,
      %get3A_290 = vector.shape_cast %get3A_289 : vector<1x16xf32> to vector<16xf32>
      %mul3A_291 = arith.mulf %get3A_286, %get3A_290 : vector<16xf32>
      %get3A_292 = arith.index_cast %add3A_264 : i32 to index
      %get3A_293 = arith.constant 48 : index
      %get3A_294 = tpu.vector_load %arg10[%get3A_292, %get3A_293] {strides = array<i32>} : memref<96x128xf32, #tpu.memory_space<vmem>>, vector<1x16xf32>,
      %get3A_295 = vector.shape_cast %get3A_294 : vector<1x16xf32> to vector<16xf32>
      %get3A_296 = arith.index_cast %add3A_264 : i32 to index
      %get3A_297 = arith.constant 48 : index
      %get3A_298 = tpu.vector_load %arg12[%get3A_296, %get3A_297] {strides = array<i32>} : memref<96x128xf32, #tpu.memory_space<vmem>>, vector<1x16xf32>,
      %get3A_299 = vector.shape_cast %get3A_298 : vector<1x16xf32> to vector<16xf32>
      %mul3A_300 = arith.mulf %get3A_295, %get3A_299 : vector<16xf32>
      %get3A_301 = arith.index_cast %add3A_264 : i32 to index
      %get3A_302 = arith.constant 64 : index
      %get3A_303 = tpu.vector_load %arg10[%get3A_301, %get3A_302] {strides = array<i32>} : memref<96x128xf32, #tpu.memory_space<vmem>>, vector<1x16xf32>,
      %get3A_304 = vector.shape_cast %get3A_303 : vector<1x16xf32> to vector<16xf32>
      %get3A_305 = arith.index_cast %add3A_264 : i32 to index
      %get3A_306 = arith.constant 64 : index
      %get3A_307 = tpu.vector_load %arg12[%get3A_305, %get3A_306] {strides = array<i32>} : memref<96x128xf32, #tpu.memory_space<vmem>>, vector<1x16xf32>,
      %get3A_308 = vector.shape_cast %get3A_307 : vector<1x16xf32> to vector<16xf32>
      %mul3A_309 = arith.mulf %get3A_304, %get3A_308 : vector<16xf32>
      %get3A_310 = arith.index_cast %add3A_264 : i32 to index
      %get3A_311 = arith.constant 80 : index
      %get3A_312 = tpu.vector_load %arg10[%get3A_310, %get3A_311] {strides = array<i32>} : memref<96x128xf32, #tpu.memory_space<vmem>>, vector<1x16xf32>,
      %get3A_313 = vector.shape_cast %get3A_312 : vector<1x16xf32> to vector<16xf32>
      %get3A_314 = arith.index_cast %add3A_264 : i32 to index
      %get3A_315 = arith.constant 80 : index
      %get3A_316 = tpu.vector_load %arg12[%get3A_314, %get3A_315] {strides = array<i32>} : memref<96x128xf32, #tpu.memory_space<vmem>>, vector<1x16xf32>,
      %get3A_317 = vector.shape_cast %get3A_316 : vector<1x16xf32> to vector<16xf32>
      %mul3A_318 = arith.mulf %get3A_313, %get3A_317 : vector<16xf32>
      %get3A_319 = arith.index_cast %add3A_264 : i32 to index
      %get3A_320 = arith.constant 96 : index
      %get3A_321 = tpu.vector_load %arg10[%get3A_319, %get3A_320] {strides = array<i32>} : memref<96x128xf32, #tpu.memory_space<vmem>>, vector<1x16xf32>,
      %get3A_322 = vector.shape_cast %get3A_321 : vector<1x16xf32> to vector<16xf32>
      %get3A_323 = arith.index_cast %add3A_264 : i32 to index
      %get3A_324 = arith.constant 96 : index
      %get3A_325 = tpu.vector_load %arg12[%get3A_323, %get3A_324] {strides = array<i32>} : memref<96x128xf32, #tpu.memory_space<vmem>>, vector<1x16xf32>,
      %get3A_326 = vector.shape_cast %get3A_325 : vector<1x16xf32> to vector<16xf32>
      %mul3A_327 = arith.mulf %get3A_322, %get3A_326 : vector<16xf32>
      %get3A_328 = arith.index_cast %add3A_264 : i32 to index
      %get3A_329 = arith.constant 112 : index
      %get3A_330 = tpu.vector_load %arg10[%get3A_328, %get3A_329] {strides = array<i32>} : memref<96x128xf32, #tpu.memory_space<vmem>>, vector<1x16xf32>,
      %get3A_331 = vector.shape_cast %get3A_330 : vector<1x16xf32> to vector<16xf32>
      %get3A_332 = arith.index_cast %add3A_264 : i32 to index
      %get3A_333 = arith.constant 112 : index
      %get3A_334 = tpu.vector_load %arg12[%get3A_332, %get3A_333] {strides = array<i32>} : memref<96x128xf32, #tpu.memory_space<vmem>>, vector<1x16xf32>,
      %get3A_335 = vector.shape_cast %get3A_334 : vector<1x16xf32> to vector<16xf32>
      %mul3A_336 = arith.mulf %get3A_331, %get3A_335 : vector<16xf32>
      %add3A_337 = arith.addf %mul3A_273, %mul3A_282 : vector<16xf32>
      %add3A_338 = arith.addf %mul3A_291, %mul3A_300 : vector<16xf32>
      %add3A_339 = arith.addf %add3A_337, %add3A_338 : vector<16xf32>
      %add3A_340 = arith.addf %mul3A_309, %mul3A_318 : vector<16xf32>
      %add3A_341 = arith.addf %mul3A_327, %mul3A_336 : vector<16xf32>
      %add3A_342 = arith.addf %add3A_340, %add3A_341 : vector<16xf32>
      %add3A_343 = arith.addf %add3A_339, %add3A_342 : vector<16xf32>
      %mul3A_344 = arith.constant 4 : i32
      %mul3A_345 = arith.muli %scan3A_92, %mul3A_344 : i32
      %add3A_346 = arith.constant 3 : i32
      %add3A_347 = arith.addi %mul3A_345, %add3A_346 : i32
      %get3A_348 = arith.index_cast %add3A_347 : i32 to index
      %get3A_349 = arith.constant 0 : index
      %get3A_350 = tpu.vector_load %arg10[%get3A_348, %get3A_349] {strides = array<i32>} : memref<96x128xf32, #tpu.memory_space<vmem>>, vector<1x16xf32>,
      %get3A_351 = vector.shape_cast %get3A_350 : vector<1x16xf32> to vector<16xf32>
      %get3A_352 = arith.index_cast %add3A_347 : i32 to index
      %get3A_353 = arith.constant 0 : index
      %get3A_354 = tpu.vector_load %arg12[%get3A_352, %get3A_353] {strides = array<i32>} : memref<96x128xf32, #tpu.memory_space<vmem>>, vector<1x16xf32>,
      %get3A_355 = vector.shape_cast %get3A_354 : vector<1x16xf32> to vector<16xf32>
      %mul3A_356 = arith.mulf %get3A_351, %get3A_355 : vector<16xf32>
      %get3A_357 = arith.index_cast %add3A_347 : i32 to index
      %get3A_358 = arith.constant 16 : index
      %get3A_359 = tpu.vector_load %arg10[%get3A_357, %get3A_358] {strides = array<i32>} : memref<96x128xf32, #tpu.memory_space<vmem>>, vector<1x16xf32>,
      %get3A_360 = vector.shape_cast %get3A_359 : vector<1x16xf32> to vector<16xf32>
      %get3A_361 = arith.index_cast %add3A_347 : i32 to index
      %get3A_362 = arith.constant 16 : index
      %get3A_363 = tpu.vector_load %arg12[%get3A_361, %get3A_362] {strides = array<i32>} : memref<96x128xf32, #tpu.memory_space<vmem>>, vector<1x16xf32>,
      %get3A_364 = vector.shape_cast %get3A_363 : vector<1x16xf32> to vector<16xf32>
      %mul3A_365 = arith.mulf %get3A_360, %get3A_364 : vector<16xf32>
      %get3A_366 = arith.index_cast %add3A_347 : i32 to index
      %get3A_367 = arith.constant 32 : index
      %get3A_368 = tpu.vector_load %arg10[%get3A_366, %get3A_367] {strides = array<i32>} : memref<96x128xf32, #tpu.memory_space<vmem>>, vector<1x16xf32>,
      %get3A_369 = vector.shape_cast %get3A_368 : vector<1x16xf32> to vector<16xf32>
      %get3A_370 = arith.index_cast %add3A_347 : i32 to index
      %get3A_371 = arith.constant 32 : index
      %get3A_372 = tpu.vector_load %arg12[%get3A_370, %get3A_371] {strides = array<i32>} : memref<96x128xf32, #tpu.memory_space<vmem>>, vector<1x16xf32>,
      %get3A_373 = vector.shape_cast %get3A_372 : vector<1x16xf32> to vector<16xf32>
      %mul3A_374 = arith.mulf %get3A_369, %get3A_373 : vector<16xf32>
      %get3A_375 = arith.index_cast %add3A_347 : i32 to index
      %get3A_376 = arith.constant 48 : index
      %get3A_377 = tpu.vector_load %arg10[%get3A_375, %get3A_376] {strides = array<i32>} : memref<96x128xf32, #tpu.memory_space<vmem>>, vector<1x16xf32>,
      %get3A_378 = vector.shape_cast %get3A_377 : vector<1x16xf32> to vector<16xf32>
      %get3A_379 = arith.index_cast %add3A_347 : i32 to index
      %get3A_380 = arith.constant 48 : index
      %get3A_381 = tpu.vector_load %arg12[%get3A_379, %get3A_380] {strides = array<i32>} : memref<96x128xf32, #tpu.memory_space<vmem>>, vector<1x16xf32>,
      %get3A_382 = vector.shape_cast %get3A_381 : vector<1x16xf32> to vector<16xf32>
      %mul3A_383 = arith.mulf %get3A_378, %get3A_382 : vector<16xf32>
      %get3A_384 = arith.index_cast %add3A_347 : i32 to index
      %get3A_385 = arith.constant 64 : index
      %get3A_386 = tpu.vector_load %arg10[%get3A_384, %get3A_385] {strides = array<i32>} : memref<96x128xf32, #tpu.memory_space<vmem>>, vector<1x16xf32>,
      %get3A_387 = vector.shape_cast %get3A_386 : vector<1x16xf32> to vector<16xf32>
      %get3A_388 = arith.index_cast %add3A_347 : i32 to index
      %get3A_389 = arith.constant 64 : index
      %get3A_390 = tpu.vector_load %arg12[%get3A_388, %get3A_389] {strides = array<i32>} : memref<96x128xf32, #tpu.memory_space<vmem>>, vector<1x16xf32>,
      %get3A_391 = vector.shape_cast %get3A_390 : vector<1x16xf32> to vector<16xf32>
      %mul3A_392 = arith.mulf %get3A_387, %get3A_391 : vector<16xf32>
      %get3A_393 = arith.index_cast %add3A_347 : i32 to index
      %get3A_394 = arith.constant 80 : index
      %get3A_395 = tpu.vector_load %arg10[%get3A_393, %get3A_394] {strides = array<i32>} : memref<96x128xf32, #tpu.memory_space<vmem>>, vector<1x16xf32>,
      %get3A_396 = vector.shape_cast %get3A_395 : vector<1x16xf32> to vector<16xf32>
      %get3A_397 = arith.index_cast %add3A_347 : i32 to index
      %get3A_398 = arith.constant 80 : index
      %get3A_399 = tpu.vector_load %arg12[%get3A_397, %get3A_398] {strides = array<i32>} : memref<96x128xf32, #tpu.memory_space<vmem>>, vector<1x16xf32>,
      %get3A_400 = vector.shape_cast %get3A_399 : vector<1x16xf32> to vector<16xf32>
      %mul3A_401 = arith.mulf %get3A_396, %get3A_400 : vector<16xf32>
      %get3A_402 = arith.index_cast %add3A_347 : i32 to index
      %get3A_403 = arith.constant 96 : index
      %get3A_404 = tpu.vector_load %arg10[%get3A_402, %get3A_403] {strides = array<i32>} : memref<96x128xf32, #tpu.memory_space<vmem>>, vector<1x16xf32>,
      %get3A_405 = vector.shape_cast %get3A_404 : vector<1x16xf32> to vector<16xf32>
      %get3A_406 = arith.index_cast %add3A_347 : i32 to index
      %get3A_407 = arith.constant 96 : index
      %get3A_408 = tpu.vector_load %arg12[%get3A_406, %get3A_407] {strides = array<i32>} : memref<96x128xf32, #tpu.memory_space<vmem>>, vector<1x16xf32>,
      %get3A_409 = vector.shape_cast %get3A_408 : vector<1x16xf32> to vector<16xf32>
      %mul3A_410 = arith.mulf %get3A_405, %get3A_409 : vector<16xf32>
      %get3A_411 = arith.index_cast %add3A_347 : i32 to index
      %get3A_412 = arith.constant 112 : index
      %get3A_413 = tpu.vector_load %arg10[%get3A_411, %get3A_412] {strides = array<i32>} : memref<96x128xf32, #tpu.memory_space<vmem>>, vector<1x16xf32>,
      %get3A_414 = vector.shape_cast %get3A_413 : vector<1x16xf32> to vector<16xf32>
      %get3A_415 = arith.index_cast %add3A_347 : i32 to index
      %get3A_416 = arith.constant 112 : index
      %get3A_417 = tpu.vector_load %arg12[%get3A_415, %get3A_416] {strides = array<i32>} : memref<96x128xf32, #tpu.memory_space<vmem>>, vector<1x16xf32>,
      %get3A_418 = vector.shape_cast %get3A_417 : vector<1x16xf32> to vector<16xf32>
      %mul3A_419 = arith.mulf %get3A_414, %get3A_418 : vector<16xf32>
      %add3A_420 = arith.addf %mul3A_356, %mul3A_365 : vector<16xf32>
      %add3A_421 = arith.addf %mul3A_374, %mul3A_383 : vector<16xf32>
      %add3A_422 = arith.addf %add3A_420, %add3A_421 : vector<16xf32>
      %add3A_423 = arith.addf %mul3A_392, %mul3A_401 : vector<16xf32>
      %add3A_424 = arith.addf %mul3A_410, %mul3A_419 : vector<16xf32>
      %add3A_425 = arith.addf %add3A_423, %add3A_424 : vector<16xf32>
      %add3A_426 = arith.addf %add3A_422, %add3A_425 : vector<16xf32>
      %xor3A = arith.constant 8 : i32
      %xor3A_427 = vector.broadcast %xor3A : i32 to vector<16xi32>
      %xor3A_428 = arith.xori %iota3A, %xor3A_427 : vector<16xi32>
      %lt3A_429 = arith.constant 0 : i32
      %lt3A_430 = vector.broadcast %lt3A_429 : i32 to vector<16xi32>
      %lt3A_431 = arith.cmpi slt, %xor3A_428, %lt3A_430 : vector<16xi32>
      %add3A_432 = arith.constant 16 : i32
      %add3A_433 = vector.broadcast %add3A_432 : i32 to vector<16xi32>
      %add3A_434 = arith.addi %xor3A_428, %add3A_433 : vector<16xi32>
      %select_n3A = arith.select %lt3A_431, %add3A_434, %xor3A_428 : vector<16xi1>, vector<16xi32>
      %broadcast_in_dim3A_435 = vector.shape_cast %select_n3A : vector<16xi32> to vector<16x1xi32>
      %gather3A = vector.shape_cast %broadcast_in_dim3A_435 : vector<16x1xi32> to vector<16xi32>
      %gather3A_436 = tpu.dynamic_gather %add3A_177[%gather3A] in [0] : vector<16xf32>, vector<16xi32> -> vector<16xf32>
      %add3A_437 = arith.addf %add3A_177, %gather3A_436 : vector<16xf32>
      %xor3A_438 = arith.constant 8 : i32
      %xor3A_439 = vector.broadcast %xor3A_438 : i32 to vector<16xi32>
      %xor3A_440 = arith.xori %iota3A, %xor3A_439 : vector<16xi32>
      %lt3A_441 = arith.constant 0 : i32
      %lt3A_442 = vector.broadcast %lt3A_441 : i32 to vector<16xi32>
      %lt3A_443 = arith.cmpi slt, %xor3A_440, %lt3A_442 : vector<16xi32>
      %add3A_444 = arith.constant 16 : i32
      %add3A_445 = vector.broadcast %add3A_444 : i32 to vector<16xi32>
      %add3A_446 = arith.addi %xor3A_440, %add3A_445 : vector<16xi32>
      %select_n3A_447 = arith.select %lt3A_443, %add3A_446, %xor3A_440 : vector<16xi1>, vector<16xi32>
      %broadcast_in_dim3A_448 = vector.shape_cast %select_n3A_447 : vector<16xi32> to vector<16x1xi32>
      %gather3A_449 = vector.shape_cast %broadcast_in_dim3A_448 : vector<16x1xi32> to vector<16xi32>
      %gather3A_450 = tpu.dynamic_gather %add3A_260[%gather3A_449] in [0] : vector<16xf32>, vector<16xi32> -> vector<16xf32>
      %add3A_451 = arith.addf %add3A_260, %gather3A_450 : vector<16xf32>
      %select_n3A_452 = arith.select %lt3A_11, %add3A_437, %add3A_451 : vector<16xi1>, vector<16xf32>
      %xor3A_453 = arith.constant 8 : i32
      %xor3A_454 = vector.broadcast %xor3A_453 : i32 to vector<16xi32>
      %xor3A_455 = arith.xori %iota3A, %xor3A_454 : vector<16xi32>
      %lt3A_456 = arith.constant 0 : i32
      %lt3A_457 = vector.broadcast %lt3A_456 : i32 to vector<16xi32>
      %lt3A_458 = arith.cmpi slt, %xor3A_455, %lt3A_457 : vector<16xi32>
      %add3A_459 = arith.constant 16 : i32
      %add3A_460 = vector.broadcast %add3A_459 : i32 to vector<16xi32>
      %add3A_461 = arith.addi %xor3A_455, %add3A_460 : vector<16xi32>
      %select_n3A_462 = arith.select %lt3A_458, %add3A_461, %xor3A_455 : vector<16xi1>, vector<16xi32>
      %broadcast_in_dim3A_463 = vector.shape_cast %select_n3A_462 : vector<16xi32> to vector<16x1xi32>
      %gather3A_464 = vector.shape_cast %broadcast_in_dim3A_463 : vector<16x1xi32> to vector<16xi32>
      %gather3A_465 = tpu.dynamic_gather %add3A_343[%gather3A_464] in [0] : vector<16xf32>, vector<16xi32> -> vector<16xf32>
      %add3A_466 = arith.addf %add3A_343, %gather3A_465 : vector<16xf32>
      %xor3A_467 = arith.constant 8 : i32
      %xor3A_468 = vector.broadcast %xor3A_467 : i32 to vector<16xi32>
      %xor3A_469 = arith.xori %iota3A, %xor3A_468 : vector<16xi32>
      %lt3A_470 = arith.constant 0 : i32
      %lt3A_471 = vector.broadcast %lt3A_470 : i32 to vector<16xi32>
      %lt3A_472 = arith.cmpi slt, %xor3A_469, %lt3A_471 : vector<16xi32>
      %add3A_473 = arith.constant 16 : i32
      %add3A_474 = vector.broadcast %add3A_473 : i32 to vector<16xi32>
      %add3A_475 = arith.addi %xor3A_469, %add3A_474 : vector<16xi32>
      %select_n3A_476 = arith.select %lt3A_472, %add3A_475, %xor3A_469 : vector<16xi1>, vector<16xi32>
      %broadcast_in_dim3A_477 = vector.shape_cast %select_n3A_476 : vector<16xi32> to vector<16x1xi32>
      %gather3A_478 = vector.shape_cast %broadcast_in_dim3A_477 : vector<16x1xi32> to vector<16xi32>
      %gather3A_479 = tpu.dynamic_gather %add3A_426[%gather3A_478] in [0] : vector<16xf32>, vector<16xi32> -> vector<16xf32>
      %add3A_480 = arith.addf %add3A_426, %gather3A_479 : vector<16xf32>
      %select_n3A_481 = arith.select %lt3A_11, %add3A_466, %add3A_480 : vector<16xi1>, vector<16xf32>
      %xor3A_482 = arith.constant 4 : i32
      %xor3A_483 = vector.broadcast %xor3A_482 : i32 to vector<16xi32>
      %xor3A_484 = arith.xori %iota3A, %xor3A_483 : vector<16xi32>
      %lt3A_485 = arith.constant 0 : i32
      %lt3A_486 = vector.broadcast %lt3A_485 : i32 to vector<16xi32>
      %lt3A_487 = arith.cmpi slt, %xor3A_484, %lt3A_486 : vector<16xi32>
      %add3A_488 = arith.constant 16 : i32
      %add3A_489 = vector.broadcast %add3A_488 : i32 to vector<16xi32>
      %add3A_490 = arith.addi %xor3A_484, %add3A_489 : vector<16xi32>
      %select_n3A_491 = arith.select %lt3A_487, %add3A_490, %xor3A_484 : vector<16xi1>, vector<16xi32>
      %broadcast_in_dim3A_492 = vector.shape_cast %select_n3A_491 : vector<16xi32> to vector<16x1xi32>
      %gather3A_493 = vector.shape_cast %broadcast_in_dim3A_492 : vector<16x1xi32> to vector<16xi32>
      %gather3A_494 = tpu.dynamic_gather %select_n3A_452[%gather3A_493] in [0] : vector<16xf32>, vector<16xi32> -> vector<16xf32>
      %add3A_495 = arith.addf %select_n3A_452, %gather3A_494 : vector<16xf32>
      %xor3A_496 = arith.constant 4 : i32
      %xor3A_497 = vector.broadcast %xor3A_496 : i32 to vector<16xi32>
      %xor3A_498 = arith.xori %iota3A, %xor3A_497 : vector<16xi32>
      %lt3A_499 = arith.constant 0 : i32
      %lt3A_500 = vector.broadcast %lt3A_499 : i32 to vector<16xi32>
      %lt3A_501 = arith.cmpi slt, %xor3A_498, %lt3A_500 : vector<16xi32>
      %add3A_502 = arith.constant 16 : i32
      %add3A_503 = vector.broadcast %add3A_502 : i32 to vector<16xi32>
      %add3A_504 = arith.addi %xor3A_498, %add3A_503 : vector<16xi32>
      %select_n3A_505 = arith.select %lt3A_501, %add3A_504, %xor3A_498 : vector<16xi1>, vector<16xi32>
      %broadcast_in_dim3A_506 = vector.shape_cast %select_n3A_505 : vector<16xi32> to vector<16x1xi32>
      %gather3A_507 = vector.shape_cast %broadcast_in_dim3A_506 : vector<16x1xi32> to vector<16xi32>
      %gather3A_508 = tpu.dynamic_gather %select_n3A_481[%gather3A_507] in [0] : vector<16xf32>, vector<16xi32> -> vector<16xf32>
      %add3A_509 = arith.addf %select_n3A_481, %gather3A_508 : vector<16xf32>
      %select_n3A_510 = arith.select %eq3A_16, %add3A_495, %add3A_509 : vector<16xi1>, vector<16xf32>
      %xor3A_511 = arith.constant 2 : i32
      %xor3A_512 = vector.broadcast %xor3A_511 : i32 to vector<16xi32>
      %xor3A_513 = arith.xori %iota3A, %xor3A_512 : vector<16xi32>
      %lt3A_514 = arith.constant 0 : i32
      %lt3A_515 = vector.broadcast %lt3A_514 : i32 to vector<16xi32>
      %lt3A_516 = arith.cmpi slt, %xor3A_513, %lt3A_515 : vector<16xi32>
      %add3A_517 = arith.constant 16 : i32
      %add3A_518 = vector.broadcast %add3A_517 : i32 to vector<16xi32>
      %add3A_519 = arith.addi %xor3A_513, %add3A_518 : vector<16xi32>
      %select_n3A_520 = arith.select %lt3A_516, %add3A_519, %xor3A_513 : vector<16xi1>, vector<16xi32>
      %broadcast_in_dim3A_521 = vector.shape_cast %select_n3A_520 : vector<16xi32> to vector<16x1xi32>
      %gather3A_522 = vector.shape_cast %broadcast_in_dim3A_521 : vector<16x1xi32> to vector<16xi32>
      %gather3A_523 = tpu.dynamic_gather %select_n3A_510[%gather3A_522] in [0] : vector<16xf32>, vector<16xi32> -> vector<16xf32>
      %add3A_524 = arith.addf %select_n3A_510, %gather3A_523 : vector<16xf32>
      %xor3A_525 = arith.constant 1 : i32
      %xor3A_526 = vector.broadcast %xor3A_525 : i32 to vector<16xi32>
      %xor3A_527 = arith.xori %iota3A, %xor3A_526 : vector<16xi32>
      %lt3A_528 = arith.constant 0 : i32
      %lt3A_529 = vector.broadcast %lt3A_528 : i32 to vector<16xi32>
      %lt3A_530 = arith.cmpi slt, %xor3A_527, %lt3A_529 : vector<16xi32>
      %add3A_531 = arith.constant 16 : i32
      %add3A_532 = vector.broadcast %add3A_531 : i32 to vector<16xi32>
      %add3A_533 = arith.addi %xor3A_527, %add3A_532 : vector<16xi32>
      %select_n3A_534 = arith.select %lt3A_530, %add3A_533, %xor3A_527 : vector<16xi1>, vector<16xi32>
      %broadcast_in_dim3A_535 = vector.shape_cast %select_n3A_534 : vector<16xi32> to vector<16x1xi32>
      %gather3A_536 = vector.shape_cast %broadcast_in_dim3A_535 : vector<16x1xi32> to vector<16xi32>
      %gather3A_537 = tpu.dynamic_gather %add3A_524[%gather3A_536] in [0] : vector<16xf32>, vector<16xi32> -> vector<16xf32>
      %add3A_538 = arith.addf %add3A_524, %gather3A_537 : vector<16xf32>
      %eq3A_539 = arith.constant 0 : i32
      %eq3A_540 = arith.cmpi eq, %and3A_95, %eq3A_539 : i32
      %broadcast_in_dim3A_541 = arith.constant 0.000000e+00 : f32
      %broadcast_in_dim3A_542 = vector.broadcast %broadcast_in_dim3A_541 : f32 to vector<16xf32>
      %select_n3A_543 = arith.select %eq3A_540, %broadcast_in_dim3A_542, %scan3A_93 : vector<16xf32>
      %shift_right_arithmetic3A_544 = arith.constant 2 : i32
      %shift_right_arithmetic3A_545 = vector.broadcast %shift_right_arithmetic3A_544 : i32 to vector<16xi32>
      %shift_right_arithmetic3A_546 = arith.shrsi %iota3A, %shift_right_arithmetic3A_545 : vector<16xi32>
      %eq3A_547 = vector.broadcast %and3A_95 : i32 to vector<16xi32>
      %eq3A_548 = arith.cmpi eq, %shift_right_arithmetic3A_546, %eq3A_547 : vector<16xi32>
      %lt3A_549 = arith.constant 0 : i32
      %lt3A_550 = vector.broadcast %lt3A_549 : i32 to vector<16xi32>
      %lt3A_551 = arith.cmpi slt, %add3A_31, %lt3A_550 : vector<16xi32>
      %add3A_552 = arith.constant 16 : i32
      %add3A_553 = vector.broadcast %add3A_552 : i32 to vector<16xi32>
      %add3A_554 = arith.addi %add3A_31, %add3A_553 : vector<16xi32>
      %select_n3A_555 = arith.select %lt3A_551, %add3A_554, %add3A_31 : vector<16xi1>, vector<16xi32>
      %broadcast_in_dim3A_556 = vector.shape_cast %select_n3A_555 : vector<16xi32> to vector<16x1xi32>
      %gather3A_557 = vector.shape_cast %broadcast_in_dim3A_556 : vector<16x1xi32> to vector<16xi32>
      %gather3A_558 = tpu.dynamic_gather %add3A_538[%gather3A_557] in [0] : vector<16xf32>, vector<16xi32> -> vector<16xf32>
      %select_n3A_559 = arith.select %eq3A_548, %gather3A_558, %select_n3A_543 : vector<16xi1>, vector<16xf32>
      %shift_right_arithmetic3A_560 = arith.constant 2 : i32
      %shift_right_arithmetic3A_561 = arith.shrsi %scan3A_92, %shift_right_arithmetic3A_560 : i32
      %mul3A_562 = arith.constant 16 : i32
      %mul3A_563 = arith.muli %shift_right_arithmetic3A_561, %mul3A_562 : i32
      %swap3A = arith.index_cast %mul3A_563 : i32 to index
      %swap3A_564 = tpu.vector_load %arg14[%swap3A] {strides = array<i32>} : memref<96xf32, #tpu.memory_space<vmem>>, vector<16xf32>,
      %swap3A_565 = vector.shape_cast %swap3A_564 : vector<16xf32> to vector<16xf32>
      %swap3A_566 = vector.shape_cast %select_n3A_559 : vector<16xf32> to vector<16xf32>
      tpu.vector_store %arg14[%swap3A], %swap3A_566 {strides = array<i32>} : memref<96xf32, #tpu.memory_space<vmem>>, vector<16xf32>,
      scf.yield %select_n3A_559 : vector<16xf32>
    }
    %scan3A_83 = arith.constant 24 : i32
    %add3A_84 = arith.constant 9904 : i32
    %add3A_85 = arith.addi %mul3A_2, %add3A_84 : i32
    %dma_start3A_86 = tpu.memref_slice %arg5[%add3A_85] : memref<320000xf32, #tpu.memory_space<hbm>> -> memref<96xf32, #tpu.memory_space<hbm>>
    %dma_start3A_87 = tpu.memref_slice %arg5[%add3A_85] : memref<320000xf32, #tpu.memory_space<hbm>> -> memref<96xf32, #tpu.memory_space<hbm>>
    tpu.enqueue_dma source(%arg14 : memref<96xf32, #tpu.memory_space<vmem>>) target(%dma_start3A_87 : memref<96xf32, #tpu.memory_space<hbm>>) target_semaphore(%arg20 : memref<!tpu.dma_semaphore, #tpu.memory_space<semaphore_mem>>)
    %dma_wait3A_88 = tpu.memref_slice %arg5[%mul3A_2] : memref<320000xf32, #tpu.memory_space<hbm>> -> memref<96xf32, #tpu.memory_space<hbm>>
    %dma_wait3A_89 = tpu.memref_slice %arg5[%mul3A_2] : memref<320000xf32, #tpu.memory_space<hbm>> -> memref<96xf32, #tpu.memory_space<hbm>>
    tpu.wait_dma2 semaphore(%arg21 : memref<!tpu.dma_semaphore, #tpu.memory_space<semaphore_mem>>) src(%arg15 : memref<96xf32, #tpu.memory_space<vmem>>) dst(%dma_wait3A_89 : memref<96xf32, #tpu.memory_space<hbm>>)
    %dma_wait3A_90 = tpu.memref_slice %arg5[%add3A_85] : memref<320000xf32, #tpu.memory_space<hbm>> -> memref<96xf32, #tpu.memory_space<hbm>>
    %dma_wait3A_91 = tpu.memref_slice %arg5[%add3A_85] : memref<320000xf32, #tpu.memory_space<hbm>> -> memref<96xf32, #tpu.memory_space<hbm>>
    tpu.wait_dma2 semaphore(%arg20 : memref<!tpu.dma_semaphore, #tpu.memory_space<semaphore_mem>>) src(%arg14 : memref<96xf32, #tpu.memory_space<vmem>>) dst(%dma_wait3A_91 : memref<96xf32, #tpu.memory_space<hbm>>)
    return
  }
}

module attributes {stable_mosaic.version = 14 : i64} {
  func.func @_scale_body(%arg0: memref<10000x128xf32, #tpu.memory_space<vmem>>, %arg1: memref<1x128xf32, #tpu.memory_space<vmem>>, %arg2: memref<10000x128xf32, #tpu.memory_space<vmem>>) attributes {dimension_semantics = [], scalar_prefetch = 0 : i64, scratch_operands = 0 : i64, tpu.core_type = #tpu.core_type<tc>} {
    %get3A = arith.constant 0 : index
    %get3A_0 = arith.constant 0 : index
    %get3A_1 = vector.load %arg0[%get3A, %get3A_0] : memref<10000x128xf32, #tpu.memory_space<vmem>>, vector<10000x128xf32>
    %get3A_2 = arith.constant 0 : index
    %get3A_3 = arith.constant 0 : index
    %get3A_4 = vector.load %arg1[%get3A_2, %get3A_3] : memref<1x128xf32, #tpu.memory_space<vmem>>, vector<1x128xf32>
    %mul3A = vector.broadcast %get3A_4 : vector<1x128xf32> to vector<10000x128xf32>
    %mul3A_5 = arith.mulf %get3A_1, %mul3A : vector<10000x128xf32>
    %swap3A = arith.constant 0 : index
    %swap3A_6 = arith.constant 0 : index
    %swap3A_7 = vector.load %arg2[%swap3A, %swap3A_6] : memref<10000x128xf32, #tpu.memory_space<vmem>>, vector<10000x128xf32>
    tpu.vector_store %arg2[%swap3A, %swap3A_6], %mul3A_5 {strides = array<i32>} : memref<10000x128xf32, #tpu.memory_space<vmem>>, vector<10000x128xf32>,
    return
  }
}

</mosaic_0001>

<sc_bundles>
// kernel: kernel.4.cloned.1.call-start
scs
__scs_entry_jumppad:
0x0: {  	(pc) =	sbr.rel $0x88, $3  }
0x1: {  	(tag) =	ssettag $0x0;
	lr =	simm.s32 $0x1  }
0x2: {  	[smem:$0x3F9E] =	sst lr;
	_ =	strace $0xD0000000  }
0x3: {  	_ = 	snop  }
0x4: {  	_ = 	snop  }
0x5: {  	_ = 	snop  }
0x6: {  	_ = 	snop  }
0x7: {  	_ = 	snop  }
__scs_overlays_trampoline_lowered:
0x8: {  	[smem:$0x3FAD] =	sst s0  }
0x9: {  	[smem:$0x3FAE] =	sst s1  }
0xa: {  	[smem:$0x3FAF] =	sst s2  }
0xb: {  	[smem:$0x3FB0] =	sst s3  }
0xc: {  	[smem:$0x3FB1] =	sst s4  }
0xd: {  	[smem:$0x3FB2] =	sst s5  }
0xe: {  	[smem:$0x3FB3] =	sst s6  }
0xf: {  	[smem:$0x3FB4] =	sst s7  }
0x10: {  	[smem:$0x3FB5] =	sst s8  }
0x11: {  	[smem:$0x3FB6] =	sst s9;
	s0 =	simm.s32 @!p0 $0x0  }
0x12: {  	s1 =	sld [smem:$0x3F9C];
	s0 =	simm.s32 @p0 $0x1  }
0x13: {  	[smem:$0x3FB7] =	sst s0;
	s0 =	simm.s32 @!p1 $0x0  }
0x14: {  	s2 =	sld [smem:$0x3F9B];
	s0 =	simm.s32 @p1 $0x1  }
0x15: {  	[smem:$0x3FB8] =	sst s0;
	s0 =	simm.s32 @!p2 $0x0  }
0x16: {  	s3 =	sld [smem:$0x3FDB];
	s0 =	simm.s32 @p2 $0x1  }
0x17: {  	s4 =	simm.s32 $0x1BF5;
	[smem:$0x3FBA] =	sst s0  }
0x18: {  	s0 =	sld [smem:$0x3F9D];
	_ =	swait.ge [sflag:s4], $0x0  }
0x19: {  	s7 =	sld [smem:$0x3F9E]  }
0x1a: {  	s8 =	sadd.s32 $0xFFFFE003, lr  }
0x1b: {  	s9 =	sadd.s32 $0xFFFFFEF7, lr;
	s5 =	simm.s32 $0xFFFFFFFF;
	p2 =	slt.u32 s8, $0xFFFFF086  }
0x1c: {  	p1 =	slt.u32 s9, $0xF7A;
	s5 =	simm.s32 @!p2 $0x0  }
0x1d: {  	s5 =	simm.s32 @p1 $0x1;
	p0 =	seq.s32 s7, s2  }
0x1e: {  	s7 =	smul.u32 @!p0 $0xF7A, s2;
	p2 =	seq.s32 @!p0 s5, $0x0  }
0x1f: {  	s9 =	smul.u32 $0xF7A, s1;
	s8 =	simm.s32 @!p0 $0x1BF5;
	p2 =	por !p2, p0  }
0x20: {  	[sflag:s8] =	ssyncset.s32 @!p0 $0xFFFFF086;
	s6 =	sadd.s32 @!p0 s3, s7;
	s7 =	simm.s32 @!p0 $0x108  }
0x21: {  	s3 =	sadd.s32 s3, s9;
	s6 =	sadd.s32 @!p0 $0x88, s6;
	s7 =	simm.s32 @p2 $0x1082  }
0x22: {  	[simem:s7], [sflag:s8] =	dma.local @!p0 [hbm:s6], $0xF7A  }
0x23: {  	s9 =	sor.u32 $0xD0000000, s2;
	s6 =	simm.s32 $0x108;
	_ =	swait.ge @!p0 [sflag:s8], $0x0  }
0x24: {  	s3 =	sadd.s32 $0x88, s3;
	s6 =	simm.s32 @!p1 $0x1082;
	[sflag:s4] =	ssyncset.s32 $0xFFFFF086  }
0x25: {  	[simem:s6], [sflag:s4] =	dma.local [hbm:s3], $0xF7A  }
0x26: {  	[smem:$0x3F9E] =	sst s1;
	(tag) =	ssettag s2;
	_ =	strace s9  }
0x27: {  	s1 =	sld [smem:$0x3FAE]  }
0x28: {  	s2 =	sld [smem:$0x3FAF]  }
0x29: {  	s4 =	sld [smem:$0x3FB1]  }
0x2a: {  	p0 =	seq.s32 s5, $0x0;
	s5 =	sld [smem:$0x3FB2]  }
0x2b: {  	s6 =	sld [smem:$0x3FB3]  }
0x2c: {  	s7 =	sld [smem:$0x3FB4]  }
0x2d: {  	s3 =	simm.s32 $0x108;
	s8 =	sld [smem:$0x3FB5]  }
0x2e: {  	s3 =	simm.s32 @!p0 $0x1082;
	s9 =	sld [smem:$0x3FB6]  }
0x2f: {  	lr =	sadd.s32 s0, s3;
	s0 =	sld [smem:$0x3FAD]  }
0x30: {  	s3 =	sld [smem:$0x3FB0]  }
0x31: {  	[smem:$0x3FB9] =	sst s10  }
0x32: {  	s10 =	sld [smem:$0x3FB7];
	_ =	sdelay $0x3  }
0x33: {  	p0 =	seq.s32 s10, $0x1;
	s10 =	sld [smem:$0x3FB9];
	_ =	sdelay $0x3  }
0x34: {  	[smem:$0x3FB9] =	sst s10  }
0x35: {  	s10 =	sld [smem:$0x3FB8];
	_ =	sdelay $0x3  }
0x36: {  	p1 =	seq.s32 s10, $0x1;
	s10 =	sld [smem:$0x3FB9];
	_ =	sdelay $0x3  }
0x37: {  	[smem:$0x3FB9] =	sst s10  }
0x38: {  	s10 =	sld [smem:$0x3FBA]  }
0x39: {  	_ = 	snop;
	(pc) =	sbr.ind lr, $3  }
0x3a: {  	_ = 	snop  }
0x3b: {  	_ = 	snop  }
0x3c: {  	p2 =	seq.s32 s10, $0x1;
	s10 =	sld [smem:$0x3FB9]  }
0x3d: {  	_ =	shalt  }
0x3e: {  	_ =	shalt  }
0x3f: {  	_ =	shalt  }
0x40: {  	_ =	shalt  }
0x41: {  	_ =	shalt  }
0x42: {  	_ =	shalt  }
0x43: {  	_ =	shalt  }
0x44: {  	_ =	shalt  }
0x45: {  	_ =	shalt  }
0x46: {  	_ =	shalt  }
0x47: {  	_ =	shalt  }
0x48: {  	_ =	shalt  }
0x49: {  	_ =	shalt  }
0x4a: {  	_ =	shalt  }
0x4b: {  	_ =	shalt  }
0x4c: {  	_ =	shalt  }
0x4d: {  	_ =	shalt  }
0x4e: {  	_ =	shalt  }
0x4f: {  	_ =	shalt  }
0x50: {  	_ =	shalt  }
0x51: {  	_ =	shalt  }
0x52: {  	_ =	shalt  }
0x53: {  	_ =	shalt  }
0x54: {  	_ =	shalt  }
0x55: {  	_ =	shalt  }
0x56: {  	_ =	shalt  }
0x57: {  	_ =	shalt  }
0x58: {  	_ =	shalt  }
0x59: {  	_ =	shalt  }
0x5a: {  	_ =	shalt  }
0x5b: {  	_ =	shalt  }
0x5c: {  	_ =	shalt  }
0x5d: {  	_ =	shalt  }
0x5e: {  	_ =	shalt  }
0x5f: {  	_ =	shalt  }
0x60: {  	_ =	shalt  }
0x61: {  	_ =	shalt  }
0x62: {  	_ =	shalt  }
0x63: {  	_ =	shalt  }
0x64: {  	_ =	shalt  }
0x65: {  	_ =	shalt  }
0x66: {  	_ =	shalt  }
0x67: {  	_ =	shalt  }
0x68: {  	_ =	shalt  }
0x69: {  	_ =	shalt  }
0x6a: {  	_ =	shalt  }
0x6b: {  	_ =	shalt  }
0x6c: {  	_ =	shalt  }
0x6d: {  	_ =	shalt  }
0x6e: {  	_ =	shalt  }
0x6f: {  	_ =	shalt  }
0x70: {  	_ =	shalt  }
0x71: {  	_ =	shalt  }
0x72: {  	_ =	shalt  }
0x73: {  	_ =	shalt  }
0x74: {  	_ =	shalt  }
0x75: {  	_ =	shalt  }
0x76: {  	_ =	shalt  }
0x77: {  	_ =	shalt  }
0x78: {  	_ =	shalt  }
0x79: {  	_ =	shalt  }
0x7a: {  	_ =	shalt  }
0x7b: {  	_ =	shalt  }
0x7c: {  	_ =	shalt  }
0x7d: {  	_ =	shalt  }
0x7e: {  	_ =	shalt  }
0x7f: {  	_ =	shalt  }
0x80: {  	_ =	shalt  }
0x81: {  	_ =	shalt  }
0x82: {  	_ =	shalt  }
0x83: {  	_ =	shalt  }
0x84: {  	_ =	shalt  }
0x85: {  	_ =	shalt  }
0x86: {  	_ =	shalt  }
0x87: {  	_ =	shalt  }
.Lfunc_end0:
.L_simem_size_0:
called_computation_lowered:
.L_overlay_start_0:
0x88: {  	s2 =	sld [smem:$0x3FD9]  }
0x89: {  	s3 =	sld [smem:$0x3FFE];
	_ =	sdelay $0x1  }
0x8a: {  	s1 =	srdreg.scid  }
0x8b: {  	s0 =	sand.u32 $0x1, s1  }
0x8c: {  	s17 =	sshll.u32 s0, $0xA;
	s2 =	sadd.s32 s3, s2  }
0x8d: {  	s2 =	sadd.s32 s2, s17  }
0x8e: {  	[smem:$0x3FC5] =	sst s2  }
0x8f: {  	_ = 	snop  }
0x90: {  	s2 =	sld [smem:$0x3FC9]  }
0x91: {  	s18 =	sld [smem:$0x3FD0];
	(tm) =	ssettm $0x1  }
0x92: {  	s4 =	sld [smem:$0x3FFB];
	_ =	sdelay $0x3  }
0x93: {  	_ =	strace s4  }
0x94: {  	s4 =	sld [smem:$0x3FFC];
	_ =	sdelay $0x3  }
0x95: {  	_ =	strace s4  }
0x96: {  	s4 =	sld [smem:$0x3FFD];
	_ =	sdelay $0x3  }
0x97: {  	_ =	strace s4  }
0x98: {  	_ =	strace $0x8FFFFFFF  }
0x99: {  	s19 =	sld [smem:$0x3FDB];
	_ =	sdelay $0x1  }
0x9a: {  	s5 =	simm.s32 $_scs_section_size  }
0x9b: {  	s6 =	simm.s32 $_size__tile_overlayer_lowered;
	s7 =	simm.s32 $_tile_overlayer_lowered  }
0x9c: {  	s22 =	simm.s32 $0x1BFF;
	s21 =	sshll.u32 s7, $0x1;
	s4 =	sadd.s32 s5, s19  }
0x9d: {  	s8 =	simm.s32 $0x0;
	s20 =	sshll.u32 s6, $0x1;
	s6 =	sadd.s32 s21, s4  }
0x9e: {  	[timem:s8], [sflag:s22] =	dma.local [hbm:s6], s20  }
0x9f: {  	_ =	swait.ge [sflag:s22], s20  }
0xa0: {  	s5 =	ssub.s32 $0x0, s20;
	[sflag:s22] =	ssyncset.done $0x0  }
0xa1: {  	[sflag:s22] =	ssyncadd.s32 s5;
	_ =	sdelay $0x1  }
0xa2: {  	s23 =	simm.s32 $0x1B8B  }
0xa3: {  	_ =	swait.ge [sflag:s23], $0x1  }
0xa4: {  	[sflag:s23] =	ssyncset.done $0x0  }
0xa5: {  	s25 =	simm.s32 $0x1B8E;
	s24 =	sld [smem:$0x3FFE];
	[sflag:s23] =	ssyncadd.s32 $0xFFFFFFFF  }
0xa6: {  	s26 =	simm.s32 $execute0_lowered;
	[smem:$0x3FD2] =	sst s25  }
0xa7: {  	s6 =	sshll.u32 s26, $0x1;
	_ =	strace $0x80000046;
	[dreg:$0x1] =	wrdreg $0xFFFFFFFF  }
0xa8: {  	s28 =	simm.s32 $_size_execute0_lowered;
	s4 =	sadd.s32 s4, s6;
	[dreg:$0x0] =	wrdreg $0x0  }
0xa9: {  	s6 =	sshll.u32 s28, $0x1;
	[dreg:$0x2] =	wrdreg s4  }
0xaa: {  	[dreg:$0x3] =	wrdreg s6  }
0xab: {  	[dreg:$0x4] =	wrdreg $0xC0  }
0xac: {  	_ =	task [dreg:s8], $0x5FFFF  }
0xad: {  	[dreg:$0x1] =	wrdreg $0xFFFFFFFF  }
0xae: {  	[dreg:$0x0] =	wrdreg $0x60  }
0xaf: {  	[dreg:$0x2] =	wrdreg s24  }
0xb0: {  	[dreg:$0x3] =	wrdreg s2  }
0xb1: {  	[dreg:$0x4] =	wrdreg s18  }
0xb2: {  	[dreg:$0x5] =	wrdreg $0xC3000  }
0xb3: {  	[dreg:$0x6] =	wrdreg $0x9  }
0xb4: {  	_ =	task.clear_ibuf [dreg:s8], $0x7FFFF;
	_ =	strace $0x90000046  }
0xb5: {  	s29 =	simm.s32 $0x9;
	_ =	strace $0x80000048  }
0xb6: {  	_ =	swait.ge [sflag:s29], $0x1  }
0xb7: {  	[sflag:s29] =	ssyncadd.s32 $0xFFFFFFFF  }
0xb8: {  	_ =	strace $0x90000048  }
0xb9: {  	_ =	sfence  }
0xba: {  	s30 =	sld [smem:$0x0];
	_ =	sdelay $0x2  }
0xbb: {  	s31 =	sshll.u32 s1, $0xD;
	s1 =	sshrl.u32 s1, $0x2  }
0xbc: {  	s3 =	sand.u32 $0x4000, s31;
	s1 =	sadd.s32 s1, s30  }
0xbd: {  	s0 =	sor.u32 s3, s0;
	s1 =	sshll.u32 s1, $0x11  }
0xbe: {  	s0 =	sor.u32 s1, s0  }
0xbf: {  	s0 =	sadd.s32 $0x8F2B, s0  }
0xc0: {  	[sflag:s0] =	ssyncadd.remote.s32 $0x1  }
0xc1: {  	_ =	sfence.sel $0xFFFF  }
0xc2: {  	[dreg:$0x0] =	wrdreg $0xFFFFFFFF;
	(pc) =	sbr.abs _section_cstart, $3  }
0xc3: {  	[dreg:$0x1] =	wrdreg $0xFFFFFFFF  }
0xc4: {  	_ =	task.clear_ibuf [dreg:s8], $0x2FFFF;
	_ =	strace $0x9FFFFFFF  }
0xc5: {  	(tm) =	ssettm $0x7FFFFFFF  }
tec
execute0_lowered:
.L_overlay_start_1:
0x0: {  	(tag) =	ssettag $0x1  }
0x1: {  	s0 =	rddreg [dreg:$0x0]  }
0x2: {  	s1 =	rddreg [dreg:$0x1]  }
0x3: {  	s3 =	rddreg [dreg:$0x2]  }
0x4: {  	s4 =	rddreg [dreg:$0x3];
	s5 =	simm.s32 $0x0  }
0x5: {  	s14 =	stileid.u32;
	s6 =	srdreg.scid;
	s21 =	simm.s32 $0x100  }
0x6: {  	s22 =	simm.s32 $0x7;
	s28 =	simm.s32 $0x180;
	s29 =	simm.s32 $0x1  }
0x7: {  	s30 =	simm.s32 $0x3;
	s31 =	simm.s32 $0x8;
	s2 =	smul.u32 $0x2800, s14  }
0x8: {  	[smem:$0x7FF] =	sst s5;
	s7 =	sand.u32 $0x1, s6;
	s8 =	smul.u32 $0x50000, s14  }
0x9: {  	s6 =	sadd.s32 $0xA00, s0;
	s10 =	sshll.u32 s14, $0x1;
	p0 =	seq.s32 s14, $0xF  }
0xa: {  	_ =	strace $0x80000047;
	s9 =	ssub.s32 $0x2, s7;
	s7 =	sor.u32 s7, s10  }
0xb: {  	s2 =	sadd.s32 s2, s0;
	s11 =	sshrl.u32 s9, $0x1;
	s8 =	sshrl.u32 s8, $0x2  }
0xc: {  	v0 =	vimm.s32 $0xFEDCBA98;
	s7 =	smul.u32 $0x2710, s7;
	s0 =	sadd.s32 $0x39C00, s0;
	s9 =	ssub.s32 s9, s11  }
0xd: {  	v1 =	vimm.s32 $0x76543210;
	v0 =	vunpack.c.l.s4.s8 v0;
	s8 =	sadd.s32 s8, s4;
	s2 =	sadd.s32 $0x14400, s2;
	[dreg:$0x6] =	wrdreg s0  }
0xe: {  	v3 =	vimm.s32 $0x32107654;
	v1 =	vunpack.c.l.s4.s8 v1;
	[dreg:$0x5] =	wrdreg s2;
	s2 =	sadd.s32 $0x12C000, s4;
	s23 =	sshrl.u32 s7, $0x3  }
0xf: {  	v2 =	vimm.s32 $0xBA98FEDC;
	v3 =	vunpack.c.l.s4.s8 v3;
	v0 =	vunpack.c.0.s8.s32 v0;
	s10 =	sadd.s32 $0x4E200, s7;
	s11 =	sadd.s32 $0x60, s7;
	s26 =	smax.u32 s9, $0x1  }
0x10: {  	v4 =	vimm.s32 $0x54761032;
	v2 =	vunpack.c.l.s4.s8 v2;
	v1 =	vunpack.c.0.s8.s32 v1;
	s15 =	sadd.s32 s6, s23;
	s12 =	sshrl.u32 s10, $0x3;
	[dreg:$0xc] =	wrdreg s26  }
0x11: {  	v5 =	vimm.s32 $0xEFCDAB89;
	v3 =	vunpack.c.0.s8.s32 v3;
	v0 =	vand.u32 $0xF, v0;
	s13 =	sshrl.u32 s11, $0x3;
	s12 =	sadd.s32 s6, s12;
	[dreg:$0x7] =	wrdreg s15  }
0x12: {  	s9 =	simm.s32 $0x2;
	v0 =	vcombine.low v0, v1;
	v1 =	vunpack.c.0.s8.s32 v2;
	v2 =	vimm.s32 $0xDCFE98BA;
	s24 =	sadd.s32 s6, s13;
	[dreg:$0x8] =	wrdreg s12  }
0x13: {  	v6 =	vimm.s32 $0x67452301;
	v4 =	vunpack.c.l.s4.s8 v4;
	s0 =	sadd.s32 s3, s23;
	s25 =	sadd.s32 $0x9C4C, s15;
	v2 =	vunpack.c.l.s4.s8 v2;
	[dreg:$0x9] =	wrdreg s24  }
0x14: {  	s23 =	simm.s32 $0x60;
	s0 =	sadd.s32 $0x4D6, s0;
	[dreg:$0xa] =	wrdreg s25;
	v3 =	vcombine.low v3, v1;
	v1 =	vunpack.c.l.s4.s8 v5;
	v5 =	vunpack.c.l.s4.s8 v6  }
0x15: {  	vm0 =	vcmask $0x2F20;
	v4 =	vunpack.c.0.s8.s32 v4;
	s26 =	simm.s32 $0x80;
	[dreg:$0xb] =	wrdreg s0;
	s0 =	sshrl.u32 @p0 s2, $0x3;
	v2 =	vunpack.c.0.s8.s32 v2  }
0x16: {  	vm1 =	vcmask $0xF00;
	s13 =	simm.s32 $0x4;
	[dreg:$0xd] =	wrdreg s0;
	s0 =	sshll.u32 @!p0 s14, $0x6;
	v6 =	vunpack.c.0.s8.s32 v1;
	v5 =	vunpack.c.0.s8.s32 v5  }
0x17: {  	vm0 =	vmor vm1, vm0;
	vm1 =	vmmov $0xff;
	s24 =	simm.s32 $0x200;
	s25 =	simm.s32 $0x6200;
	s0 =	sor.u32 @!p0 $0x1C09, s0;
	v1 =	vcombine.low v4, v2  }
0x18: {  	s2 =	simm.s32 $0x0;
	[dreg:$0xe] =	wrdreg s0;
	s0 =	sshrl.u32 @!p0 s8, $0x3;
	v4 =	vlaneseq.u32;
	v2 =	vcombine.low v5, v6;
	v5 =	vimm.s32 $0xC040800  }
0x19: {  	s14 =	simm.s32 $0xC280;
	v3 =	vand.u32 $0xF, v3;
	s8 =	simm.s32 $0xC200;
	[dreg:$0xf] =	wrdreg s0;
	v4 =	vshrl.u32 v4, $0x2;
	v5 =	vunpack.c.0.s8.s32 v5  }
.LBB2_1:
0x1a: {  	[dreg:$0x10] =	wrdreg s2  }
0x1b: {  	s2 =	rddreg [dreg:$0x6]  }
0x1c: {  	s0 =	simm.s32 @p0 $0x1FC9;
	s12 =	rddreg [dreg:$0xd]  }
0x1d: {  	[spmem:s12], [sflag:s0] =	dma.local @p0 [hbm:s2], $0x1900  }
0x1e: {  	s0 =	simm.s32 @p0 $0x9  }
0x1f: {  	_ =	swait.ge @p0 [sflag:s0], $0x1900  }
0x20: {  	s2 =	rddreg [dreg:$0xe]  }
0x21: {  	[sflag:s0] =	ssyncset.done @p0 $0x0;
	s12 =	rddreg [dreg:$0xf]  }
0x22: {  	[sflag:s0] =	ssyncadd.s32 @p0 $0xFFFFE700;
	s0 =	rddreg [dreg:$0x5]  }
0x23: {  	[spmem:s12], [sflag:s2] =	dma.local @!p0 [hbm:s0], $0x2800  }
0x24: {  	s0 =	simm.s32 @!p0 $0x9  }
0x25: {  	_ =	swait.ge @!p0 [sflag:s0], $0x2800  }
0x26: {  	[sflag:s0] =	ssyncset.done @!p0 $0x0  }
0x27: {  	[sflag:s0] =	ssyncadd.s32 @!p0 $0xFFFFD800  }
0x28: {  	[bflag:$0x0] =	sbarrier.arrive $0xFFFF  }
0x29: {  	s17 =	rddreg [dreg:$0x7]  }
0x2a: {  	[tilespmem:s5], [sflag:$0x7] =	stream.linear.gather [hbm4b:s17+s5], $0x60, $0x38;
	[tilespmem:$0x1FB80] =	vst v63  }
0x2b: {  	s18 =	rddreg [dreg:$0x8]  }
0x2c: {  	[tilespmem:s21], [sflag:$0x7] =	stream.linear.gather [hbm4b:s18+s5], $0x60, $0x38;
	[tilespmem:$0x1FB80] =	vst v63  }
0x2d: {  	_ =	swait.ge [sflag:s22], $0x60  }
0x2e: {  	[sflag:s22] =	ssyncset.done $0x0  }
0x2f: {  	[sflag:s22] =	ssyncadd.s32 $0xFFFFFFA0  }
0x30: {  	_ =	swait.ge [sflag:s22], $0x60  }
0x31: {  	[sflag:s22] =	ssyncset.done $0x0  }
0x32: {  	[sflag:s22] =	ssyncadd.s32 $0xFFFFFFA0  }
0x33: {  	[tilespmem:s24], [sflag:$0x1] =	stream.indirect.gather [spmem:s4], $0x80, s5, s23, $0xb8;
	[tilespmem:$0x1FB80] =	vst v63  }
0x34: {  	_ = 	snop  }
0x35: {  	[tilespmem:s25], [sflag:$0x3] =	stream.indirect.gather [hbm4b:s1+s23], $0x80, s21, s23, $0xb8;
	[tilespmem:$0x1FB80] =	vst v63  }
0x36: {  	s19 =	rddreg [dreg:$0x9]  }
0x37: {  	[tilespmem:s26], [sflag:$0x8] =	stream.linear.gather [hbm4b:s19+s5], $0x60, $0x38;
	[tilespmem:$0x1FB80] =	vst v63  }
0x38: {  	s20 =	rddreg [dreg:$0xa]  }
0x39: {  	[tilespmem:s28], [sflag:$0x8] =	stream.linear.gather [hbm4b:s20+s5], $0x60, $0x38;
	[tilespmem:$0x1FB80] =	vst v63  }
0x3a: {  	_ =	swait.ge [sflag:s29], $0x3000  }
0x3b: {  	[sflag:s29] =	ssyncset.done $0x0  }
0x3c: {  	[sflag:s29] =	ssyncadd.s32 $0xFFFFD000  }
0x3d: {  	_ =	swait.ge [sflag:s30], $0x3000  }
0x3e: {  	[sflag:s30] =	ssyncset.done $0x0  }
0x3f: {  	s18 =	simm.s32 $0x0;
	[sflag:s30] =	ssyncadd.s32 $0xFFFFD000  }
.LBB2_2:
0x40: {  	_ =	swait.ge [sflag:s31], $0x60  }
0x41: {  	[sflag:s31] =	ssyncset.done $0x0  }
0x42: {  	[sflag:s31] =	ssyncadd.s32 $0xFFFFFFA0  }
0x43: {  	s19 =	smul.u32 $0xC0, s18;
	_ =	swait.ge [sflag:s31], $0x60  }
0x44: {  	[sflag:s31] =	ssyncset.done $0x0  }
0x45: {  	s0 =	simm.s32 $0x3200;
	s17 =	smin.u32 s19, $0x25F0;
	[sflag:s31] =	ssyncadd.s32 $0xFFFFFFA0  }
0x46: {  	[tilespmem:s0], [sflag:$0x2] =	stream.indirect.gather [spmem:s4], $0x80, s26, s23, $0xb8;
	[tilespmem:$0x1FB80] =	vst v63  }
0x47: {  	s0 =	sadd.s32 $0xC0, s17  }
0x48: {  	s16 =	simm.s32 $0x9200;
	s12 =	sadd.s32 s7, s0  }
0x49: {  	[tilespmem:s16], [sflag:$0x4] =	stream.indirect.gather [hbm4b:s1+s23], $0x80, s28, s23, $0xb8;
	[tilespmem:$0x1FB80] =	vst v63  }
0x4a: {  	s0 =	sadd.s32 s10, s0;
	s12 =	sshrl.u32 s12, $0x3  }
0x4b: {  	s0 =	sshrl.u32 s0, $0x3;
	s12 =	sadd.s32 s6, s12  }
0x4c: {  	[tilespmem:s5], [sflag:$0x7] =	stream.linear.gather [hbm4b:s12+s5], $0x60, $0x38;
	[tilespmem:$0x1FB80] =	vst v63  }
0x4d: {  	p1 =	seq.s32 s18, $0x0;
	s0 =	sadd.s32 s6, s0  }
0x4e: {  	[tilespmem:s21], [sflag:$0x7] =	stream.linear.gather [hbm4b:s0+s5], $0x60, $0x38;
	[tilespmem:$0x1FB80] =	vst v63  }
0x4f: {  	s0 =	simm.s32 @!p1 $0x5  }
0x50: {  	_ =	swait.ge @!p1 [sflag:s0], $0x60  }
0x51: {  	[sflag:s0] =	ssyncset.done @!p1 $0x0  }
0x52: {  	s20 =	simm.s32 $0x6300;
	[sflag:s0] =	ssyncadd.s32 @!p1 $0xFFFFFFA0  }
0x53: {  	s2 =	simm.s32 $0x300;
	v6 =	vld [tilespmem:s20+$0xFFFFFF00]  }
0x54: {  	v7 =	vld [tilespmem:s2+$0xFFFFFF00]  }
0x55: {  	v8 =	vld [tilespmem:s2+$0xFFFFFF10]  }
0x56: {  	v9 =	vld [tilespmem:s20+$0xFFFFFF10]  }
0x57: {  	v10 =	vld [tilespmem:s2+$0xFFFFFF20]  }
0x58: {  	v11 =	vld [tilespmem:s20+$0xFFFFFF20]  }
0x59: {  	v12 =	vld [tilespmem:s2+$0xFFFFFF30]  }
0x5a: {  	v13 =	vld [tilespmem:s20+$0xFFFFFF30]  }
0x5b: {  	v14 =	vld [tilespmem:s2+$0xFFFFFF40]  }
0x5c: {  	v15 =	vld [tilespmem:s20+$0xFFFFFF40]  }
0x5d: {  	v16 =	vld [tilespmem:s2+$0xFFFFFF50]  }
0x5e: {  	v17 =	vld [tilespmem:s20+$0xFFFFFF50]  }
0x5f: {  	v18 =	vld [tilespmem:s2+$0xFFFFFF60]  }
0x60: {  	v19 =	vld [tilespmem:s20+$0xFFFFFF60]  }
0x61: {  	v20 =	vld [tilespmem:s2+$0xFFFFFF70]  }
0x62: {  	v21 =	vld [tilespmem:s20+$0xFFFFFF70]  }
0x63: {  	v22 =	vld [tilespmem:s2+$0xFFFFFF80]  }
0x64: {  	v23 =	vld [tilespmem:s20+$0xFFFFFF80]  }
0x65: {  	v24 =	vld [tilespmem:s2+$0xFFFFFF90]  }
0x66: {  	v25 =	vld [tilespmem:s20+$0xFFFFFF90]  }
0x67: {  	v26 =	vld [tilespmem:s2+$0xFFFFFFA0]  }
0x68: {  	v27 =	vld [tilespmem:s20+$0xFFFFFFA0]  }
0x69: {  	v28 =	vld [tilespmem:s2+$0xFFFFFFB0]  }
0x6a: {  	v29 =	vld [tilespmem:s20+$0xFFFFFFB0]  }
0x6b: {  	v30 =	vld [tilespmem:s2+$0xFFFFFFC0]  }
0x6c: {  	v31 =	vld [tilespmem:s20+$0xFFFFFFC0]  }
0x6d: {  	v32 =	vld [tilespmem:s2+$0xFFFFFFD0]  }
0x6e: {  	v33 =	vld [tilespmem:s20+$0xFFFFFFD0]  }
0x6f: {  	v34 =	vld [tilespmem:s2+$0xFFFFFFE0]  }
0x70: {  	v35 =	vld [tilespmem:s20+$0xFFFFFFE0]  }
0x71: {  	v36 =	vld [tilespmem:s2+$0xFFFFFFF0]  }
0x72: {  	v37 =	vld [tilespmem:s20+$0xFFFFFFF0]  }
0x73: {  	v38 =	vld [tilespmem:s2+$0x0]  }
0x74: {  	v39 =	vld [tilespmem:s20+$0x0]  }
0x75: {  	v40 =	vld [tilespmem:s2+$0x10]  }
0x76: {  	v41 =	vld [tilespmem:s20+$0x10]  }
0x77: {  	v42 =	vld [tilespmem:s2+$0x20]  }
0x78: {  	v43 =	vld [tilespmem:s20+$0x20]  }
0x79: {  	v44 =	vld [tilespmem:s2+$0x30]  }
0x7a: {  	v45 =	vld [tilespmem:s20+$0x30]  }
0x7b: {  	v46 =	vld [tilespmem:s2+$0x40]  }
0x7c: {  	v47 =	vld [tilespmem:s20+$0x40]  }
0x7d: {  	v48 =	vld [tilespmem:s2+$0x50]  }
0x7e: {  	v49 =	vld [tilespmem:s20+$0x50]  }
0x7f: {  	v50 =	vld [tilespmem:s2+$0x60]  }
0x80: {  	v51 =	vld [tilespmem:s20+$0x60]  }
0x81: {  	v52 =	vld [tilespmem:s2+$0x70]  }
0x82: {  	v53 =	vld [tilespmem:s20+$0x70]  }
0x83: {  	v54 =	vld [tilespmem:s2+$0x80]  }
0x84: {  	v55 =	vld [tilespmem:s20+$0x80]  }
0x85: {  	v56 =	vld [tilespmem:s2+$0x90]  }
0x86: {  	v6 =	vmul.f32 v6, v7;
	v7 =	vmul.f32 v9, v8;
	v8 =	vld [tilespmem:s20+$0x90]  }
0x87: {  	v9 =	vmul.f32 v11, v10;
	v10 =	vmul.f32 v13, v12;
	v11 =	vld [tilespmem:s2+$0xA0]  }
0x88: {  	v12 =	vmul.f32 v15, v14;
	v13 =	vmul.f32 v17, v16;
	v14 =	vld [tilespmem:s20+$0xA0]  }
0x89: {  	v15 =	vmul.f32 v19, v18;
	v16 =	vmul.f32 v21, v20;
	v17 =	vld [tilespmem:s2+$0xB0]  }
0x8a: {  	v18 =	vmul.f32 v29, v28;
	v19 =	vld [tilespmem:s2+$0xD0];
	v20 =	vmul.f32 v31, v30  }
0x8b: {  	v21 =	vmul.f32 v33, v32;
	v28 =	vmul.f32 v49, v48;
	v29 =	vld [tilespmem:s20+$0xF0];
	v6 =	vadd.f32 v7, v6  }
0x8c: {  	v30 =	vmul.f32 v53, v52;
	v7 =	vadd.f32 v10, v9;
	v9 =	vld [tilespmem:s20+$0xB0];
	v10 =	vadd.f32 v13, v12  }
0x8d: {  	v12 =	vadd.f32 v16, v15;
	v13 =	vld [tilespmem:s2+$0xC0];
	v15 =	vmul.f32 v25, v24;
	v20 =	vadd.f32 v21, v20  }
0x8e: {  	v16 =	vld [tilespmem:s20+$0xC0];
	v21 =	vmul.f32 v39, v38;
	v24 =	vmul.f32 v41, v40;
	v6 =	vadd.f32 v7, v6  }
0x8f: {  	v25 =	vld [tilespmem:s20+$0xE0];
	v7 =	vmul.f32 v23, v22;
	v10 =	vadd.f32 v12, v10;
	v12 =	vmul.f32 v27, v26  }
0x90: {  	v22 =	vmul.f32 v35, v34;
	v23 =	vmul.f32 v37, v36;
	v27 =	vld [tilespmem:s2+$0xF0]  }
0x91: {  	v26 =	vmul.f32 v45, v44;
	v21 =	vadd.f32 v24, v21;
	v7 =	vadd.f32 v15, v7;
	v15 =	vld [tilespmem:s20+$0xD0]  }
0x92: {  	v24 =	vmul.f32 v55, v54;
	v8 =	vmul.f32 v8, v56;
	v12 =	vadd.f32 v18, v12;
	v18 =	vld [tilespmem:s2+$0xE0]  }
0x93: {  	v11 =	vmul.f32 v14, v11;
	v22 =	vadd.f32 v23, v22;
	v23 =	vmul.f32 v43, v42  }
0x94: {  	v9 =	vmul.f32 v9, v17;
	v13 =	vmul.f32 v16, v13;
	v8 =	vadd.f32 v8, v24  }
0x95: {  	v7 =	vadd.f32 v12, v7;
	v12 =	vmul.f32 v47, v46;
	v20 =	vadd.f32 v22, v20  }
0x96: {  	v22 =	vmul.f32 v51, v50;
	v23 =	vadd.f32 v26, v23;
	v17 =	vmul.f32 v29, v27  }
0x97: {  	v9 =	vadd.f32 v9, v11;
	v14 =	vmul.f32 v15, v19;
	v16 =	vmul.f32 v25, v18  }
0x98: {  	v12 =	vadd.f32 v28, v12;
	v15 =	vadd.f32 v30, v22  }
0x99: {  	v11 =	vadd.f32 v14, v13;
	v13 =	vadd.f32 v17, v16  }
0x9a: {  	v8 =	vadd.f32 v9, v8;
	v14 =	vadd.f32 v23, v21  }
0x9b: {  	v12 =	vadd.f32 v15, v12;
	v9 =	vadd.f32 v13, v11  }
0x9c: {  	v6 =	vadd.f32 v10, v6;
	v7 =	vadd.f32 v20, v7  }
0x9d: {  	v10 =	vadd.f32 v12, v14;
	v8 =	vadd.f32 v9, v8  }
0x9e: {  	v11 =	vperm.xlane v7, v0;
	v9 =	vperm.xlane v6, v0  }
0x9f: {  	v12 =	vperm.xlane v10, v0;
	v13 =	vperm.xlane v8, v0  }
0xa0: {  	v7 =	vadd.f32 v11, v7;
	v6 =	vadd.f32 v9, v6  }
0xa1: {  	v9 =	vadd.f32 v12, v10;
	v8 =	vadd.f32 v13, v8;
	_ =	sdelay $0x1  }
0xa2: {  	v6 =	vsel vm1, v6, v7;
	v7 =	vsel vm1, v9, v8  }
0xa3: {  	v8 =	vperm.xlane v6, v3;
	v9 =	vperm.xlane v7, v3;
	_ =	sdelay $0x1  }
0xa4: {  	v6 =	vadd.f32 v8, v6;
	v7 =	vadd.f32 v9, v7;
	_ =	sdelay $0x1  }
0xa5: {  	v6 =	vsel vm0, v6, v7  }
0xa6: {  	v7 =	vperm.xlane v6, v1;
	_ =	sdelay $0x1  }
0xa7: {  	v6 =	vadd.f32 v6, v7;
	_ =	sdelay $0x1  }
0xa8: {  	v7 =	vperm.xlane v6, v2;
	_ =	sdelay $0x1  }
0xa9: {  	s20 =	simm.s32 $0x0;
	v6 =	vadd.f32 v6, v7  }
0xaa: {  	s15 =	sand.u32 $0x3, s20  }
0xab: {  	p2 =	seq.s32 s15, $0x0;
	v8 =	vmov s15;
	v7 =	vimm.f32 $0.0e+00;
	v6 =	vperm.xlane v6, v5  }
0xac: {  	vm2 =	veq.s32 v8, v4;
	v7 =	vpsel p2, $0x0, v7  }
0xad: {  	s16 =	sand.u32 $0x70, s20;
	v6 =	vsel vm2, v6, v7  }
0xae: {  	s12 =	simm.s32 $0x6500;
	[tilespmem:s16+$0xC200] =	vst v6  }
0xaf: {  	s16 =	simm.s32 $0x500;
	v14 =	vld [tilespmem:s12+$0xFFFFFF00]  }
0xb0: {  	v15 =	vld [tilespmem:s16+$0xFFFFFF00]  }
0xb1: {  	v16 =	vld [tilespmem:s16+$0xFFFFFF10]  }
0xb2: {  	v17 =	vld [tilespmem:s12+$0xFFFFFF10]  }
0xb3: {  	v18 =	vld [tilespmem:s16+$0xFFFFFF20]  }
0xb4: {  	v19 =	vld [tilespmem:s12+$0xFFFFFF20]  }
0xb5: {  	v20 =	vld [tilespmem:s16+$0xFFFFFF30]  }
0xb6: {  	v21 =	vld [tilespmem:s12+$0xFFFFFF30]  }
0xb7: {  	v22 =	vld [tilespmem:s16+$0xFFFFFF40]  }
0xb8: {  	v23 =	vld [tilespmem:s12+$0xFFFFFF40]  }
0xb9: {  	v24 =	vld [tilespmem:s16+$0xFFFFFF50]  }
0xba: {  	v25 =	vld [tilespmem:s12+$0xFFFFFF50]  }
0xbb: {  	v26 =	vld [tilespmem:s16+$0xFFFFFF60]  }
0xbc: {  	v27 =	vld [tilespmem:s12+$0xFFFFFF60]  }
0xbd: {  	v28 =	vld [tilespmem:s16+$0xFFFFFF70]  }
0xbe: {  	v29 =	vld [tilespmem:s12+$0xFFFFFF70]  }
0xbf: {  	v30 =	vld [tilespmem:s16+$0xFFFFFF80]  }
0xc0: {  	v31 =	vld [tilespmem:s12+$0xFFFFFF80]  }
0xc1: {  	v32 =	vld [tilespmem:s16+$0xFFFFFF90]  }
0xc2: {  	v33 =	vld [tilespmem:s12+$0xFFFFFF90]  }
0xc3: {  	v34 =	vld [tilespmem:s16+$0xFFFFFFA0]  }
0xc4: {  	v35 =	vld [tilespmem:s12+$0xFFFFFFA0]  }
0xc5: {  	v36 =	vld [tilespmem:s16+$0xFFFFFFB0]  }
0xc6: {  	v37 =	vld [tilespmem:s12+$0xFFFFFFB0]  }
0xc7: {  	v38 =	vld [tilespmem:s16+$0xFFFFFFC0]  }
0xc8: {  	v39 =	vld [tilespmem:s12+$0xFFFFFFC0]  }
0xc9: {  	v40 =	vld [tilespmem:s16+$0xFFFFFFD0]  }
0xca: {  	v41 =	vld [tilespmem:s12+$0xFFFFFFD0]  }
0xcb: {  	v42 =	vld [tilespmem:s16+$0xFFFFFFE0]  }
0xcc: {  	v62 =	vld [tilespmem:s12+$0xFFFFFFE0]  }
0xcd: {  	v44 =	vld [tilespmem:s16+$0xFFFFFFF0]  }
0xce: {  	v63 =	vld [tilespmem:s12+$0xFFFFFFF0]  }
0xcf: {  	v46 =	vld [tilespmem:s16+$0x0]  }
0xd0: {  	v47 =	vld [tilespmem:s12+$0x0]  }
0xd1: {  	v48 =	vld [tilespmem:s16+$0x10]  }
0xd2: {  	v49 =	vld [tilespmem:s12+$0x10]  }
0xd3: {  	v50 =	vld [tilespmem:s16+$0x20]  }
0xd4: {  	v51 =	vld [tilespmem:s12+$0x20]  }
0xd5: {  	v52 =	vld [tilespmem:s16+$0x30]  }
0xd6: {  	v53 =	vld [tilespmem:s12+$0x30]  }
0xd7: {  	v54 =	vld [tilespmem:s16+$0x40]  }
0xd8: {  	v60 =	vld [tilespmem:s12+$0x40]  }
0xd9: {  	v61 =	vld [tilespmem:s16+$0x50]  }
0xda: {  	v57 =	vld [tilespmem:s12+$0x50]  }
0xdb: {  	v7 =	vld [tilespmem:s16+$0x60]  }
0xdc: {  	v8 =	vld [tilespmem:s12+$0x60]  }
0xdd: {  	v9 =	vld [tilespmem:s16+$0x70]  }
0xde: {  	v11 =	vld [tilespmem:s12+$0x70]  }
0xdf: {  	v10 =	vld [tilespmem:s16+$0x80]  }
0xe0: {  	v12 =	vld [tilespmem:s12+$0x80]  }
0xe1: {  	v13 =	vld [tilespmem:s16+$0x90]  }
0xe2: {  	v14 =	vmul.f32 v14, v15;
	v15 =	vld [tilespmem:s12+$0x90]  }
0xe3: {  	v17 =	vmul.f32 v17, v16;
	v58 =	vmul.f32 v19, v18;
	v16 =	vld [tilespmem:s16+$0xA0]  }
0xe4: {  	v20 =	vmul.f32 v21, v20;
	v21 =	vmul.f32 v23, v22;
	v18 =	vld [tilespmem:s12+$0xA0]  }
0xe5: {  	v22 =	vmul.f32 v25, v24;
	v23 =	vmul.f32 v27, v26;
	v19 =	vld [tilespmem:s16+$0xB0]  }
0xe6: {  	v24 =	vmul.f32 v29, v28;
	v14 =	vadd.f32 v17, v14;
	v17 =	vadd.f32 v20, v58;
	v20 =	vld [tilespmem:s12+$0xB0]  }
0xe7: {  	v28 =	vmul.f32 v39, v38;
	v29 =	vmul.f32 v41, v40;
	v25 =	vadd.f32 v22, v21;
	v21 =	vld [tilespmem:s16+$0xC0]  }
0xe8: {  	v26 =	vmul.f32 v33, v32;
	v23 =	vadd.f32 v24, v23;
	v22 =	vld [tilespmem:s12+$0xC0]  }
0xe9: {  	v27 =	vmul.f32 v37, v36;
	v24 =	vmul.f32 v31, v30;
	v33 =	vadd.f32 v29, v28;
	v28 =	vld [tilespmem:s16+$0xF0]  }
0xea: {  	v14 =	vadd.f32 v17, v14;
	v17 =	vadd.f32 v23, v25;
	v25 =	vmul.f32 v35, v34;
	v23 =	vld [tilespmem:s16+$0xD0]  }
0xeb: {  	v62 =	vmul.f32 v62, v42;
	v63 =	vmul.f32 v63, v44;
	v30 =	vadd.f32 v26, v24;
	v24 =	vld [tilespmem:s12+$0xD0]  }
0xec: {  	v32 =	vmul.f32 v51, v50;
	v36 =	vmul.f32 v57, v61;
	v26 =	vld [tilespmem:s16+$0xE0];
	v25 =	vadd.f32 v27, v25  }
0xed: {  	s17 =	smin.u32 s19, $0x2590;
	v29 =	vmul.f32 v47, v46;
	v31 =	vmul.f32 v49, v48;
	v37 =	vadd.f32 v63, v62;
	v27 =	vld [tilespmem:s12+$0xE0]  }
0xee: {  	s0 =	simm.s32 $0x2;
	s15 =	sadd.s32 $0x120, s17;
	s17 =	simm.s32 $0x1;
	v34 =	vmul.f32 v53, v52;
	v35 =	vmul.f32 v60, v54;
	v25 =	vadd.f32 v25, v30;
	v30 =	vld [tilespmem:s12+$0xF0]  }
.LBB2_3:
0xef: {  	p2 =	sne.s32 s0, $0x17;
	v33 =	vadd.f32 v37, v33;
	v7 =	vmul.f32 v8, v7;
	v8 =	vmul.f32 v11, v9  }
0xf0: {  	v9 =	vadd.f32 v31, v29;
	v10 =	vmul.f32 v12, v10;
	v11 =	vmul.f32 v15, v13  }
0xf1: {  	v12 =	vadd.f32 v34, v32;
	v13 =	vmul.f32 v18, v16;
	v15 =	vmul.f32 v20, v19  }
0xf2: {  	v18 =	vmul.f32 v22, v21;
	v19 =	vmul.f32 v24, v23;
	v16 =	vadd.f32 v36, v35  }
0xf3: {  	v7 =	vadd.f32 v8, v7;
	v8 =	vmul.f32 v27, v26;
	v20 =	vmul.f32 v30, v28  }
0xf4: {  	v10 =	vadd.f32 v11, v10;
	v11 =	vadd.f32 v15, v13  }
0xf5: {  	v13 =	vadd.f32 v19, v18;
	v8 =	vadd.f32 v20, v8  }
0xf6: {  	v9 =	vadd.f32 v12, v9;
	v7 =	vadd.f32 v7, v16  }
0xf7: {  	v10 =	vadd.f32 v11, v10;
	v8 =	vadd.f32 v8, v13  }
0xf8: {  	v12 =	vadd.f32 v33, v25;
	v11 =	vadd.f32 v17, v14  }
0xf9: {  	v7 =	vadd.f32 v7, v9;
	v8 =	vadd.f32 v8, v10  }
0xfa: {  	v9 =	vperm.xlane v11, v0;
	v10 =	vperm.xlane v12, v0  }
0xfb: {  	v13 =	vperm.xlane v7, v0;
	v14 =	vperm.xlane v8, v0  }
0xfc: {  	v9 =	vadd.f32 v9, v11;
	v10 =	vadd.f32 v10, v12  }
0xfd: {  	v7 =	vadd.f32 v13, v7;
	v8 =	vadd.f32 v14, v8;
	_ =	sdelay $0x1  }
0xfe: {  	v9 =	vsel vm1, v9, v10;
	v7 =	vsel vm1, v7, v8  }
0xff: {  	v8 =	vperm.xlane v9, v3;
	v10 =	vperm.xlane v7, v3;
	_ =	sdelay $0x1  }
0x100: {  	v8 =	vadd.f32 v8, v9;
	v7 =	vadd.f32 v10, v7;
	_ =	sdelay $0x1  }
0x101: {  	v7 =	vsel vm0, v8, v7  }
0x102: {  	v8 =	vperm.xlane v7, v1;
	_ =	sdelay $0x1  }
0x103: {  	v7 =	vadd.f32 v7, v8;
	_ =	sdelay $0x1  }
0x104: {  	v8 =	vperm.xlane v7, v2;
	_ =	sdelay $0x1  }
0x105: {  	v7 =	vadd.f32 v7, v8  }
0x106: {  	s2 =	sand.u32 $0x3, s17;
	s17 =	smov.u32 s0  }
0x107: {  	p3 =	seq.s32 s2, $0x0;
	v8 =	vmov s2;
	v7 =	vperm.xlane v7, v5  }
0x108: {  	s20 =	sadd.s32 $0x4, s20;
	v6 =	vpsel p3, $0x0, v6;
	vm2 =	veq.s32 v8, v4  }
0x109: {  	s2 =	sand.u32 $0x70, s20;
	v6 =	vsel vm2, v7, v6  }
0x10a: {  	s12 =	sadd.s32 $0x200, s12;
	[tilespmem:s2+$0xC200] =	vst v6  }
0x10b: {  	s16 =	sadd.s32 $0x200, s16;
	v14 =	vld [tilespmem:s12+$0xFFFFFF00]  }
0x10c: {  	v15 =	vld [tilespmem:s16+$0xFFFFFF00]  }
0x10d: {  	v16 =	vld [tilespmem:s16+$0xFFFFFF10]  }
0x10e: {  	v17 =	vld [tilespmem:s12+$0xFFFFFF10]  }
0x10f: {  	v18 =	vld [tilespmem:s16+$0xFFFFFF20]  }
0x110: {  	v19 =	vld [tilespmem:s12+$0xFFFFFF20]  }
0x111: {  	v20 =	vld [tilespmem:s16+$0xFFFFFF30]  }
0x112: {  	v21 =	vld [tilespmem:s12+$0xFFFFFF30]  }
0x113: {  	v22 =	vld [tilespmem:s16+$0xFFFFFF40]  }
0x114: {  	v23 =	vld [tilespmem:s12+$0xFFFFFF40]  }
0x115: {  	v24 =	vld [tilespmem:s16+$0xFFFFFF50]  }
0x116: {  	v25 =	vld [tilespmem:s12+$0xFFFFFF50]  }
0x117: {  	v26 =	vld [tilespmem:s16+$0xFFFFFF60]  }
0x118: {  	v27 =	vld [tilespmem:s12+$0xFFFFFF60]  }
0x119: {  	v28 =	vld [tilespmem:s16+$0xFFFFFF70]  }
0x11a: {  	v29 =	vld [tilespmem:s12+$0xFFFFFF70]  }
0x11b: {  	v30 =	vld [tilespmem:s16+$0xFFFFFF80]  }
0x11c: {  	v31 =	vld [tilespmem:s12+$0xFFFFFF80]  }
0x11d: {  	v32 =	vld [tilespmem:s16+$0xFFFFFF90]  }
0x11e: {  	v33 =	vld [tilespmem:s12+$0xFFFFFF90]  }
0x11f: {  	v34 =	vld [tilespmem:s16+$0xFFFFFFA0]  }
0x120: {  	v35 =	vld [tilespmem:s12+$0xFFFFFFA0]  }
0x121: {  	v36 =	vld [tilespmem:s16+$0xFFFFFFB0]  }
0x122: {  	v37 =	vld [tilespmem:s12+$0xFFFFFFB0]  }
0x123: {  	v38 =	vld [tilespmem:s16+$0xFFFFFFC0]  }
0x124: {  	v39 =	vld [tilespmem:s12+$0xFFFFFFC0]  }
0x125: {  	v40 =	vld [tilespmem:s16+$0xFFFFFFD0]  }
0x126: {  	v41 =	vld [tilespmem:s12+$0xFFFFFFD0]  }
0x127: {  	v42 =	vld [tilespmem:s16+$0xFFFFFFE0]  }
0x128: {  	v43 =	vld [tilespmem:s12+$0xFFFFFFE0]  }
0x129: {  	v44 =	vld [tilespmem:s16+$0xFFFFFFF0]  }
0x12a: {  	v45 =	vld [tilespmem:s12+$0xFFFFFFF0]  }
0x12b: {  	v46 =	vld [tilespmem:s16+$0x0]  }
0x12c: {  	v47 =	vld [tilespmem:s12+$0x0]  }
0x12d: {  	v48 =	vld [tilespmem:s16+$0x10]  }
0x12e: {  	v49 =	vld [tilespmem:s12+$0x10]  }
0x12f: {  	v50 =	vld [tilespmem:s16+$0x20]  }
0x130: {  	v51 =	vld [tilespmem:s12+$0x20]  }
0x131: {  	v52 =	vld [tilespmem:s16+$0x30]  }
0x132: {  	v53 =	vld [tilespmem:s12+$0x30]  }
0x133: {  	v54 =	vld [tilespmem:s16+$0x40]  }
0x134: {  	v55 =	vld [tilespmem:s12+$0x40]  }
0x135: {  	v56 =	vld [tilespmem:s16+$0x50]  }
0x136: {  	v57 =	vld [tilespmem:s12+$0x50]  }
0x137: {  	v7 =	vld [tilespmem:s16+$0x60]  }
0x138: {  	v8 =	vld [tilespmem:s12+$0x60]  }
0x139: {  	v9 =	vld [tilespmem:s16+$0x70]  }
0x13a: {  	v11 =	vld [tilespmem:s12+$0x70]  }
0x13b: {  	v10 =	vld [tilespmem:s16+$0x80]  }
0x13c: {  	v12 =	vld [tilespmem:s12+$0x80]  }
0x13d: {  	v13 =	vld [tilespmem:s16+$0x90]  }
0x13e: {  	v14 =	vmul.f32 v14, v15;
	v17 =	vmul.f32 v17, v16;
	v15 =	vld [tilespmem:s12+$0x90]  }
0x13f: {  	v58 =	vmul.f32 v19, v18;
	v20 =	vmul.f32 v21, v20;
	v16 =	vld [tilespmem:s16+$0xA0]  }
0x140: {  	v21 =	vmul.f32 v23, v22;
	v22 =	vmul.f32 v25, v24;
	v18 =	vld [tilespmem:s12+$0xA0]  }
0x141: {  	v23 =	vmul.f32 v27, v26;
	v24 =	vmul.f32 v29, v28;
	v19 =	vld [tilespmem:s16+$0xB0]  }
0x142: {  	v14 =	vadd.f32 v17, v14;
	v17 =	vadd.f32 v20, v58;
	v20 =	vld [tilespmem:s12+$0xB0]  }
0x143: {  	v25 =	vadd.f32 v22, v21;
	v23 =	vadd.f32 v24, v23;
	v21 =	vld [tilespmem:s16+$0xC0]  }
0x144: {  	v14 =	vadd.f32 v17, v14;
	v24 =	vmul.f32 v31, v30;
	v26 =	vmul.f32 v33, v32;
	v22 =	vld [tilespmem:s12+$0xC0]  }
0x145: {  	v17 =	vadd.f32 v23, v25;
	v25 =	vmul.f32 v35, v34;
	v27 =	vmul.f32 v37, v36;
	v23 =	vld [tilespmem:s16+$0xD0]  }
.Ltmp0:
0x146: {  	v30 =	vadd.f32 v26, v24;
	v28 =	vmul.f32 v39, v38;
	v29 =	vmul.f32 v41, v40;
	v24 =	vld [tilespmem:s12+$0xD0];
	(pc) =	sbr.rel @p2 .LBB2_3-.Ltmp0, $4  }
0x147: {  	v25 =	vadd.f32 v27, v25;
	v32 =	vmul.f32 v43, v42;
	v34 =	vmul.f32 v45, v44;
	v26 =	vld [tilespmem:s16+$0xE0]  }
0x148: {  	v33 =	vadd.f32 v29, v28;
	v29 =	vmul.f32 v47, v46;
	v31 =	vmul.f32 v49, v48;
	v27 =	vld [tilespmem:s12+$0xE0]  }
0x149: {  	v37 =	vadd.f32 v34, v32;
	v32 =	vmul.f32 v51, v50;
	v34 =	vmul.f32 v53, v52;
	v28 =	vld [tilespmem:s16+$0xF0]  }
0x14a: {  	s0 =	sadd.s32 $0x1, s0;
	v25 =	vadd.f32 v25, v30;
	v35 =	vmul.f32 v55, v54;
	v36 =	vmul.f32 v57, v56;
	v30 =	vld [tilespmem:s12+$0xF0]  }
0x14b: {  	v33 =	vadd.f32 v37, v33;
	v7 =	vmul.f32 v8, v7;
	v8 =	vmul.f32 v11, v9  }
0x14c: {  	v9 =	vadd.f32 v31, v29;
	v10 =	vmul.f32 v12, v10;
	v11 =	vmul.f32 v15, v13  }
0x14d: {  	v12 =	vadd.f32 v34, v32;
	v13 =	vmul.f32 v18, v16;
	v15 =	vmul.f32 v20, v19  }
0x14e: {  	v18 =	vmul.f32 v22, v21;
	v19 =	vmul.f32 v24, v23;
	v16 =	vadd.f32 v36, v35  }
0x14f: {  	v7 =	vadd.f32 v8, v7;
	v8 =	vmul.f32 v27, v26;
	v20 =	vmul.f32 v30, v28  }
0x150: {  	v10 =	vadd.f32 v11, v10;
	v11 =	vadd.f32 v15, v13  }
0x151: {  	v13 =	vadd.f32 v19, v18;
	v8 =	vadd.f32 v20, v8  }
0x152: {  	v9 =	vadd.f32 v12, v9;
	v7 =	vadd.f32 v7, v16  }
0x153: {  	v10 =	vadd.f32 v11, v10;
	v8 =	vadd.f32 v8, v13  }
0x154: {  	v11 =	vadd.f32 v17, v14;
	v7 =	vadd.f32 v7, v9  }
0x155: {  	v12 =	vadd.f32 v33, v25;
	v8 =	vadd.f32 v8, v10  }
0x156: {  	v9 =	vperm.xlane v11, v0;
	v13 =	vperm.xlane v7, v0  }
0x157: {  	v10 =	vperm.xlane v12, v0;
	v14 =	vperm.xlane v8, v0  }
0x158: {  	v9 =	vadd.f32 v9, v11;
	v7 =	vadd.f32 v13, v7  }
0x159: {  	v10 =	vadd.f32 v10, v12;
	v8 =	vadd.f32 v14, v8;
	_ =	sdelay $0x1  }
0x15a: {  	v9 =	vsel vm1, v9, v10;
	v7 =	vsel vm1, v7, v8  }
0x15b: {  	v8 =	vperm.xlane v9, v3;
	v10 =	vperm.xlane v7, v3;
	_ =	sdelay $0x1  }
0x15c: {  	v8 =	vadd.f32 v8, v9;
	v7 =	vadd.f32 v10, v7;
	_ =	sdelay $0x1  }
0x15d: {  	v7 =	vsel vm0, v8, v7  }
0x15e: {  	v8 =	vperm.xlane v7, v1;
	_ =	sdelay $0x1  }
0x15f: {  	v7 =	vadd.f32 v7, v8;
	_ =	sdelay $0x1  }
0x160: {  	v8 =	vperm.xlane v7, v2;
	_ =	sdelay $0x1  }
0x161: {  	v7 =	vadd.f32 v7, v8  }
0x162: {  	s0 =	sand.u32 $0x3, s17  }
0x163: {  	p2 =	seq.s32 s0, $0x0;
	v8 =	vmov s0;
	v7 =	vperm.xlane v7, v5  }
0x164: {  	s17 =	sadd.s32 $0x4, s20;
	s2 =	sadd.s32 s7, s19;
	v6 =	vpsel p2, $0x0, v6;
	vm2 =	veq.s32 v8, v4  }
0x165: {  	s2 =	sshrl.u32 s2, $0x3;
	s0 =	sand.u32 $0x70, s17;
	v6 =	vsel vm2, v7, v6  }
0x166: {  	s20 =	sadd.s32 s3, s2;
	[tilespmem:s0+$0xC200] =	vst v6  }
0x167: {  	[hbm4b:s20+s5] =	stream.linear.scatter [tilespmem:s8], [sflag:$0x5], $0x60, $0x38;
	[tilespmem:$0x1FB80] =	vst v63  }
0x168: {  	_ =	swait.ge [sflag:s9], $0x3000  }
0x169: {  	[sflag:s9] =	ssyncset.done $0x0  }
0x16a: {  	[sflag:s9] =	ssyncadd.s32 $0xFFFFD000  }
0x16b: {  	_ =	swait.ge [sflag:s13], $0x3000  }
0x16c: {  	[sflag:s13] =	ssyncset.done $0x0  }
0x16d: {  	[sflag:s13] =	ssyncadd.s32 $0xFFFFD000  }
0x16e: {  	_ =	swait.ge [sflag:s22], $0x60  }
0x16f: {  	[sflag:s22] =	ssyncset.done $0x0  }
0x170: {  	[sflag:s22] =	ssyncadd.s32 $0xFFFFFFA0  }
0x171: {  	_ =	swait.ge [sflag:s22], $0x60  }
0x172: {  	[sflag:s22] =	ssyncset.done $0x0  }
0x173: {  	s2 =	sadd.s32 s7, s15;
	[sflag:s22] =	ssyncadd.s32 $0xFFFFFFA0  }
0x174: {  	[tilespmem:s24], [sflag:$0x1] =	stream.indirect.gather [spmem:s4], $0x80, s5, s23, $0xb8;
	[tilespmem:$0x1FB80] =	vst v63  }
0x175: {  	s0 =	sshrl.u32 s2, $0x3  }
0x176: {  	[tilespmem:s25], [sflag:$0x3] =	stream.indirect.gather [hbm4b:s1+s23], $0x80, s21, s23, $0xb8;
	[tilespmem:$0x1FB80] =	vst v63  }
0x177: {  	s12 =	sadd.s32 s10, s15;
	s0 =	sadd.s32 s6, s0  }
0x178: {  	[tilespmem:s26], [sflag:$0x8] =	stream.linear.gather [hbm4b:s0+s5], $0x60, $0x38;
	[tilespmem:$0x1FB80] =	vst v63  }
0x179: {  	s0 =	sshrl.u32 s12, $0x3  }
0x17a: {  	s0 =	sadd.s32 s6, s0  }
0x17b: {  	[tilespmem:s28], [sflag:$0x8] =	stream.linear.gather [hbm4b:s0+s5], $0x60, $0x38;
	[tilespmem:$0x1FB80] =	vst v63  }
0x17c: {  	s0 =	simm.s32 @!p1 $0x6  }
0x17d: {  	_ =	swait.ge @!p1 [sflag:s0], $0x60  }
0x17e: {  	[sflag:s0] =	ssyncset.done @!p1 $0x0  }
0x17f: {  	s15 =	simm.s32 $0x9300;
	[sflag:s0] =	ssyncadd.s32 @!p1 $0xFFFFFFA0  }
0x180: {  	s12 =	simm.s32 $0x3300;
	v6 =	vld [tilespmem:s15+$0xFFFFFF00]  }
0x181: {  	v7 =	vld [tilespmem:s12+$0xFFFFFF00]  }
0x182: {  	v8 =	vld [tilespmem:s12+$0xFFFFFF10]  }
0x183: {  	v9 =	vld [tilespmem:s15+$0xFFFFFF10]  }
0x184: {  	v10 =	vld [tilespmem:s12+$0xFFFFFF20]  }
0x185: {  	v11 =	vld [tilespmem:s15+$0xFFFFFF20]  }
0x186: {  	v12 =	vld [tilespmem:s12+$0xFFFFFF30]  }
0x187: {  	v13 =	vld [tilespmem:s15+$0xFFFFFF30]  }
0x188: {  	v14 =	vld [tilespmem:s12+$0xFFFFFF40]  }
0x189: {  	v15 =	vld [tilespmem:s15+$0xFFFFFF40]  }
0x18a: {  	v16 =	vld [tilespmem:s12+$0xFFFFFF50]  }
0x18b: {  	v17 =	vld [tilespmem:s15+$0xFFFFFF50]  }
0x18c: {  	v18 =	vld [tilespmem:s12+$0xFFFFFF60]  }
0x18d: {  	v19 =	vld [tilespmem:s15+$0xFFFFFF60]  }
0x18e: {  	v20 =	vld [tilespmem:s12+$0xFFFFFF70]  }
0x18f: {  	v21 =	vld [tilespmem:s15+$0xFFFFFF70]  }
0x190: {  	v22 =	vld [tilespmem:s12+$0xFFFFFF80]  }
0x191: {  	v23 =	vld [tilespmem:s15+$0xFFFFFF80]  }
0x192: {  	v24 =	vld [tilespmem:s12+$0xFFFFFF90]  }
0x193: {  	v25 =	vld [tilespmem:s15+$0xFFFFFF90]  }
0x194: {  	v26 =	vld [tilespmem:s12+$0xFFFFFFA0]  }
0x195: {  	v27 =	vld [tilespmem:s15+$0xFFFFFFA0]  }
0x196: {  	v28 =	vld [tilespmem:s12+$0xFFFFFFB0]  }
0x197: {  	v29 =	vld [tilespmem:s15+$0xFFFFFFB0]  }
0x198: {  	v30 =	vld [tilespmem:s12+$0xFFFFFFC0]  }
0x199: {  	v31 =	vld [tilespmem:s15+$0xFFFFFFC0]  }
0x19a: {  	v32 =	vld [tilespmem:s12+$0xFFFFFFD0]  }
0x19b: {  	v33 =	vld [tilespmem:s15+$0xFFFFFFD0]  }
0x19c: {  	v62 =	vld [tilespmem:s12+$0xFFFFFFE0]  }
0x19d: {  	v63 =	vld [tilespmem:s15+$0xFFFFFFE0]  }
0x19e: {  	v60 =	vld [tilespmem:s12+$0xFFFFFFF0]  }
0x19f: {  	v61 =	vld [tilespmem:s15+$0xFFFFFFF0]  }
0x1a0: {  	v38 =	vld [tilespmem:s12+$0x0]  }
0x1a1: {  	v39 =	vld [tilespmem:s15+$0x0]  }
0x1a2: {  	v40 =	vld [tilespmem:s12+$0x10]  }
0x1a3: {  	v41 =	vld [tilespmem:s15+$0x10]  }
0x1a4: {  	v42 =	vld [tilespmem:s12+$0x20]  }
0x1a5: {  	v43 =	vld [tilespmem:s15+$0x20]  }
0x1a6: {  	v44 =	vld [tilespmem:s12+$0x30]  }
0x1a7: {  	v45 =	vld [tilespmem:s15+$0x30]  }
0x1a8: {  	v46 =	vld [tilespmem:s12+$0x40]  }
0x1a9: {  	v47 =	vld [tilespmem:s15+$0x40]  }
0x1aa: {  	v48 =	vld [tilespmem:s12+$0x50]  }
0x1ab: {  	v49 =	vld [tilespmem:s15+$0x50]  }
0x1ac: {  	v50 =	vld [tilespmem:s12+$0x60]  }
0x1ad: {  	v51 =	vld [tilespmem:s15+$0x60]  }
0x1ae: {  	v52 =	vld [tilespmem:s12+$0x70]  }
0x1af: {  	v53 =	vld [tilespmem:s15+$0x70]  }
0x1b0: {  	v54 =	vld [tilespmem:s12+$0x80]  }
0x1b1: {  	v55 =	vld [tilespmem:s15+$0x80]  }
0x1b2: {  	v56 =	vld [tilespmem:s12+$0x90]  }
0x1b3: {  	v6 =	vmul.f32 v6, v7;
	v7 =	vmul.f32 v9, v8;
	v8 =	vld [tilespmem:s15+$0x90]  }
0x1b4: {  	v9 =	vmul.f32 v11, v10;
	v10 =	vmul.f32 v13, v12;
	v11 =	vld [tilespmem:s12+$0xA0]  }
0x1b5: {  	v12 =	vmul.f32 v15, v14;
	v13 =	vmul.f32 v17, v16;
	v14 =	vld [tilespmem:s15+$0xA0]  }
0x1b6: {  	v15 =	vmul.f32 v19, v18;
	v16 =	vmul.f32 v21, v20;
	v17 =	vld [tilespmem:s12+$0xB0]  }
0x1b7: {  	v18 =	vmul.f32 v29, v28;
	v19 =	vld [tilespmem:s12+$0xD0];
	v20 =	vmul.f32 v31, v30  }
0x1b8: {  	v21 =	vmul.f32 v33, v32;
	v28 =	vmul.f32 v49, v48;
	v29 =	vld [tilespmem:s15+$0xF0];
	v6 =	vadd.f32 v7, v6  }
0x1b9: {  	v30 =	vmul.f32 v53, v52;
	v7 =	vadd.f32 v10, v9;
	v9 =	vld [tilespmem:s15+$0xB0];
	v10 =	vadd.f32 v13, v12  }
0x1ba: {  	v12 =	vadd.f32 v16, v15;
	v13 =	vld [tilespmem:s12+$0xC0];
	v15 =	vmul.f32 v25, v24;
	v20 =	vadd.f32 v21, v20  }
0x1bb: {  	v16 =	vld [tilespmem:s15+$0xC0];
	v21 =	vmul.f32 v39, v38;
	v24 =	vmul.f32 v41, v40;
	v6 =	vadd.f32 v7, v6  }
0x1bc: {  	v25 =	vld [tilespmem:s15+$0xE0];
	v7 =	vmul.f32 v23, v22;
	v10 =	vadd.f32 v12, v10;
	v12 =	vmul.f32 v27, v26  }
0x1bd: {  	v22 =	vmul.f32 v63, v62;
	v23 =	vmul.f32 v61, v60;
	v27 =	vld [tilespmem:s12+$0xF0]  }
0x1be: {  	v26 =	vmul.f32 v45, v44;
	v21 =	vadd.f32 v24, v21;
	v7 =	vadd.f32 v15, v7;
	v15 =	vld [tilespmem:s15+$0xD0]  }
0x1bf: {  	v24 =	vmul.f32 v55, v54;
	v8 =	vmul.f32 v8, v56;
	v12 =	vadd.f32 v18, v12;
	v18 =	vld [tilespmem:s12+$0xE0]  }
0x1c0: {  	v11 =	vmul.f32 v14, v11;
	v22 =	vadd.f32 v23, v22;
	v23 =	vmul.f32 v43, v42  }
0x1c1: {  	v9 =	vmul.f32 v9, v17;
	v13 =	vmul.f32 v16, v13;
	v8 =	vadd.f32 v8, v24  }
0x1c2: {  	v7 =	vadd.f32 v12, v7;
	v12 =	vmul.f32 v47, v46;
	v20 =	vadd.f32 v22, v20  }
0x1c3: {  	v22 =	vmul.f32 v51, v50;
	v23 =	vadd.f32 v26, v23;
	v17 =	vmul.f32 v29, v27  }
0x1c4: {  	v9 =	vadd.f32 v9, v11;
	v14 =	vmul.f32 v15, v19;
	v16 =	vmul.f32 v25, v18  }
0x1c5: {  	v12 =	vadd.f32 v28, v12;
	v15 =	vadd.f32 v30, v22  }
0x1c6: {  	v11 =	vadd.f32 v14, v13;
	v13 =	vadd.f32 v17, v16  }
0x1c7: {  	v8 =	vadd.f32 v9, v8;
	v14 =	vadd.f32 v23, v21  }
0x1c8: {  	v12 =	vadd.f32 v15, v12;
	v9 =	vadd.f32 v13, v11  }
0x1c9: {  	v6 =	vadd.f32 v10, v6;
	v7 =	vadd.f32 v20, v7  }
0x1ca: {  	v10 =	vadd.f32 v12, v14;
	v8 =	vadd.f32 v9, v8  }
0x1cb: {  	v11 =	vperm.xlane v7, v0;
	v9 =	vperm.xlane v6, v0  }
0x1cc: {  	v12 =	vperm.xlane v10, v0;
	v13 =	vperm.xlane v8, v0  }
0x1cd: {  	v7 =	vadd.f32 v11, v7;
	v6 =	vadd.f32 v9, v6  }
0x1ce: {  	v9 =	vadd.f32 v12, v10;
	v8 =	vadd.f32 v13, v8;
	_ =	sdelay $0x1  }
0x1cf: {  	v6 =	vsel vm1, v6, v7;
	v7 =	vsel vm1, v9, v8  }
0x1d0: {  	v8 =	vperm.xlane v6, v3;
	v9 =	vperm.xlane v7, v3;
	_ =	sdelay $0x1  }
0x1d1: {  	v6 =	vadd.f32 v8, v6;
	v7 =	vadd.f32 v9, v7;
	_ =	sdelay $0x1  }
0x1d2: {  	v6 =	vsel vm0, v6, v7  }
0x1d3: {  	v7 =	vperm.xlane v6, v1;
	_ =	sdelay $0x1  }
0x1d4: {  	v6 =	vadd.f32 v6, v7;
	_ =	sdelay $0x1  }
0x1d5: {  	v7 =	vperm.xlane v6, v2;
	_ =	sdelay $0x1  }
0x1d6: {  	s20 =	simm.s32 $0x0;
	v6 =	vadd.f32 v6, v7  }
0x1d7: {  	s16 =	sand.u32 $0x3, s20  }
0x1d8: {  	p6 =	seq.s32 s16, $0x0;
	v8 =	vmov s16;
	v7 =	vimm.f32 $0.0e+00;
	v6 =	vperm.xlane v6, v5  }
0x1d9: {  	vm2 =	veq.s32 v8, v4;
	v7 =	vpsel p6, $0x0, v7  }
0x1da: {  	s17 =	sand.u32 $0x70, s20;
	v6 =	vsel vm2, v6, v7  }
0x1db: {  	s12 =	simm.s32 $0x9500;
	[tilespmem:s17+$0xC280] =	vst v6  }
0x1dc: {  	s16 =	simm.s32 $0x3500;
	v14 =	vld [tilespmem:s12+$0xFFFFFF00]  }
0x1dd: {  	v15 =	vld [tilespmem:s16+$0xFFFFFF00]  }
0x1de: {  	v16 =	vld [tilespmem:s16+$0xFFFFFF10]  }
0x1df: {  	v17 =	vld [tilespmem:s12+$0xFFFFFF10]  }
0x1e0: {  	v18 =	vld [tilespmem:s16+$0xFFFFFF20]  }
0x1e1: {  	v19 =	vld [tilespmem:s12+$0xFFFFFF20]  }
0x1e2: {  	v20 =	vld [tilespmem:s16+$0xFFFFFF30]  }
0x1e3: {  	v21 =	vld [tilespmem:s12+$0xFFFFFF30]  }
0x1e4: {  	v22 =	vld [tilespmem:s16+$0xFFFFFF40]  }
0x1e5: {  	v23 =	vld [tilespmem:s12+$0xFFFFFF40]  }
0x1e6: {  	v24 =	vld [tilespmem:s16+$0xFFFFFF50]  }
0x1e7: {  	v25 =	vld [tilespmem:s12+$0xFFFFFF50]  }
0x1e8: {  	v26 =	vld [tilespmem:s16+$0xFFFFFF60]  }
0x1e9: {  	v27 =	vld [tilespmem:s12+$0xFFFFFF60]  }
0x1ea: {  	v28 =	vld [tilespmem:s16+$0xFFFFFF70]  }
0x1eb: {  	v29 =	vld [tilespmem:s12+$0xFFFFFF70]  }
0x1ec: {  	v30 =	vld [tilespmem:s16+$0xFFFFFF80]  }
0x1ed: {  	v31 =	vld [tilespmem:s12+$0xFFFFFF80]  }
0x1ee: {  	v32 =	vld [tilespmem:s16+$0xFFFFFF90]  }
0x1ef: {  	v33 =	vld [tilespmem:s12+$0xFFFFFF90]  }
0x1f0: {  	v34 =	vld [tilespmem:s16+$0xFFFFFFA0]  }
0x1f1: {  	v35 =	vld [tilespmem:s12+$0xFFFFFFA0]  }
0x1f2: {  	v36 =	vld [tilespmem:s16+$0xFFFFFFB0]  }
0x1f3: {  	v37 =	vld [tilespmem:s12+$0xFFFFFFB0]  }
0x1f4: {  	v38 =	vld [tilespmem:s16+$0xFFFFFFC0]  }
0x1f5: {  	v39 =	vld [tilespmem:s12+$0xFFFFFFC0]  }
0x1f6: {  	v40 =	vld [tilespmem:s16+$0xFFFFFFD0]  }
0x1f7: {  	v41 =	vld [tilespmem:s12+$0xFFFFFFD0]  }
0x1f8: {  	v42 =	vld [tilespmem:s16+$0xFFFFFFE0]  }
0x1f9: {  	v62 =	vld [tilespmem:s12+$0xFFFFFFE0]  }
0x1fa: {  	v44 =	vld [tilespmem:s16+$0xFFFFFFF0]  }
0x1fb: {  	v63 =	vld [tilespmem:s12+$0xFFFFFFF0]  }
0x1fc: {  	v46 =	vld [tilespmem:s16+$0x0]  }
0x1fd: {  	v47 =	vld [tilespmem:s12+$0x0]  }
0x1fe: {  	v48 =	vld [tilespmem:s16+$0x10]  }
0x1ff: {  	v49 =	vld [tilespmem:s12+$0x10]  }
0x200: {  	v50 =	vld [tilespmem:s16+$0x20]  }
0x201: {  	v51 =	vld [tilespmem:s12+$0x20]  }
0x202: {  	v52 =	vld [tilespmem:s16+$0x30]  }
0x203: {  	v53 =	vld [tilespmem:s12+$0x30]  }
0x204: {  	v54 =	vld [tilespmem:s16+$0x40]  }
0x205: {  	v60 =	vld [tilespmem:s12+$0x40]  }
0x206: {  	v61 =	vld [tilespmem:s16+$0x50]  }
0x207: {  	v57 =	vld [tilespmem:s12+$0x50]  }
0x208: {  	v7 =	vld [tilespmem:s16+$0x60]  }
0x209: {  	v8 =	vld [tilespmem:s12+$0x60]  }
0x20a: {  	v9 =	vld [tilespmem:s16+$0x70]  }
0x20b: {  	v11 =	vld [tilespmem:s12+$0x70]  }
0x20c: {  	v10 =	vld [tilespmem:s16+$0x80]  }
0x20d: {  	v12 =	vld [tilespmem:s12+$0x80]  }
0x20e: {  	v13 =	vld [tilespmem:s16+$0x90]  }
0x20f: {  	v14 =	vmul.f32 v14, v15;
	v17 =	vmul.f32 v17, v16;
	v15 =	vld [tilespmem:s12+$0x90]  }
0x210: {  	v58 =	vmul.f32 v19, v18;
	v20 =	vmul.f32 v21, v20;
	v16 =	vld [tilespmem:s16+$0xA0]  }
0x211: {  	v21 =	vmul.f32 v23, v22;
	v22 =	vmul.f32 v25, v24;
	v18 =	vld [tilespmem:s12+$0xA0]  }
0x212: {  	v23 =	vmul.f32 v27, v26;
	v24 =	vmul.f32 v29, v28;
	v19 =	vld [tilespmem:s16+$0xB0]  }
0x213: {  	v26 =	vmul.f32 v33, v32;
	v14 =	vadd.f32 v17, v14;
	v17 =	vadd.f32 v20, v58;
	v20 =	vld [tilespmem:s12+$0xB0]  }
0x214: {  	v27 =	vmul.f32 v35, v34;
	v28 =	vmul.f32 v37, v36;
	v25 =	vadd.f32 v22, v21;
	v21 =	vld [tilespmem:s16+$0xC0]  }
0x215: {  	v29 =	vmul.f32 v39, v38;
	v62 =	vmul.f32 v62, v42;
	v22 =	vld [tilespmem:s12+$0xC0]  }
0x216: {  	v63 =	vmul.f32 v63, v44;
	v23 =	vadd.f32 v24, v23;
	v35 =	vadd.f32 v28, v27;
	v27 =	vld [tilespmem:s12+$0xE0]  }
0x217: {  	v32 =	vmul.f32 v51, v50;
	v24 =	vmul.f32 v31, v30;
	v28 =	vld [tilespmem:s16+$0xF0]  }
0x218: {  	v30 =	vmul.f32 v41, v40;
	v14 =	vadd.f32 v17, v14;
	v17 =	vadd.f32 v23, v25;
	v23 =	vld [tilespmem:s16+$0xD0]  }
0x219: {  	v33 =	vmul.f32 v53, v52;
	v36 =	vmul.f32 v57, v61;
	v24 =	vadd.f32 v26, v24;
	v25 =	vld [tilespmem:s12+$0xD0]  }
0x21a: {  	v31 =	vmul.f32 v49, v48;
	v37 =	vadd.f32 v63, v62;
	v26 =	vld [tilespmem:s16+$0xE0];
	v34 =	vadd.f32 v30, v29  }
0x21b: {  	s0 =	simm.s32 $0x2;
	s15 =	simm.s32 $0x1;
	v30 =	vmul.f32 v47, v46;
	v29 =	vld [tilespmem:s12+$0xF0];
	v24 =	vadd.f32 v35, v24;
	v35 =	vmul.f32 v60, v54  }
.LBB2_5:
0x21c: {  	p1 =	sne.s32 s0, $0x17;
	v34 =	vadd.f32 v37, v34;
	v7 =	vmul.f32 v8, v7;
	v8 =	vmul.f32 v11, v9  }
0x21d: {  	v9 =	vadd.f32 v31, v30;
	v10 =	vmul.f32 v12, v10;
	v11 =	vmul.f32 v15, v13  }
0x21e: {  	v12 =	vadd.f32 v33, v32;
	v13 =	vmul.f32 v18, v16;
	v15 =	vmul.f32 v20, v19  }
0x21f: {  	v18 =	vmul.f32 v22, v21;
	v19 =	vmul.f32 v25, v23;
	v16 =	vadd.f32 v36, v35  }
0x220: {  	v7 =	vadd.f32 v8, v7;
	v8 =	vmul.f32 v27, v26;
	v20 =	vmul.f32 v29, v28  }
0x221: {  	v10 =	vadd.f32 v11, v10;
	v11 =	vadd.f32 v15, v13  }
0x222: {  	v13 =	vadd.f32 v19, v18;
	v8 =	vadd.f32 v20, v8  }
0x223: {  	v9 =	vadd.f32 v12, v9;
	v7 =	vadd.f32 v7, v16  }
0x224: {  	v10 =	vadd.f32 v11, v10;
	v8 =	vadd.f32 v8, v13  }
0x225: {  	v12 =	vadd.f32 v34, v24;
	v11 =	vadd.f32 v17, v14  }
0x226: {  	v7 =	vadd.f32 v7, v9;
	v8 =	vadd.f32 v8, v10  }
0x227: {  	v9 =	vperm.xlane v11, v0;
	v10 =	vperm.xlane v12, v0  }
0x228: {  	v13 =	vperm.xlane v7, v0;
	v14 =	vperm.xlane v8, v0  }
0x229: {  	v9 =	vadd.f32 v9, v11;
	v10 =	vadd.f32 v10, v12  }
0x22a: {  	v7 =	vadd.f32 v13, v7;
	v8 =	vadd.f32 v14, v8;
	_ =	sdelay $0x1  }
0x22b: {  	v9 =	vsel vm1, v9, v10;
	v7 =	vsel vm1, v7, v8  }
0x22c: {  	v8 =	vperm.xlane v9, v3;
	v10 =	vperm.xlane v7, v3;
	_ =	sdelay $0x1  }
0x22d: {  	v8 =	vadd.f32 v8, v9;
	v7 =	vadd.f32 v10, v7;
	_ =	sdelay $0x1  }
0x22e: {  	v7 =	vsel vm0, v8, v7  }
0x22f: {  	v8 =	vperm.xlane v7, v1;
	_ =	sdelay $0x1  }
0x230: {  	v7 =	vadd.f32 v7, v8;
	_ =	sdelay $0x1  }
0x231: {  	v8 =	vperm.xlane v7, v2;
	_ =	sdelay $0x1  }
0x232: {  	v7 =	vadd.f32 v7, v8  }
0x233: {  	s2 =	sand.u32 $0x3, s15;
	s15 =	smov.u32 s0  }
0x234: {  	p2 =	seq.s32 s2, $0x0;
	v8 =	vmov s2;
	v7 =	vperm.xlane v7, v5  }
0x235: {  	s20 =	sadd.s32 $0x4, s20;
	v6 =	vpsel p2, $0x0, v6;
	vm2 =	veq.s32 v8, v4  }
0x236: {  	s2 =	sand.u32 $0x70, s20;
	v6 =	vsel vm2, v7, v6  }
0x237: {  	s12 =	sadd.s32 $0x200, s12;
	[tilespmem:s2+$0xC280] =	vst v6  }
0x238: {  	s16 =	sadd.s32 $0x200, s16;
	v14 =	vld [tilespmem:s12+$0xFFFFFF00]  }
0x239: {  	v15 =	vld [tilespmem:s16+$0xFFFFFF00]  }
0x23a: {  	v16 =	vld [tilespmem:s16+$0xFFFFFF10]  }
0x23b: {  	v17 =	vld [tilespmem:s12+$0xFFFFFF10]  }
0x23c: {  	v18 =	vld [tilespmem:s16+$0xFFFFFF20]  }
0x23d: {  	v19 =	vld [tilespmem:s12+$0xFFFFFF20]  }
0x23e: {  	v20 =	vld [tilespmem:s16+$0xFFFFFF30]  }
0x23f: {  	v21 =	vld [tilespmem:s12+$0xFFFFFF30]  }
0x240: {  	v22 =	vld [tilespmem:s16+$0xFFFFFF40]  }
0x241: {  	v23 =	vld [tilespmem:s12+$0xFFFFFF40]  }
0x242: {  	v24 =	vld [tilespmem:s16+$0xFFFFFF50]  }
0x243: {  	v25 =	vld [tilespmem:s12+$0xFFFFFF50]  }
0x244: {  	v26 =	vld [tilespmem:s16+$0xFFFFFF60]  }
0x245: {  	v27 =	vld [tilespmem:s12+$0xFFFFFF60]  }
0x246: {  	v28 =	vld [tilespmem:s16+$0xFFFFFF70]  }
0x247: {  	v29 =	vld [tilespmem:s12+$0xFFFFFF70]  }
0x248: {  	v30 =	vld [tilespmem:s16+$0xFFFFFF80]  }
0x249: {  	v31 =	vld [tilespmem:s12+$0xFFFFFF80]  }
0x24a: {  	v32 =	vld [tilespmem:s16+$0xFFFFFF90]  }
0x24b: {  	v33 =	vld [tilespmem:s12+$0xFFFFFF90]  }
0x24c: {  	v34 =	vld [tilespmem:s16+$0xFFFFFFA0]  }
0x24d: {  	v35 =	vld [tilespmem:s12+$0xFFFFFFA0]  }
0x24e: {  	v36 =	vld [tilespmem:s16+$0xFFFFFFB0]  }
0x24f: {  	v37 =	vld [tilespmem:s12+$0xFFFFFFB0]  }
0x250: {  	v38 =	vld [tilespmem:s16+$0xFFFFFFC0]  }
0x251: {  	v39 =	vld [tilespmem:s12+$0xFFFFFFC0]  }
0x252: {  	v40 =	vld [tilespmem:s16+$0xFFFFFFD0]  }
0x253: {  	v41 =	vld [tilespmem:s12+$0xFFFFFFD0]  }
0x254: {  	v42 =	vld [tilespmem:s16+$0xFFFFFFE0]  }
0x255: {  	v43 =	vld [tilespmem:s12+$0xFFFFFFE0]  }
0x256: {  	v44 =	vld [tilespmem:s16+$0xFFFFFFF0]  }
0x257: {  	v45 =	vld [tilespmem:s12+$0xFFFFFFF0]  }
0x258: {  	v46 =	vld [tilespmem:s16+$0x0]  }
0x259: {  	v47 =	vld [tilespmem:s12+$0x0]  }
0x25a: {  	v48 =	vld [tilespmem:s16+$0x10]  }
0x25b: {  	v49 =	vld [tilespmem:s12+$0x10]  }
0x25c: {  	v50 =	vld [tilespmem:s16+$0x20]  }
0x25d: {  	v51 =	vld [tilespmem:s12+$0x20]  }
0x25e: {  	v52 =	vld [tilespmem:s16+$0x30]  }
0x25f: {  	v53 =	vld [tilespmem:s12+$0x30]  }
0x260: {  	v54 =	vld [tilespmem:s16+$0x40]  }
0x261: {  	v55 =	vld [tilespmem:s12+$0x40]  }
0x262: {  	v56 =	vld [tilespmem:s16+$0x50]  }
0x263: {  	v57 =	vld [tilespmem:s12+$0x50]  }
0x264: {  	v7 =	vld [tilespmem:s16+$0x60]  }
0x265: {  	v8 =	vld [tilespmem:s12+$0x60]  }
0x266: {  	v9 =	vld [tilespmem:s16+$0x70]  }
0x267: {  	v11 =	vld [tilespmem:s12+$0x70]  }
0x268: {  	v10 =	vld [tilespmem:s16+$0x80]  }
0x269: {  	v12 =	vld [tilespmem:s12+$0x80]  }
0x26a: {  	v13 =	vld [tilespmem:s16+$0x90]  }
0x26b: {  	v14 =	vmul.f32 v14, v15;
	v17 =	vmul.f32 v17, v16;
	v15 =	vld [tilespmem:s12+$0x90]  }
0x26c: {  	v58 =	vmul.f32 v19, v18;
	v20 =	vmul.f32 v21, v20;
	v16 =	vld [tilespmem:s16+$0xA0]  }
0x26d: {  	v21 =	vmul.f32 v23, v22;
	v22 =	vmul.f32 v25, v24;
	v18 =	vld [tilespmem:s12+$0xA0]  }
0x26e: {  	v23 =	vmul.f32 v27, v26;
	v24 =	vmul.f32 v29, v28;
	v19 =	vld [tilespmem:s16+$0xB0]  }
0x26f: {  	v14 =	vadd.f32 v17, v14;
	v17 =	vadd.f32 v20, v58;
	v20 =	vld [tilespmem:s12+$0xB0]  }
0x270: {  	v25 =	vadd.f32 v22, v21;
	v23 =	vadd.f32 v24, v23;
	v21 =	vld [tilespmem:s16+$0xC0]  }
0x271: {  	v14 =	vadd.f32 v17, v14;
	v24 =	vmul.f32 v31, v30;
	v26 =	vmul.f32 v33, v32;
	v22 =	vld [tilespmem:s12+$0xC0]  }
0x272: {  	v17 =	vadd.f32 v23, v25;
	v27 =	vmul.f32 v35, v34;
	v28 =	vmul.f32 v37, v36;
	v23 =	vld [tilespmem:s16+$0xD0]  }
.Ltmp1:
0x273: {  	v24 =	vadd.f32 v26, v24;
	v29 =	vmul.f32 v39, v38;
	v30 =	vmul.f32 v41, v40;
	v25 =	vld [tilespmem:s12+$0xD0];
	(pc) =	sbr.rel @p1 .LBB2_5-.Ltmp1, $4  }
0x274: {  	v35 =	vadd.f32 v28, v27;
	v32 =	vmul.f32 v43, v42;
	v33 =	vmul.f32 v45, v44;
	v26 =	vld [tilespmem:s16+$0xE0]  }
0x275: {  	v34 =	vadd.f32 v30, v29;
	v30 =	vmul.f32 v47, v46;
	v31 =	vmul.f32 v49, v48;
	v27 =	vld [tilespmem:s12+$0xE0]  }
0x276: {  	v37 =	vadd.f32 v33, v32;
	v32 =	vmul.f32 v51, v50;
	v33 =	vmul.f32 v53, v52;
	v28 =	vld [tilespmem:s16+$0xF0]  }
0x277: {  	s0 =	sadd.s32 $0x1, s0;
	v24 =	vadd.f32 v35, v24;
	v35 =	vmul.f32 v55, v54;
	v36 =	vmul.f32 v57, v56;
	v29 =	vld [tilespmem:s12+$0xF0]  }
0x278: {  	v34 =	vadd.f32 v37, v34;
	v7 =	vmul.f32 v8, v7;
	v42 =	vmul.f32 v11, v9  }
0x279: {  	v43 =	vadd.f32 v31, v30;
	v10 =	vmul.f32 v12, v10;
	v44 =	vmul.f32 v15, v13  }
0x27a: {  	v45 =	vadd.f32 v33, v32;
	v46 =	vmul.f32 v18, v16;
	v47 =	vmul.f32 v20, v19  }
0x27b: {  	v49 =	vmul.f32 v22, v21;
	v50 =	vmul.f32 v25, v23;
	v48 =	vadd.f32 v36, v35  }
0x27c: {  	v7 =	vadd.f32 v42, v7;
	v51 =	vmul.f32 v27, v26;
	v52 =	vmul.f32 v29, v28  }
0x27d: {  	v10 =	vadd.f32 v44, v10;
	v53 =	vadd.f32 v47, v46  }
0x27e: {  	v54 =	vadd.f32 v50, v49;
	v8 =	vadd.f32 v52, v51  }
0x27f: {  	v9 =	vadd.f32 v45, v43;
	v7 =	vadd.f32 v7, v48  }
0x280: {  	v10 =	vadd.f32 v53, v10;
	v8 =	vadd.f32 v8, v54  }
0x281: {  	v55 =	vadd.f32 v17, v14;
	v56 =	vadd.f32 v34, v24  }
0x282: {  	v7 =	vadd.f32 v7, v9;
	v8 =	vadd.f32 v8, v10  }
0x283: {  	v57 =	vperm.xlane v55, v0;
	v58 =	vperm.xlane v56, v0  }
0x284: {  	v59 =	vperm.xlane v7, v0;
	v60 =	vperm.xlane v8, v0  }
0x285: {  	v9 =	vadd.f32 v57, v55;
	v10 =	vadd.f32 v58, v56  }
0x286: {  	v7 =	vadd.f32 v59, v7;
	v8 =	vadd.f32 v60, v8;
	_ =	sdelay $0x1  }
0x287: {  	v9 =	vsel vm1, v9, v10;
	v7 =	vsel vm1, v7, v8  }
0x288: {  	v61 =	vperm.xlane v9, v3;
	v62 =	vperm.xlane v7, v3;
	_ =	sdelay $0x1  }
0x289: {  	v8 =	vadd.f32 v61, v9;
	v7 =	vadd.f32 v62, v7;
	_ =	sdelay $0x1  }
0x28a: {  	v7 =	vsel vm0, v8, v7  }
0x28b: {  	v8 =	vperm.xlane v7, v1;
	_ =	sdelay $0x1  }
0x28c: {  	v7 =	vadd.f32 v7, v8;
	_ =	sdelay $0x1  }
0x28d: {  	v8 =	vperm.xlane v7, v2;
	_ =	sdelay $0x1  }
0x28e: {  	v7 =	vadd.f32 v7, v8  }
0x28f: {  	s0 =	sand.u32 $0x3, s15  }
0x290: {  	p1 =	seq.s32 s0, $0x0;
	v63 =	vmov s0;
	v7 =	vperm.xlane v7, v5  }
0x291: {  	s17 =	sadd.s32 $0x4, s20;
	s2 =	sadd.s32 s19, s11;
	v6 =	vpsel p1, $0x0, v6;
	vm2 =	veq.s32 v63, v4  }
0x292: {  	s0 =	sand.u32 $0x70, s17;
	s2 =	sshrl.u32 s2, $0x3;
	v6 =	vsel vm2, v7, v6  }
0x293: {  	s18 =	sadd.s32 $0x1, s18;
	s20 =	sadd.s32 s3, s2;
	[tilespmem:s0+$0xC280] =	vst v6  }
0x294: {  	[hbm4b:s20+s5] =	stream.linear.scatter [tilespmem:s14], [sflag:$0x6], $0x60, $0x38;
	[tilespmem:$0x1FB80] =	vst v63  }
0x295: {  	p1 =	sne.s32 s18, $0x34;
	_ =	swait.ge [sflag:s29], $0x3000  }
.Ltmp2:
0x296: {  	[sflag:s29] =	ssyncset.done $0x0;
	(pc) =	sbr.rel @p1 .LBB2_2-.Ltmp2, $4  }
0x297: {  	[sflag:s29] =	ssyncadd.s32 $0xFFFFD000  }
0x298: {  	_ =	swait.ge [sflag:s30], $0x3000  }
0x299: {  	[sflag:s30] =	ssyncset.done $0x0  }
0x29a: {  	[sflag:s30] =	ssyncadd.s32 $0xFFFFD000  }
0x29b: {  	_ =	swait.ge [sflag:s31], $0x60  }
0x29c: {  	[sflag:s31] =	ssyncset.done $0x0  }
0x29d: {  	[sflag:s31] =	ssyncadd.s32 $0xFFFFFFA0  }
0x29e: {  	_ =	swait.ge [sflag:s31], $0x60  }
0x29f: {  	[sflag:s31] =	ssyncset.done $0x0  }
0x2a0: {  	s17 =	simm.s32 $0x5;
	[sflag:s31] =	ssyncadd.s32 $0xFFFFFFA0  }
0x2a1: {  	_ =	swait.ge [sflag:s17], $0x60  }
0x2a2: {  	[sflag:s17] =	ssyncset.done $0x0  }
0x2a3: {  	s0 =	simm.s32 $0x6300;
	[sflag:s17] =	ssyncadd.s32 $0xFFFFFFA0  }
0x2a4: {  	s12 =	simm.s32 $0x300;
	v6 =	vld [tilespmem:s0+$0xFFFFFF00]  }
0x2a5: {  	v7 =	vld [tilespmem:s12+$0xFFFFFF00]  }
0x2a6: {  	v8 =	vld [tilespmem:s12+$0xFFFFFF10]  }
0x2a7: {  	v9 =	vld [tilespmem:s0+$0xFFFFFF10]  }
0x2a8: {  	v10 =	vld [tilespmem:s12+$0xFFFFFF20]  }
0x2a9: {  	v11 =	vld [tilespmem:s0+$0xFFFFFF20]  }
0x2aa: {  	v12 =	vld [tilespmem:s12+$0xFFFFFF30]  }
0x2ab: {  	v13 =	vld [tilespmem:s0+$0xFFFFFF30]  }
0x2ac: {  	v14 =	vld [tilespmem:s12+$0xFFFFFF40]  }
0x2ad: {  	v15 =	vld [tilespmem:s0+$0xFFFFFF40]  }
0x2ae: {  	v16 =	vld [tilespmem:s12+$0xFFFFFF50]  }
0x2af: {  	v17 =	vld [tilespmem:s0+$0xFFFFFF50]  }
0x2b0: {  	v18 =	vld [tilespmem:s12+$0xFFFFFF60]  }
0x2b1: {  	v19 =	vld [tilespmem:s0+$0xFFFFFF60]  }
0x2b2: {  	v20 =	vld [tilespmem:s12+$0xFFFFFF70]  }
0x2b3: {  	v21 =	vld [tilespmem:s0+$0xFFFFFF70]  }
0x2b4: {  	v22 =	vld [tilespmem:s12+$0xFFFFFF80]  }
0x2b5: {  	v23 =	vld [tilespmem:s0+$0xFFFFFF80]  }
0x2b6: {  	v24 =	vld [tilespmem:s12+$0xFFFFFF90]  }
0x2b7: {  	v25 =	vld [tilespmem:s0+$0xFFFFFF90]  }
0x2b8: {  	v26 =	vld [tilespmem:s12+$0xFFFFFFA0]  }
0x2b9: {  	v27 =	vld [tilespmem:s0+$0xFFFFFFA0]  }
0x2ba: {  	v28 =	vld [tilespmem:s12+$0xFFFFFFB0]  }
0x2bb: {  	v29 =	vld [tilespmem:s0+$0xFFFFFFB0]  }
0x2bc: {  	v30 =	vld [tilespmem:s12+$0xFFFFFFC0]  }
0x2bd: {  	v31 =	vld [tilespmem:s0+$0xFFFFFFC0]  }
0x2be: {  	v32 =	vld [tilespmem:s12+$0xFFFFFFD0]  }
0x2bf: {  	v33 =	vld [tilespmem:s0+$0xFFFFFFD0]  }
0x2c0: {  	v34 =	vld [tilespmem:s12+$0xFFFFFFE0]  }
0x2c1: {  	v35 =	vld [tilespmem:s0+$0xFFFFFFE0]  }
0x2c2: {  	v36 =	vld [tilespmem:s12+$0xFFFFFFF0]  }
0x2c3: {  	v37 =	vld [tilespmem:s0+$0xFFFFFFF0]  }
0x2c4: {  	v38 =	vld [tilespmem:s12+$0x0]  }
0x2c5: {  	v39 =	vld [tilespmem:s0+$0x0]  }
0x2c6: {  	v40 =	vld [tilespmem:s12+$0x10]  }
0x2c7: {  	v41 =	vld [tilespmem:s0+$0x10]  }
0x2c8: {  	v42 =	vld [tilespmem:s12+$0x20]  }
0x2c9: {  	v43 =	vld [tilespmem:s0+$0x20]  }
0x2ca: {  	v44 =	vld [tilespmem:s12+$0x30]  }
0x2cb: {  	v45 =	vld [tilespmem:s0+$0x30]  }
0x2cc: {  	v46 =	vld [tilespmem:s12+$0x40]  }
0x2cd: {  	v47 =	vld [tilespmem:s0+$0x40]  }
0x2ce: {  	v48 =	vld [tilespmem:s12+$0x50]  }
0x2cf: {  	v49 =	vld [tilespmem:s0+$0x50]  }
0x2d0: {  	v50 =	vld [tilespmem:s12+$0x60]  }
0x2d1: {  	v51 =	vld [tilespmem:s0+$0x60]  }
0x2d2: {  	v52 =	vld [tilespmem:s12+$0x70]  }
0x2d3: {  	v53 =	vld [tilespmem:s0+$0x70]  }
0x2d4: {  	v54 =	vld [tilespmem:s12+$0x80]  }
0x2d5: {  	v55 =	vld [tilespmem:s0+$0x80]  }
0x2d6: {  	v56 =	vld [tilespmem:s12+$0x90]  }
0x2d7: {  	v6 =	vmul.f32 v6, v7;
	v7 =	vmul.f32 v9, v8;
	v8 =	vld [tilespmem:s0+$0x90]  }
0x2d8: {  	v9 =	vmul.f32 v11, v10;
	v10 =	vmul.f32 v13, v12;
	v11 =	vld [tilespmem:s12+$0xA0]  }
0x2d9: {  	v12 =	vmul.f32 v15, v14;
	v13 =	vmul.f32 v17, v16;
	v14 =	vld [tilespmem:s0+$0xA0]  }
0x2da: {  	v15 =	vmul.f32 v19, v18;
	v16 =	vmul.f32 v21, v20;
	v17 =	vld [tilespmem:s12+$0xB0]  }
0x2db: {  	v18 =	vmul.f32 v29, v28;
	v19 =	vld [tilespmem:s12+$0xD0];
	v20 =	vmul.f32 v31, v30  }
0x2dc: {  	v21 =	vmul.f32 v33, v32;
	v28 =	vmul.f32 v49, v48;
	v29 =	vld [tilespmem:s0+$0xF0];
	v6 =	vadd.f32 v7, v6  }
0x2dd: {  	v30 =	vmul.f32 v53, v52;
	v7 =	vadd.f32 v10, v9;
	v9 =	vld [tilespmem:s0+$0xB0];
	v10 =	vadd.f32 v13, v12  }
0x2de: {  	v12 =	vadd.f32 v16, v15;
	v13 =	vld [tilespmem:s12+$0xC0];
	v15 =	vmul.f32 v25, v24;
	v20 =	vadd.f32 v21, v20  }
0x2df: {  	v16 =	vld [tilespmem:s0+$0xC0];
	v21 =	vmul.f32 v39, v38;
	v24 =	vmul.f32 v41, v40;
	v6 =	vadd.f32 v7, v6  }
0x2e0: {  	v25 =	vld [tilespmem:s0+$0xE0];
	v7 =	vmul.f32 v23, v22;
	v10 =	vadd.f32 v12, v10;
	v12 =	vmul.f32 v27, v26  }
0x2e1: {  	v22 =	vmul.f32 v35, v34;
	v23 =	vmul.f32 v37, v36;
	v27 =	vld [tilespmem:s12+$0xF0]  }
0x2e2: {  	v26 =	vmul.f32 v45, v44;
	v21 =	vadd.f32 v24, v21;
	v7 =	vadd.f32 v15, v7;
	v15 =	vld [tilespmem:s0+$0xD0]  }
0x2e3: {  	v24 =	vmul.f32 v55, v54;
	v8 =	vmul.f32 v8, v56;
	v12 =	vadd.f32 v18, v12;
	v18 =	vld [tilespmem:s12+$0xE0]  }
0x2e4: {  	v11 =	vmul.f32 v14, v11;
	v22 =	vadd.f32 v23, v22;
	v23 =	vmul.f32 v43, v42  }
0x2e5: {  	v9 =	vmul.f32 v9, v17;
	v13 =	vmul.f32 v16, v13;
	v8 =	vadd.f32 v8, v24  }
0x2e6: {  	v7 =	vadd.f32 v12, v7;
	v12 =	vmul.f32 v47, v46;
	v20 =	vadd.f32 v22, v20  }
0x2e7: {  	v22 =	vmul.f32 v51, v50;
	v23 =	vadd.f32 v26, v23;
	v17 =	vmul.f32 v29, v27  }
0x2e8: {  	v9 =	vadd.f32 v9, v11;
	v14 =	vmul.f32 v15, v19;
	v16 =	vmul.f32 v25, v18  }
0x2e9: {  	v12 =	vadd.f32 v28, v12;
	v15 =	vadd.f32 v30, v22  }
0x2ea: {  	v11 =	vadd.f32 v14, v13;
	v13 =	vadd.f32 v17, v16  }
0x2eb: {  	v8 =	vadd.f32 v9, v8;
	v14 =	vadd.f32 v23, v21  }
0x2ec: {  	v12 =	vadd.f32 v15, v12;
	v9 =	vadd.f32 v13, v11  }
0x2ed: {  	v6 =	vadd.f32 v10, v6;
	v7 =	vadd.f32 v20, v7  }
0x2ee: {  	v10 =	vadd.f32 v12, v14;
	v8 =	vadd.f32 v9, v8  }
0x2ef: {  	v11 =	vperm.xlane v7, v0;
	v9 =	vperm.xlane v6, v0  }
0x2f0: {  	v12 =	vperm.xlane v10, v0;
	v13 =	vperm.xlane v8, v0  }
0x2f1: {  	v7 =	vadd.f32 v11, v7;
	v6 =	vadd.f32 v9, v6  }
0x2f2: {  	v9 =	vadd.f32 v12, v10;
	v8 =	vadd.f32 v13, v8;
	_ =	sdelay $0x1  }
0x2f3: {  	v6 =	vsel vm1, v6, v7;
	v7 =	vsel vm1, v9, v8  }
0x2f4: {  	v8 =	vperm.xlane v6, v3;
	v9 =	vperm.xlane v7, v3;
	_ =	sdelay $0x1  }
0x2f5: {  	v6 =	vadd.f32 v8, v6;
	v7 =	vadd.f32 v9, v7;
	_ =	sdelay $0x1  }
0x2f6: {  	v6 =	vsel vm0, v6, v7  }
0x2f7: {  	v7 =	vperm.xlane v6, v1;
	_ =	sdelay $0x1  }
0x2f8: {  	v6 =	vadd.f32 v6, v7;
	_ =	sdelay $0x1  }
0x2f9: {  	v7 =	vperm.xlane v6, v2;
	_ =	sdelay $0x1  }
0x2fa: {  	s18 =	simm.s32 $0x0;
	v6 =	vadd.f32 v6, v7  }
0x2fb: {  	s19 =	sand.u32 $0x3, s18  }
0x2fc: {  	p1 =	seq.s32 s19, $0x0;
	v8 =	vmov s19;
	v7 =	vimm.f32 $0.0e+00;
	v6 =	vperm.xlane v6, v5  }
0x2fd: {  	vm2 =	veq.s32 v8, v4;
	v7 =	vpsel p1, $0x0, v7  }
0x2fe: {  	s20 =	sand.u32 $0x70, s18;
	v6 =	vsel vm2, v6, v7  }
0x2ff: {  	s12 =	simm.s32 $0x6500;
	[tilespmem:s20+$0xC200] =	vst v6  }
0x300: {  	s16 =	simm.s32 $0x500;
	v14 =	vld [tilespmem:s12+$0xFFFFFF00]  }
0x301: {  	v15 =	vld [tilespmem:s16+$0xFFFFFF00]  }
0x302: {  	v16 =	vld [tilespmem:s16+$0xFFFFFF10]  }
0x303: {  	v17 =	vld [tilespmem:s12+$0xFFFFFF10]  }
0x304: {  	v18 =	vld [tilespmem:s16+$0xFFFFFF20]  }
0x305: {  	v19 =	vld [tilespmem:s12+$0xFFFFFF20]  }
0x306: {  	v20 =	vld [tilespmem:s16+$0xFFFFFF30]  }
0x307: {  	v21 =	vld [tilespmem:s12+$0xFFFFFF30]  }
0x308: {  	v22 =	vld [tilespmem:s16+$0xFFFFFF40]  }
0x309: {  	v23 =	vld [tilespmem:s12+$0xFFFFFF40]  }
0x30a: {  	v24 =	vld [tilespmem:s16+$0xFFFFFF50]  }
0x30b: {  	v25 =	vld [tilespmem:s12+$0xFFFFFF50]  }
0x30c: {  	v26 =	vld [tilespmem:s16+$0xFFFFFF60]  }
0x30d: {  	v27 =	vld [tilespmem:s12+$0xFFFFFF60]  }
0x30e: {  	v28 =	vld [tilespmem:s16+$0xFFFFFF70]  }
0x30f: {  	v29 =	vld [tilespmem:s12+$0xFFFFFF70]  }
0x310: {  	v30 =	vld [tilespmem:s16+$0xFFFFFF80]  }
0x311: {  	v31 =	vld [tilespmem:s12+$0xFFFFFF80]  }
0x312: {  	v32 =	vld [tilespmem:s16+$0xFFFFFF90]  }
0x313: {  	v33 =	vld [tilespmem:s12+$0xFFFFFF90]  }
0x314: {  	v34 =	vld [tilespmem:s16+$0xFFFFFFA0]  }
0x315: {  	v35 =	vld [tilespmem:s12+$0xFFFFFFA0]  }
0x316: {  	v36 =	vld [tilespmem:s16+$0xFFFFFFB0]  }
0x317: {  	v37 =	vld [tilespmem:s12+$0xFFFFFFB0]  }
0x318: {  	v38 =	vld [tilespmem:s16+$0xFFFFFFC0]  }
0x319: {  	v39 =	vld [tilespmem:s12+$0xFFFFFFC0]  }
0x31a: {  	v40 =	vld [tilespmem:s16+$0xFFFFFFD0]  }
0x31b: {  	v41 =	vld [tilespmem:s12+$0xFFFFFFD0]  }
0x31c: {  	v42 =	vld [tilespmem:s16+$0xFFFFFFE0]  }
0x31d: {  	v62 =	vld [tilespmem:s12+$0xFFFFFFE0]  }
0x31e: {  	v44 =	vld [tilespmem:s16+$0xFFFFFFF0]  }
0x31f: {  	v63 =	vld [tilespmem:s12+$0xFFFFFFF0]  }
0x320: {  	v46 =	vld [tilespmem:s16+$0x0]  }
0x321: {  	v47 =	vld [tilespmem:s12+$0x0]  }
0x322: {  	v48 =	vld [tilespmem:s16+$0x10]  }
0x323: {  	v49 =	vld [tilespmem:s12+$0x10]  }
0x324: {  	v50 =	vld [tilespmem:s16+$0x20]  }
0x325: {  	v51 =	vld [tilespmem:s12+$0x20]  }
0x326: {  	v52 =	vld [tilespmem:s16+$0x30]  }
0x327: {  	v53 =	vld [tilespmem:s12+$0x30]  }
0x328: {  	v54 =	vld [tilespmem:s16+$0x40]  }
0x329: {  	v60 =	vld [tilespmem:s12+$0x40]  }
0x32a: {  	v61 =	vld [tilespmem:s16+$0x50]  }
0x32b: {  	v57 =	vld [tilespmem:s12+$0x50]  }
0x32c: {  	v7 =	vld [tilespmem:s16+$0x60]  }
0x32d: {  	v8 =	vld [tilespmem:s12+$0x60]  }
0x32e: {  	v9 =	vld [tilespmem:s16+$0x70]  }
0x32f: {  	v11 =	vld [tilespmem:s12+$0x70]  }
0x330: {  	v10 =	vld [tilespmem:s16+$0x80]  }
0x331: {  	v12 =	vld [tilespmem:s12+$0x80]  }
0x332: {  	v13 =	vld [tilespmem:s16+$0x90]  }
0x333: {  	v14 =	vmul.f32 v14, v15;
	v17 =	vmul.f32 v17, v16;
	v15 =	vld [tilespmem:s12+$0x90]  }
0x334: {  	v58 =	vmul.f32 v19, v18;
	v20 =	vmul.f32 v21, v20;
	v16 =	vld [tilespmem:s16+$0xA0]  }
0x335: {  	v21 =	vmul.f32 v23, v22;
	v22 =	vmul.f32 v25, v24;
	v18 =	vld [tilespmem:s12+$0xA0]  }
0x336: {  	v23 =	vmul.f32 v27, v26;
	v24 =	vmul.f32 v29, v28;
	v19 =	vld [tilespmem:s16+$0xB0]  }
0x337: {  	v26 =	vmul.f32 v33, v32;
	v14 =	vadd.f32 v17, v14;
	v17 =	vadd.f32 v20, v58;
	v20 =	vld [tilespmem:s12+$0xB0]  }
0x338: {  	v27 =	vmul.f32 v35, v34;
	v28 =	vmul.f32 v37, v36;
	v25 =	vadd.f32 v22, v21;
	v21 =	vld [tilespmem:s16+$0xC0]  }
0x339: {  	v29 =	vmul.f32 v39, v38;
	v62 =	vmul.f32 v62, v42;
	v22 =	vld [tilespmem:s12+$0xC0]  }
0x33a: {  	v63 =	vmul.f32 v63, v44;
	v23 =	vadd.f32 v24, v23;
	v35 =	vadd.f32 v28, v27;
	v27 =	vld [tilespmem:s12+$0xE0]  }
0x33b: {  	v32 =	vmul.f32 v51, v50;
	v24 =	vmul.f32 v31, v30;
	v28 =	vld [tilespmem:s16+$0xF0]  }
0x33c: {  	v30 =	vmul.f32 v41, v40;
	v14 =	vadd.f32 v17, v14;
	v17 =	vadd.f32 v23, v25;
	v23 =	vld [tilespmem:s16+$0xD0]  }
0x33d: {  	v33 =	vmul.f32 v53, v52;
	v36 =	vmul.f32 v57, v61;
	v24 =	vadd.f32 v26, v24;
	v25 =	vld [tilespmem:s12+$0xD0]  }
0x33e: {  	v31 =	vmul.f32 v49, v48;
	v37 =	vadd.f32 v63, v62;
	v26 =	vld [tilespmem:s16+$0xE0];
	v34 =	vadd.f32 v30, v29  }
0x33f: {  	s15 =	simm.s32 $0x1;
	s0 =	simm.s32 $0x2;
	v30 =	vmul.f32 v47, v46;
	v29 =	vld [tilespmem:s12+$0xF0];
	v24 =	vadd.f32 v35, v24;
	v35 =	vmul.f32 v60, v54  }
.LBB2_8:
0x340: {  	p1 =	sne.s32 s0, $0x17;
	v34 =	vadd.f32 v37, v34;
	v7 =	vmul.f32 v8, v7;
	v8 =	vmul.f32 v11, v9  }
0x341: {  	v9 =	vadd.f32 v31, v30;
	v10 =	vmul.f32 v12, v10;
	v11 =	vmul.f32 v15, v13  }
0x342: {  	v12 =	vadd.f32 v33, v32;
	v13 =	vmul.f32 v18, v16;
	v15 =	vmul.f32 v20, v19  }
0x343: {  	v18 =	vmul.f32 v22, v21;
	v19 =	vmul.f32 v25, v23;
	v16 =	vadd.f32 v36, v35  }
0x344: {  	v7 =	vadd.f32 v8, v7;
	v8 =	vmul.f32 v27, v26;
	v20 =	vmul.f32 v29, v28  }
0x345: {  	v10 =	vadd.f32 v11, v10;
	v11 =	vadd.f32 v15, v13  }
0x346: {  	v13 =	vadd.f32 v19, v18;
	v8 =	vadd.f32 v20, v8  }
0x347: {  	v9 =	vadd.f32 v12, v9;
	v7 =	vadd.f32 v7, v16  }
0x348: {  	v10 =	vadd.f32 v11, v10;
	v8 =	vadd.f32 v8, v13  }
0x349: {  	v12 =	vadd.f32 v34, v24;
	v11 =	vadd.f32 v17, v14  }
0x34a: {  	v7 =	vadd.f32 v7, v9;
	v8 =	vadd.f32 v8, v10  }
0x34b: {  	v9 =	vperm.xlane v11, v0;
	v10 =	vperm.xlane v12, v0  }
0x34c: {  	v13 =	vperm.xlane v7, v0;
	v14 =	vperm.xlane v8, v0  }
0x34d: {  	v9 =	vadd.f32 v9, v11;
	v10 =	vadd.f32 v10, v12  }
0x34e: {  	v7 =	vadd.f32 v13, v7;
	v8 =	vadd.f32 v14, v8;
	_ =	sdelay $0x1  }
0x34f: {  	v9 =	vsel vm1, v9, v10;
	v7 =	vsel vm1, v7, v8  }
0x350: {  	v8 =	vperm.xlane v9, v3;
	v10 =	vperm.xlane v7, v3;
	_ =	sdelay $0x1  }
0x351: {  	v8 =	vadd.f32 v8, v9;
	v7 =	vadd.f32 v10, v7;
	_ =	sdelay $0x1  }
0x352: {  	v7 =	vsel vm0, v8, v7  }
0x353: {  	v8 =	vperm.xlane v7, v1;
	_ =	sdelay $0x1  }
0x354: {  	v7 =	vadd.f32 v7, v8;
	_ =	sdelay $0x1  }
0x355: {  	v8 =	vperm.xlane v7, v2;
	_ =	sdelay $0x1  }
0x356: {  	v7 =	vadd.f32 v7, v8  }
0x357: {  	s2 =	sand.u32 $0x3, s15;
	s15 =	smov.u32 s0  }
0x358: {  	p2 =	seq.s32 s2, $0x0;
	v8 =	vmov s2;
	v7 =	vperm.xlane v7, v5  }
0x359: {  	s18 =	sadd.s32 $0x4, s18;
	v6 =	vpsel p2, $0x0, v6;
	vm2 =	veq.s32 v8, v4  }
0x35a: {  	s2 =	sand.u32 $0x70, s18;
	v6 =	vsel vm2, v7, v6  }
0x35b: {  	s12 =	sadd.s32 $0x200, s12;
	[tilespmem:s2+$0xC200] =	vst v6  }
0x35c: {  	s16 =	sadd.s32 $0x200, s16;
	v14 =	vld [tilespmem:s12+$0xFFFFFF00]  }
0x35d: {  	v15 =	vld [tilespmem:s16+$0xFFFFFF00]  }
0x35e: {  	v16 =	vld [tilespmem:s16+$0xFFFFFF10]  }
0x35f: {  	v17 =	vld [tilespmem:s12+$0xFFFFFF10]  }
0x360: {  	v18 =	vld [tilespmem:s16+$0xFFFFFF20]  }
0x361: {  	v19 =	vld [tilespmem:s12+$0xFFFFFF20]  }
0x362: {  	v20 =	vld [tilespmem:s16+$0xFFFFFF30]  }
0x363: {  	v21 =	vld [tilespmem:s12+$0xFFFFFF30]  }
0x364: {  	v22 =	vld [tilespmem:s16+$0xFFFFFF40]  }
0x365: {  	v23 =	vld [tilespmem:s12+$0xFFFFFF40]  }
0x366: {  	v24 =	vld [tilespmem:s16+$0xFFFFFF50]  }
0x367: {  	v25 =	vld [tilespmem:s12+$0xFFFFFF50]  }
0x368: {  	v26 =	vld [tilespmem:s16+$0xFFFFFF60]  }
0x369: {  	v27 =	vld [tilespmem:s12+$0xFFFFFF60]  }
0x36a: {  	v28 =	vld [tilespmem:s16+$0xFFFFFF70]  }
0x36b: {  	v29 =	vld [tilespmem:s12+$0xFFFFFF70]  }
0x36c: {  	v30 =	vld [tilespmem:s16+$0xFFFFFF80]  }
0x36d: {  	v31 =	vld [tilespmem:s12+$0xFFFFFF80]  }
0x36e: {  	v32 =	vld [tilespmem:s16+$0xFFFFFF90]  }
0x36f: {  	v33 =	vld [tilespmem:s12+$0xFFFFFF90]  }
0x370: {  	v34 =	vld [tilespmem:s16+$0xFFFFFFA0]  }
0x371: {  	v35 =	vld [tilespmem:s12+$0xFFFFFFA0]  }
0x372: {  	v36 =	vld [tilespmem:s16+$0xFFFFFFB0]  }
0x373: {  	v37 =	vld [tilespmem:s12+$0xFFFFFFB0]  }
0x374: {  	v38 =	vld [tilespmem:s16+$0xFFFFFFC0]  }
0x375: {  	v39 =	vld [tilespmem:s12+$0xFFFFFFC0]  }
0x376: {  	v40 =	vld [tilespmem:s16+$0xFFFFFFD0]  }
0x377: {  	v41 =	vld [tilespmem:s12+$0xFFFFFFD0]  }
0x378: {  	v42 =	vld [tilespmem:s16+$0xFFFFFFE0]  }
0x379: {  	v43 =	vld [tilespmem:s12+$0xFFFFFFE0]  }
0x37a: {  	v44 =	vld [tilespmem:s16+$0xFFFFFFF0]  }
0x37b: {  	v45 =	vld [tilespmem:s12+$0xFFFFFFF0]  }
0x37c: {  	v46 =	vld [tilespmem:s16+$0x0]  }
0x37d: {  	v47 =	vld [tilespmem:s12+$0x0]  }
0x37e: {  	v48 =	vld [tilespmem:s16+$0x10]  }
0x37f: {  	v49 =	vld [tilespmem:s12+$0x10]  }
0x380: {  	v50 =	vld [tilespmem:s16+$0x20]  }
0x381: {  	v51 =	vld [tilespmem:s12+$0x20]  }
0x382: {  	v52 =	vld [tilespmem:s16+$0x30]  }
0x383: {  	v53 =	vld [tilespmem:s12+$0x30]  }
0x384: {  	v54 =	vld [tilespmem:s16+$0x40]  }
0x385: {  	v55 =	vld [tilespmem:s12+$0x40]  }
0x386: {  	v56 =	vld [tilespmem:s16+$0x50]  }
0x387: {  	v57 =	vld [tilespmem:s12+$0x50]  }
0x388: {  	v7 =	vld [tilespmem:s16+$0x60]  }
0x389: {  	v8 =	vld [tilespmem:s12+$0x60]  }
0x38a: {  	v9 =	vld [tilespmem:s16+$0x70]  }
0x38b: {  	v11 =	vld [tilespmem:s12+$0x70]  }
0x38c: {  	v10 =	vld [tilespmem:s16+$0x80]  }
0x38d: {  	v12 =	vld [tilespmem:s12+$0x80]  }
0x38e: {  	v13 =	vld [tilespmem:s16+$0x90]  }
0x38f: {  	v14 =	vmul.f32 v14, v15;
	v17 =	vmul.f32 v17, v16;
	v15 =	vld [tilespmem:s12+$0x90]  }
0x390: {  	v58 =	vmul.f32 v19, v18;
	v20 =	vmul.f32 v21, v20;
	v16 =	vld [tilespmem:s16+$0xA0]  }
0x391: {  	v21 =	vmul.f32 v23, v22;
	v22 =	vmul.f32 v25, v24;
	v18 =	vld [tilespmem:s12+$0xA0]  }
0x392: {  	v23 =	vmul.f32 v27, v26;
	v24 =	vmul.f32 v29, v28;
	v19 =	vld [tilespmem:s16+$0xB0]  }
0x393: {  	v14 =	vadd.f32 v17, v14;
	v17 =	vadd.f32 v20, v58;
	v20 =	vld [tilespmem:s12+$0xB0]  }
0x394: {  	v25 =	vadd.f32 v22, v21;
	v23 =	vadd.f32 v24, v23;
	v21 =	vld [tilespmem:s16+$0xC0]  }
0x395: {  	v14 =	vadd.f32 v17, v14;
	v24 =	vmul.f32 v31, v30;
	v26 =	vmul.f32 v33, v32;
	v22 =	vld [tilespmem:s12+$0xC0]  }
0x396: {  	v17 =	vadd.f32 v23, v25;
	v27 =	vmul.f32 v35, v34;
	v28 =	vmul.f32 v37, v36;
	v23 =	vld [tilespmem:s16+$0xD0]  }
.Ltmp3:
0x397: {  	v24 =	vadd.f32 v26, v24;
	v29 =	vmul.f32 v39, v38;
	v30 =	vmul.f32 v41, v40;
	v25 =	vld [tilespmem:s12+$0xD0];
	(pc) =	sbr.rel @p1 .LBB2_8-.Ltmp3, $4  }
0x398: {  	v35 =	vadd.f32 v28, v27;
	v32 =	vmul.f32 v43, v42;
	v33 =	vmul.f32 v45, v44;
	v26 =	vld [tilespmem:s16+$0xE0]  }
0x399: {  	v34 =	vadd.f32 v30, v29;
	v30 =	vmul.f32 v47, v46;
	v31 =	vmul.f32 v49, v48;
	v27 =	vld [tilespmem:s12+$0xE0]  }
0x39a: {  	v37 =	vadd.f32 v33, v32;
	v32 =	vmul.f32 v51, v50;
	v33 =	vmul.f32 v53, v52;
	v28 =	vld [tilespmem:s16+$0xF0]  }
0x39b: {  	s0 =	sadd.s32 $0x1, s0;
	v24 =	vadd.f32 v35, v24;
	v35 =	vmul.f32 v55, v54;
	v36 =	vmul.f32 v57, v56;
	v29 =	vld [tilespmem:s12+$0xF0]  }
0x39c: {  	v34 =	vadd.f32 v37, v34;
	v7 =	vmul.f32 v8, v7;
	v42 =	vmul.f32 v11, v9  }
0x39d: {  	v43 =	vadd.f32 v31, v30;
	v10 =	vmul.f32 v12, v10;
	v44 =	vmul.f32 v15, v13  }
0x39e: {  	v45 =	vadd.f32 v33, v32;
	v46 =	vmul.f32 v18, v16;
	v47 =	vmul.f32 v20, v19  }
0x39f: {  	v49 =	vmul.f32 v22, v21;
	v50 =	vmul.f32 v25, v23;
	v48 =	vadd.f32 v36, v35  }
0x3a0: {  	v7 =	vadd.f32 v42, v7;
	v51 =	vmul.f32 v27, v26;
	v52 =	vmul.f32 v29, v28  }
0x3a1: {  	v10 =	vadd.f32 v44, v10;
	v53 =	vadd.f32 v47, v46  }
0x3a2: {  	v54 =	vadd.f32 v50, v49;
	v8 =	vadd.f32 v52, v51  }
0x3a3: {  	v9 =	vadd.f32 v45, v43;
	v7 =	vadd.f32 v7, v48  }
0x3a4: {  	v10 =	vadd.f32 v53, v10;
	v8 =	vadd.f32 v8, v54  }
0x3a5: {  	v55 =	vadd.f32 v17, v14;
	v56 =	vadd.f32 v34, v24  }
0x3a6: {  	v7 =	vadd.f32 v7, v9;
	v8 =	vadd.f32 v8, v10  }
0x3a7: {  	v57 =	vperm.xlane v55, v0;
	v58 =	vperm.xlane v56, v0  }
0x3a8: {  	v59 =	vperm.xlane v7, v0;
	v60 =	vperm.xlane v8, v0  }
0x3a9: {  	v9 =	vadd.f32 v57, v55;
	v10 =	vadd.f32 v58, v56  }
0x3aa: {  	v7 =	vadd.f32 v59, v7;
	v8 =	vadd.f32 v60, v8;
	_ =	sdelay $0x1  }
0x3ab: {  	v9 =	vsel vm1, v9, v10;
	v7 =	vsel vm1, v7, v8  }
0x3ac: {  	v61 =	vperm.xlane v9, v3;
	v62 =	vperm.xlane v7, v3;
	_ =	sdelay $0x1  }
0x3ad: {  	v8 =	vadd.f32 v61, v9;
	v7 =	vadd.f32 v62, v7;
	_ =	sdelay $0x1  }
0x3ae: {  	v7 =	vsel vm0, v8, v7  }
0x3af: {  	v8 =	vperm.xlane v7, v1;
	_ =	sdelay $0x1  }
0x3b0: {  	v7 =	vadd.f32 v7, v8;
	_ =	sdelay $0x1  }
0x3b1: {  	v8 =	vperm.xlane v7, v2;
	_ =	sdelay $0x1  }
0x3b2: {  	v7 =	vadd.f32 v7, v8  }
0x3b3: {  	s0 =	sand.u32 $0x3, s15  }
0x3b4: {  	p1 =	seq.s32 s0, $0x0;
	v63 =	vmov s0;
	v7 =	vperm.xlane v7, v5  }
0x3b5: {  	s16 =	sadd.s32 $0x4, s18;
	v6 =	vpsel p1, $0x0, v6;
	vm2 =	veq.s32 v63, v4  }
0x3b6: {  	s0 =	sand.u32 $0x70, s16;
	v6 =	vsel vm2, v7, v6  }
0x3b7: {  	s18 =	rddreg [dreg:$0xb];
	s19 =	simm.s32 $0x6;
	[tilespmem:s0+$0xC200] =	vst v6  }
0x3b8: {  	[hbm4b:s18+s5] =	stream.linear.scatter [tilespmem:s8], [sflag:$0x5], $0x60, $0x38;
	[tilespmem:$0x1FB80] =	vst v63  }
0x3b9: {  	_ =	swait.ge [sflag:s19], $0x60  }
0x3ba: {  	[sflag:s19] =	ssyncset.done $0x0  }
0x3bb: {  	[sflag:s19] =	ssyncadd.s32 $0xFFFFFFA0  }
0x3bc: {  	_ =	swait.ge [sflag:s17], $0x60  }
0x3bd: {  	s2 =	rddreg [dreg:$0x10]  }
0x3be: {  	s20 =	rddreg [dreg:$0xc];
	s2 =	sadd.s32 $0x1, s2  }
0x3bf: {  	p1 =	sne.s32 s2, s20  }
.Ltmp4:
0x3c0: {  	_ = 	snop;
	(pc) =	sbr.rel @p1 .LBB2_1-.Ltmp4, $3  }
0x3c1: {  	_ =	sdelay $0x1  }
0x3c2: {  	[sflag:s17] =	ssyncset.done $0x0  }
0x3c3: {  	[sflag:s17] =	ssyncadd.s32 $0xFFFFFFA0  }
0x3c4: {  	_ =	sfence.sel $0x180000  }
0x3c5: {  	[bflag:$0x0] =	sbarrier.arrive $0xFFFF  }
0x3c6: {  	_ =	strace $0x90000047  }
0x3c7: {  	s0 =	stileid.u32;
	[bflag:$0x2] =	sbarrier.arrive $0xFFFF  }
0x3c8: {  	p0 =	sne.s32 s0, $0x0;
	s0 =	rddreg [dreg:$0x4]  }
0x3c9: {  	s0 =	sadd.s32 @!p0 $0x100000, s0  }
0x3ca: {  	[sflag:s0] =	ssyncadd.tile.s32 @!p0 $0x1;
	_ =	shalt  }
.Lfunc_end2:
_tile_overlayer_lowered:
.L_overlay_start_2:
0x3cb: {  	(tag) =	ssettag $0x2  }
0x3cc: {  	s0 =	rddreg [dreg:$0x0];
	s2 =	stileid.u32  }
0x3cd: {  	s1 =	rddreg [dreg:$0x1];
	p0 =	sne.s32 s2, $0x0  }
0x3ce: {  	s3 =	rddreg [dreg:$0x2];
	[bflag:$0x3] =	sbarrier.arrive $0xFFFF;
	s2 =	simm.s32 @!p0 $0x1C09  }
0x3cf: {  	[timem:s3], [sflag:s2] =	dma.local @!p0 [hbm:s0], s1  }
0x3d0: {  	s0 =	simm.s32 @!p0 $0x9  }
0x3d1: {  	_ =	swait.ge @!p0 [sflag:s0], s1  }
0x3d2: {  	s1 =	ssub.s32 @!p0 $0x0, s1;
	[sflag:s0] =	ssyncset.done @!p0 $0x0  }
0x3d3: {  	[sflag:s0] =	ssyncadd.s32 @!p0 s1  }
0x3d4: {  	[bflag:$0x3] =	sbarrier.arrive $0xFFFF  }
0x3d5: {  	_ =	shalt  }

</sc_bundles>
